<compile_context>
chip_gen: v7x
topology: tpu7x:2x2x1
jax: 0.10.2.dev20260603
libtpu: 0.0.44.dev20260713+nightly
codegen_flags: <defaults>
</compile_context>

<pallas_src>
import functools

import jax
import jax.numpy as jnp
from jax import lax
from jax.experimental import pallas as pl
from jax.experimental.pallas import tpu as pltpu
from jax.experimental.pallas import tpu_sc as plsc

_HOTN = 30000
_P = 7
_HS1 = 140000
_HS2 = 60001
_D = 128
_B = 4096
_N = 50

_NC = 2
_NS = 16
_NW = _NC * _NS
_E = _B * _N
_EPW = _E // _NW
_BPW = _B // _NW
_BLK = 128
_NBLK = _EPW // _BLK
_ACC_STRIDE = _BPW + 1


def _body(idx_hbm, wh_hbm, w1_hbm, w2_hbm, out_hbm,
          idx_v, ih_v, dh_v, i1_v, i2_v, dc_v, rows_v, acc_sh, sem, sem2, sem3):
    cid = lax.axis_index("c")
    sid = lax.axis_index("s")
    gid = cid * _NS + sid
    base_e = gid * _EPW
    base_a = sid * _ACC_STRIDE
    trash = base_a + _BPW

    pltpu.sync_copy(idx_hbm.at[pl.ds(base_e, _EPW)], idx_v)

    def build(s, _):
        for g in range(_BLK // 16):
            lanes = jnp.int32(g * 16) + lax.iota(jnp.int32, 16)
            idx = idx_v[pl.ds(s * _BLK + g * 16, 16)]
            hot = idx < _HOTN
            h1 = (idx * _P) % _HS1
            h2 = (idx * _P + 3) % _HS2
            bag = base_a + lanes
            t16 = jnp.full((16,), trash, jnp.int32)
            ih_v[s, pl.ds(g * 16, 16)] = jnp.where(hot, idx, 0)
            dh_v[s, pl.ds(g * 16, 16)] = jnp.where(hot, bag, t16)
            i1_v[s, pl.ds(g * 16, 16)] = h1
            i2_v[s, pl.ds(g * 16, 16)] = h2
            dc_v[s, pl.ds(g * 16, 16)] = jnp.where(hot, t16, bag)
        return 0

    lax.fori_loop(0, _NBLK, build, 0)

    zeros16 = jnp.zeros((16,), jnp.float32)
    def zero(r, _):
        for j in range(_D // 16):
            rows_v[0, r, pl.ds(j * 16, 16)] = zeros16
        return 0
    lax.fori_loop(0, _BLK, zero, 0)
    pltpu.sync_copy(rows_v.at[0], acc_sh.at[pl.ds(base_a, _BLK)])
    pltpu.sync_copy(rows_v.at[0, pl.ds(0, 1)], acc_sh.at[pl.ds(trash, 1)])

    def step(blk, _):
        c1 = pltpu.async_copy(wh_hbm.at[ih_v.at[blk]], rows_v.at[0], sem)
        c2 = pltpu.async_copy(w1_hbm.at[i1_v.at[blk]], rows_v.at[1], sem2)
        c3 = pltpu.async_copy(w2_hbm.at[i2_v.at[blk]], rows_v.at[2], sem3)
        c1.wait()
        c2.wait()
        c3.wait()
        pltpu.sync_copy(rows_v.at[0], acc_sh.at[dh_v.at[blk]], add=True)
        pltpu.sync_copy(rows_v.at[1], acc_sh.at[dc_v.at[blk]], add=True)
        pltpu.sync_copy(rows_v.at[2], acc_sh.at[dc_v.at[blk]], add=True)
        return 0

    lax.fori_loop(0, _NBLK, step, 0)

    pltpu.sync_copy(acc_sh.at[pl.ds(base_a, _BPW)],
                    out_hbm.at[pl.ds(gid * _BPW, _BPW)])


@jax.jit
def _run(idx_flat, weight_high, weight_hash, weight_hash2):
    mesh = plsc.VectorSubcoreMesh(core_axis_name="c", subcore_axis_name="s")
    kern = functools.partial(
        pl.kernel, mesh=mesh,
        out_type=jax.ShapeDtypeStruct((_B, _D), jnp.float32),
        scratch_types=[
            pltpu.VMEM((_EPW,), jnp.int32),
            pltpu.VMEM((_NBLK, _BLK), jnp.int32),
            pltpu.VMEM((_NBLK, _BLK), jnp.int32),
            pltpu.VMEM((_NBLK, _BLK), jnp.int32),
            pltpu.VMEM((_NBLK, _BLK), jnp.int32),
            pltpu.VMEM((_NBLK, _BLK), jnp.int32),
            pltpu.VMEM((3, _BLK, _D), jnp.float32),
            pltpu.VMEM_SHARED((_NS * _ACC_STRIDE, _D), jnp.float32),
            pltpu.SemaphoreType.DMA,
            pltpu.SemaphoreType.DMA,
            pltpu.SemaphoreType.DMA,
        ],
    )(_body)
    return kern(idx_flat, weight_high, weight_hash, weight_hash2)


def kernel(input, weight_high, weight_hash, weight_hash2):
    idx = jnp.reshape(input.astype(jnp.int32), (_NW, _BPW, _N))
    idx_flat = jnp.reshape(jnp.transpose(idx, (0, 2, 1)), (_E,))
    return _run(idx_flat, weight_high, weight_hash, weight_hash2)

# --- scband reference (transcript-rebuilt; emitter-appended) ---
"""Pipeline reference for scband-mlembedding-bag-31825707664000 (READ-ONLY COPY).

The authoritative reference and input builder live on the scoring server;
editing this copy changes nothing except your own understanding.
"""

import jax, jax.numpy as jnp
import numpy as np

# Module constants derived from init_kwargs
HOTN = 30000            # hotn: number of 'hot' categories stored in full-precision table (weight_high)
P = 7                   # self.p hash multiplier
HASH_SIZE = 200000
LEVEL_RATE = 0.7
HS1 = int(np.ceil(HASH_SIZE * LEVEL_RATE))        # 140000, weight_hash
HS2 = int(np.ceil(HASH_SIZE * (1 - LEVEL_RATE)))  # 60000,  weight_hash2
D = 128                 # embedding_dim
V = 1000000             # num_categories
B = 4096
N = 50                  # bag length


def setup_inputs(seed: int = 0) -> dict:
    key = jax.random.key(seed)
    k1, k2, k3, k4 = jax.random.split(key, 4)
    scale = 1.0 / np.sqrt(V)
    indices = jax.random.randint(k1, (B, N), 0, V, dtype=jnp.int32)
    weight_high = jax.random.uniform(k2, (HOTN, D), dtype=jnp.float32, minval=-scale, maxval=scale)
    weight_hash = jax.random.uniform(k3, (HS1, D), dtype=jnp.float32, minval=-scale, maxval=scale)
    weight_hash2 = jax.random.uniform(k4, (HS2, D), dtype=jnp.float32, minval=-scale, maxval=scale)
    return {
        "input": indices,
        "weight_high": weight_high,
        "weight_hash": weight_hash,
        "weight_hash2": weight_hash2,
    }


def reference(input, weight_high, weight_hash, weight_hash2):
    # MLEmbeddingBag forward (sketch/ctypes frequency counter replaced by a
    # deterministic hot-set rule: idx < HOTN => hot / full table; otherwise
    # two-level hashed embedding combined additively).
    idx = input.astype(jnp.int32)
    is_hot = idx < HOTN

    # Hot path: direct lookup into the high-frequency table.
    hot_idx = jnp.where(is_hot, idx, 0)
    emb_hot = jnp.take(weight_high, hot_idx, axis=0)          # [B, N, D]

    # Cold path: two-level hash embedding (level-1 + level-2 tables).
    h1 = (idx * P) % HS1
    h2 = (idx * P + 3) % HS2
    emb_cold = jnp.take(weight_hash, h1, axis=0) + jnp.take(weight_hash2, h2, axis=0)

    emb = jnp.where(is_hot[..., None], emb_hot, emb_cold)     # [B, N, D]
    # EmbeddingBag with mode='sum' over fixed-length bags (dim=1)
    out = jnp.sum(emb, axis=1)                                # [B, D]
    return out

if __name__ == "__main__":
    import jax
    _d = setup_inputs()
    print(jax.jit(kernel)(*tuple(_d.values())))

</pallas_src>

<mosaic_0001>
#map = affine_map<(d0, d1) -> (0)>
#map1 = affine_map<(d0, d1) -> (0, 0)>
module attributes {stable_mosaic.version = 14 : i64} {
  func.func @_body(%arg0: i32, %arg1: i32, %arg2: memref<204800xi32, #tpu.memory_space<hbm>>, %arg3: memref<30000x128xf32, #tpu.memory_space<hbm>>, %arg4: memref<140000x128xf32, #tpu.memory_space<hbm>>, %arg5: memref<60001x128xf32, #tpu.memory_space<hbm>>, %arg6: memref<4096x128xf32, #tpu.memory_space<hbm>>, %arg7: memref<6400xi32, #tpu.memory_space<vmem>>, %arg8: memref<50x128xi32, #tpu.memory_space<vmem>>, %arg9: memref<50x128xi32, #tpu.memory_space<vmem>>, %arg10: memref<50x128xi32, #tpu.memory_space<vmem>>, %arg11: memref<50x128xi32, #tpu.memory_space<vmem>>, %arg12: memref<50x128xi32, #tpu.memory_space<vmem>>, %arg13: memref<3x128x128xf32, #tpu.memory_space<vmem>>, %arg14: memref<2064x128xf32, #tpu.memory_space<vmem_shared>>, %arg15: memref<!tpu.dma_semaphore, #tpu.memory_space<semaphore_mem>>, %arg16: memref<!tpu.dma_semaphore, #tpu.memory_space<semaphore_mem>>, %arg17: memref<!tpu.dma_semaphore, #tpu.memory_space<semaphore_mem>>) attributes {dimension_semantics = [#tpu.dimension_semantics<core_parallel>, #tpu.dimension_semantics<subcore_parallel>], iteration_bounds = array<i64: 2, 16>, scalar_prefetch = 0 : i64, scratch_operands = 11 : i64, tpu.core_type = #tpu.core_type<sc_vector_subcore>, window_params = [{transform_indices = #map}, {transform_indices = #map1}, {transform_indices = #map1}, {transform_indices = #map1}, {transform_indices = #map1}]} {
    %mul3A = arith.constant 16 : i32
    %mul3A_0 = arith.muli %arg0, %mul3A : i32
    %add3A = arith.addi %mul3A_0, %arg1 : i32
    %mul3A_1 = arith.constant 6400 : i32
    %mul3A_2 = arith.muli %add3A, %mul3A_1 : i32
    %mul3A_3 = arith.constant 129 : i32
    %mul3A_4 = arith.muli %arg1, %mul3A_3 : i32
    %add3A_5 = arith.constant 128 : i32
    %add3A_6 = arith.addi %mul3A_4, %add3A_5 : i32
    "tpu.region"() ({
      %run_scoped3A_31 = tpu.sem_alloc : memref<!tpu.dma_semaphore, #tpu.memory_space<semaphore_mem>>
      %dma_start3A = tpu.memref_slice %arg2[%mul3A_2] : memref<204800xi32, #tpu.memory_space<hbm>> -> memref<6400xi32, #tpu.memory_space<hbm>>
      %dma_start3A_32 = tpu.memref_slice %arg2[%mul3A_2] : memref<204800xi32, #tpu.memory_space<hbm>> -> memref<6400xi32, #tpu.memory_space<hbm>>
      tpu.enqueue_dma source(%dma_start3A_32 : memref<6400xi32, #tpu.memory_space<hbm>>) target(%arg7 : memref<6400xi32, #tpu.memory_space<vmem>>) target_semaphore(%run_scoped3A_31 : memref<!tpu.dma_semaphore, #tpu.memory_space<semaphore_mem>>)
      %dma_wait3A = tpu.memref_slice %arg2[%mul3A_2] : memref<204800xi32, #tpu.memory_space<hbm>> -> memref<6400xi32, #tpu.memory_space<hbm>>
      %dma_wait3A_33 = tpu.memref_slice %arg2[%mul3A_2] : memref<204800xi32, #tpu.memory_space<hbm>> -> memref<6400xi32, #tpu.memory_space<hbm>>
      tpu.wait_dma2 semaphore(%run_scoped3A_31 : memref<!tpu.dma_semaphore, #tpu.memory_space<semaphore_mem>>) src(%dma_wait3A_33 : memref<6400xi32, #tpu.memory_space<hbm>>) dst(%arg7 : memref<6400xi32, #tpu.memory_space<vmem>>)
      tpu.yield
    }) : () -> ()
    %scan3A = arith.constant 0 : i32
    %scan3A_7 = arith.constant 0 : i32
    %scan3A_8 = arith.constant 50 : i32
    %scan3A_9 = arith.addi %scan3A_7, %scan3A_8 : i32
    %scan3A_10 = arith.constant 1 : i32
    %scan3A_11 = scf.for %scan3A_31 = %scan3A_7 to %scan3A_9 step %scan3A_10 iter_args(%scan3A_32 = %scan3A) -> (i32)  : i32 {
      %iota3A = tpu.iota {dimensions = array<i32: 0>} : vector<16xi32>
      %add3A_33 = arith.constant 0 : i32
      %add3A_34 = vector.broadcast %add3A_33 : i32 to vector<16xi32>
      %add3A_35 = arith.addi %add3A_34, %iota3A : vector<16xi32>
      %mul3A_36 = arith.constant 128 : i32
      %mul3A_37 = arith.muli %scan3A_31, %mul3A_36 : i32
      %add3A_38 = arith.constant 0 : i32
      %add3A_39 = arith.addi %mul3A_37, %add3A_38 : i32
      %get3A = arith.index_cast %add3A_39 : i32 to index
      %get3A_40 = tpu.vector_load %arg7[%get3A] {strides = array<i32>} : memref<6400xi32, #tpu.memory_space<vmem>>, vector<16xi32>,
      %get3A_41 = vector.shape_cast %get3A_40 : vector<16xi32> to vector<16xi32>
      %lt3A = arith.constant 30000 : i32
      %lt3A_42 = vector.broadcast %lt3A : i32 to vector<16xi32>
      %lt3A_43 = arith.cmpi slt, %get3A_41, %lt3A_42 : vector<16xi32>
      %mul3A_44 = arith.constant 7 : i32
      %mul3A_45 = vector.broadcast %mul3A_44 : i32 to vector<16xi32>
      %mul3A_46 = arith.muli %get3A_41, %mul3A_45 : vector<16xi32>
      %jit3A = arith.constant 140000 : i32
      %eq3A = arith.constant 0 : i32
      %eq3A_47 = arith.cmpi eq, %jit3A, %eq3A : i32
      %jit3A_48 = arith.constant 1 : i32
      %select_n3A = arith.select %eq3A_47, %jit3A_48, %jit3A : i32
      %rem3A = vector.broadcast %select_n3A : i32 to vector<16xi32>
      %rem3A_49 = arith.remsi %mul3A_46, %rem3A : vector<16xi32>
      %ne3A = arith.constant 0 : i32
      %ne3A_50 = vector.broadcast %ne3A : i32 to vector<16xi32>
      %ne3A_51 = arith.cmpi ne, %rem3A_49, %ne3A_50 : vector<16xi32>
      %lt3A_52 = arith.constant 0 : i32
      %lt3A_53 = vector.broadcast %lt3A_52 : i32 to vector<16xi32>
      %lt3A_54 = arith.cmpi slt, %rem3A_49, %lt3A_53 : vector<16xi32>
      %lt3A_55 = arith.constant 0 : i32
      %lt3A_56 = arith.cmpi slt, %select_n3A, %lt3A_55 : i32
      %ne3A_57 = vector.broadcast %lt3A_56 : i1 to vector<16xi1>
      %ne3A_58 = vector.broadcast %ne3A_57 : vector<16xi1> to vector<16xi1>
      %ne3A_59 = arith.xori %lt3A_54, %ne3A_58 : vector<16xi1>
      %and3A = arith.andi %ne3A_59, %ne3A_51 : vector<16xi1>
      %add3A_60 = vector.broadcast %select_n3A : i32 to vector<16xi32>
      %add3A_61 = arith.addi %rem3A_49, %add3A_60 : vector<16xi32>
      %select_n3A_62 = arith.select %and3A, %add3A_61, %rem3A_49 : vector<16xi1>, vector<16xi32>
      %mul3A_63 = arith.constant 7 : i32
      %mul3A_64 = vector.broadcast %mul3A_63 : i32 to vector<16xi32>
      %mul3A_65 = arith.muli %get3A_41, %mul3A_64 : vector<16xi32>
      %add3A_66 = arith.constant 3 : i32
      %add3A_67 = vector.broadcast %add3A_66 : i32 to vector<16xi32>
      %add3A_68 = arith.addi %mul3A_65, %add3A_67 : vector<16xi32>
      %jit3A_69 = arith.constant 60001 : i32
      %eq3A_70 = arith.constant 0 : i32
      %eq3A_71 = arith.cmpi eq, %jit3A_69, %eq3A_70 : i32
      %jit3A_72 = arith.constant 1 : i32
      %select_n3A_73 = arith.select %eq3A_71, %jit3A_72, %jit3A_69 : i32
      %rem3A_74 = vector.broadcast %select_n3A_73 : i32 to vector<16xi32>
      %rem3A_75 = arith.remsi %add3A_68, %rem3A_74 : vector<16xi32>
      %ne3A_76 = arith.constant 0 : i32
      %ne3A_77 = vector.broadcast %ne3A_76 : i32 to vector<16xi32>
      %ne3A_78 = arith.cmpi ne, %rem3A_75, %ne3A_77 : vector<16xi32>
      %lt3A_79 = arith.constant 0 : i32
      %lt3A_80 = vector.broadcast %lt3A_79 : i32 to vector<16xi32>
      %lt3A_81 = arith.cmpi slt, %rem3A_75, %lt3A_80 : vector<16xi32>
      %lt3A_82 = arith.constant 0 : i32
      %lt3A_83 = arith.cmpi slt, %select_n3A_73, %lt3A_82 : i32
      %ne3A_84 = vector.broadcast %lt3A_83 : i1 to vector<16xi1>
      %ne3A_85 = vector.broadcast %ne3A_84 : vector<16xi1> to vector<16xi1>
      %ne3A_86 = arith.xori %lt3A_81, %ne3A_85 : vector<16xi1>
      %and3A_87 = arith.andi %ne3A_86, %ne3A_78 : vector<16xi1>
      %add3A_88 = vector.broadcast %select_n3A_73 : i32 to vector<16xi32>
      %add3A_89 = arith.addi %rem3A_75, %add3A_88 : vector<16xi32>
      %select_n3A_90 = arith.select %and3A_87, %add3A_89, %rem3A_75 : vector<16xi1>, vector<16xi32>
      %add3A_91 = vector.broadcast %mul3A_4 : i32 to vector<16xi32>
      %add3A_92 = arith.addi %add3A_91, %add3A_35 : vector<16xi32>
      %broadcast_in_dim3A_93 = vector.broadcast %add3A_6 : i32 to vector<16xi32>
      %jit3A_94 = arith.constant 0 : i32
      %broadcast_in_dim3A_95 = vector.broadcast %jit3A_94 : i32 to vector<16xi32>
      %select_n3A_96 = arith.select %lt3A_43, %get3A_41, %broadcast_in_dim3A_95 : vector<16xi1>, vector<16xi32>
      %swap3A = arith.index_cast %scan3A_31 : i32 to index
      %swap3A_97 = arith.constant 0 : index
      %swap3A_98 = tpu.vector_load %arg8[%swap3A, %swap3A_97] {strides = array<i32>} : memref<50x128xi32, #tpu.memory_space<vmem>>, vector<1x16xi32>,
      %swap3A_99 = vector.shape_cast %swap3A_98 : vector<1x16xi32> to vector<16xi32>
      %swap3A_100 = vector.shape_cast %select_n3A_96 : vector<16xi32> to vector<1x16xi32>
      tpu.vector_store %arg8[%swap3A, %swap3A_97], %swap3A_100 {strides = array<i32>} : memref<50x128xi32, #tpu.memory_space<vmem>>, vector<1x16xi32>,
      %select_n3A_101 = arith.select %lt3A_43, %add3A_92, %broadcast_in_dim3A_93 : vector<16xi1>, vector<16xi32>
      %swap3A_102 = arith.index_cast %scan3A_31 : i32 to index
      %swap3A_103 = arith.constant 0 : index
      %swap3A_104 = tpu.vector_load %arg9[%swap3A_102, %swap3A_103] {strides = array<i32>} : memref<50x128xi32, #tpu.memory_space<vmem>>, vector<1x16xi32>,
      %swap3A_105 = vector.shape_cast %swap3A_104 : vector<1x16xi32> to vector<16xi32>
      %swap3A_106 = vector.shape_cast %select_n3A_101 : vector<16xi32> to vector<1x16xi32>
      tpu.vector_store %arg9[%swap3A_102, %swap3A_103], %swap3A_106 {strides = array<i32>} : memref<50x128xi32, #tpu.memory_space<vmem>>, vector<1x16xi32>,
      %swap3A_107 = arith.index_cast %scan3A_31 : i32 to index
      %swap3A_108 = arith.constant 0 : index
      %swap3A_109 = tpu.vector_load %arg10[%swap3A_107, %swap3A_108] {strides = array<i32>} : memref<50x128xi32, #tpu.memory_space<vmem>>, vector<1x16xi32>,
      %swap3A_110 = vector.shape_cast %swap3A_109 : vector<1x16xi32> to vector<16xi32>
      %swap3A_111 = vector.shape_cast %select_n3A_62 : vector<16xi32> to vector<1x16xi32>
      tpu.vector_store %arg10[%swap3A_107, %swap3A_108], %swap3A_111 {strides = array<i32>} : memref<50x128xi32, #tpu.memory_space<vmem>>, vector<1x16xi32>,
      %swap3A_112 = arith.index_cast %scan3A_31 : i32 to index
      %swap3A_113 = arith.constant 0 : index
      %swap3A_114 = tpu.vector_load %arg11[%swap3A_112, %swap3A_113] {strides = array<i32>} : memref<50x128xi32, #tpu.memory_space<vmem>>, vector<1x16xi32>,
      %swap3A_115 = vector.shape_cast %swap3A_114 : vector<1x16xi32> to vector<16xi32>
      %swap3A_116 = vector.shape_cast %select_n3A_90 : vector<16xi32> to vector<1x16xi32>
      tpu.vector_store %arg11[%swap3A_112, %swap3A_113], %swap3A_116 {strides = array<i32>} : memref<50x128xi32, #tpu.memory_space<vmem>>, vector<1x16xi32>,
      %select_n3A_117 = arith.select %lt3A_43, %broadcast_in_dim3A_93, %add3A_92 : vector<16xi1>, vector<16xi32>
      %swap3A_118 = arith.index_cast %scan3A_31 : i32 to index
      %swap3A_119 = arith.constant 0 : index
      %swap3A_120 = tpu.vector_load %arg12[%swap3A_118, %swap3A_119] {strides = array<i32>} : memref<50x128xi32, #tpu.memory_space<vmem>>, vector<1x16xi32>,
      %swap3A_121 = vector.shape_cast %swap3A_120 : vector<1x16xi32> to vector<16xi32>
      %swap3A_122 = vector.shape_cast %select_n3A_117 : vector<16xi32> to vector<1x16xi32>
      tpu.vector_store %arg12[%swap3A_118, %swap3A_119], %swap3A_122 {strides = array<i32>} : memref<50x128xi32, #tpu.memory_space<vmem>>, vector<1x16xi32>,
      %iota3A_123 = tpu.iota {dimensions = array<i32: 0>} : vector<16xi32>
      %add3A_124 = arith.constant 16 : i32
      %add3A_125 = vector.broadcast %add3A_124 : i32 to vector<16xi32>
      %add3A_126 = arith.addi %add3A_125, %iota3A_123 : vector<16xi32>
      %mul3A_127 = arith.constant 128 : i32
      %mul3A_128 = arith.muli %scan3A_31, %mul3A_127 : i32
      %add3A_129 = arith.constant 16 : i32
      %add3A_130 = arith.addi %mul3A_128, %add3A_129 : i32
      %get3A_131 = arith.index_cast %add3A_130 : i32 to index
      %get3A_132 = tpu.vector_load %arg7[%get3A_131] {strides = array<i32>} : memref<6400xi32, #tpu.memory_space<vmem>>, vector<16xi32>,
      %get3A_133 = vector.shape_cast %get3A_132 : vector<16xi32> to vector<16xi32>
      %lt3A_134 = arith.constant 30000 : i32
      %lt3A_135 = vector.broadcast %lt3A_134 : i32 to vector<16xi32>
      %lt3A_136 = arith.cmpi slt, %get3A_133, %lt3A_135 : vector<16xi32>
      %mul3A_137 = arith.constant 7 : i32
      %mul3A_138 = vector.broadcast %mul3A_137 : i32 to vector<16xi32>
      %mul3A_139 = arith.muli %get3A_133, %mul3A_138 : vector<16xi32>
      %jit3A_140 = arith.constant 140000 : i32
      %eq3A_141 = arith.constant 0 : i32
      %eq3A_142 = arith.cmpi eq, %jit3A_140, %eq3A_141 : i32
      %jit3A_143 = arith.constant 1 : i32
      %select_n3A_144 = arith.select %eq3A_142, %jit3A_143, %jit3A_140 : i32
      %rem3A_145 = vector.broadcast %select_n3A_144 : i32 to vector<16xi32>
      %rem3A_146 = arith.remsi %mul3A_139, %rem3A_145 : vector<16xi32>
      %ne3A_147 = arith.constant 0 : i32
      %ne3A_148 = vector.broadcast %ne3A_147 : i32 to vector<16xi32>
      %ne3A_149 = arith.cmpi ne, %rem3A_146, %ne3A_148 : vector<16xi32>
      %lt3A_150 = arith.constant 0 : i32
      %lt3A_151 = vector.broadcast %lt3A_150 : i32 to vector<16xi32>
      %lt3A_152 = arith.cmpi slt, %rem3A_146, %lt3A_151 : vector<16xi32>
      %lt3A_153 = arith.constant 0 : i32
      %lt3A_154 = arith.cmpi slt, %select_n3A_144, %lt3A_153 : i32
      %ne3A_155 = vector.broadcast %lt3A_154 : i1 to vector<16xi1>
      %ne3A_156 = vector.broadcast %ne3A_155 : vector<16xi1> to vector<16xi1>
      %ne3A_157 = arith.xori %lt3A_152, %ne3A_156 : vector<16xi1>
      %and3A_158 = arith.andi %ne3A_157, %ne3A_149 : vector<16xi1>
      %add3A_159 = vector.broadcast %select_n3A_144 : i32 to vector<16xi32>
      %add3A_160 = arith.addi %rem3A_146, %add3A_159 : vector<16xi32>
      %select_n3A_161 = arith.select %and3A_158, %add3A_160, %rem3A_146 : vector<16xi1>, vector<16xi32>
      %mul3A_162 = arith.constant 7 : i32
      %mul3A_163 = vector.broadcast %mul3A_162 : i32 to vector<16xi32>
      %mul3A_164 = arith.muli %get3A_133, %mul3A_163 : vector<16xi32>
      %add3A_165 = arith.constant 3 : i32
      %add3A_166 = vector.broadcast %add3A_165 : i32 to vector<16xi32>
      %add3A_167 = arith.addi %mul3A_164, %add3A_166 : vector<16xi32>
      %jit3A_168 = arith.constant 60001 : i32
      %eq3A_169 = arith.constant 0 : i32
      %eq3A_170 = arith.cmpi eq, %jit3A_168, %eq3A_169 : i32
      %jit3A_171 = arith.constant 1 : i32
      %select_n3A_172 = arith.select %eq3A_170, %jit3A_171, %jit3A_168 : i32
      %rem3A_173 = vector.broadcast %select_n3A_172 : i32 to vector<16xi32>
      %rem3A_174 = arith.remsi %add3A_167, %rem3A_173 : vector<16xi32>
      %ne3A_175 = arith.constant 0 : i32
      %ne3A_176 = vector.broadcast %ne3A_175 : i32 to vector<16xi32>
      %ne3A_177 = arith.cmpi ne, %rem3A_174, %ne3A_176 : vector<16xi32>
      %lt3A_178 = arith.constant 0 : i32
      %lt3A_179 = vector.broadcast %lt3A_178 : i32 to vector<16xi32>
      %lt3A_180 = arith.cmpi slt, %rem3A_174, %lt3A_179 : vector<16xi32>
      %lt3A_181 = arith.constant 0 : i32
      %lt3A_182 = arith.cmpi slt, %select_n3A_172, %lt3A_181 : i32
      %ne3A_183 = vector.broadcast %lt3A_182 : i1 to vector<16xi1>
      %ne3A_184 = vector.broadcast %ne3A_183 : vector<16xi1> to vector<16xi1>
      %ne3A_185 = arith.xori %lt3A_180, %ne3A_184 : vector<16xi1>
      %and3A_186 = arith.andi %ne3A_185, %ne3A_177 : vector<16xi1>
      %add3A_187 = vector.broadcast %select_n3A_172 : i32 to vector<16xi32>
      %add3A_188 = arith.addi %rem3A_174, %add3A_187 : vector<16xi32>
      %select_n3A_189 = arith.select %and3A_186, %add3A_188, %rem3A_174 : vector<16xi1>, vector<16xi32>
      %add3A_190 = vector.broadcast %mul3A_4 : i32 to vector<16xi32>
      %add3A_191 = arith.addi %add3A_190, %add3A_126 : vector<16xi32>
      %broadcast_in_dim3A_192 = vector.broadcast %add3A_6 : i32 to vector<16xi32>
      %jit3A_193 = arith.constant 0 : i32
      %broadcast_in_dim3A_194 = vector.broadcast %jit3A_193 : i32 to vector<16xi32>
      %select_n3A_195 = arith.select %lt3A_136, %get3A_133, %broadcast_in_dim3A_194 : vector<16xi1>, vector<16xi32>
      %swap3A_196 = arith.index_cast %scan3A_31 : i32 to index
      %swap3A_197 = arith.constant 16 : index
      %swap3A_198 = tpu.vector_load %arg8[%swap3A_196, %swap3A_197] {strides = array<i32>} : memref<50x128xi32, #tpu.memory_space<vmem>>, vector<1x16xi32>,
      %swap3A_199 = vector.shape_cast %swap3A_198 : vector<1x16xi32> to vector<16xi32>
      %swap3A_200 = vector.shape_cast %select_n3A_195 : vector<16xi32> to vector<1x16xi32>
      tpu.vector_store %arg8[%swap3A_196, %swap3A_197], %swap3A_200 {strides = array<i32>} : memref<50x128xi32, #tpu.memory_space<vmem>>, vector<1x16xi32>,
      %select_n3A_201 = arith.select %lt3A_136, %add3A_191, %broadcast_in_dim3A_192 : vector<16xi1>, vector<16xi32>
      %swap3A_202 = arith.index_cast %scan3A_31 : i32 to index
      %swap3A_203 = arith.constant 16 : index
      %swap3A_204 = tpu.vector_load %arg9[%swap3A_202, %swap3A_203] {strides = array<i32>} : memref<50x128xi32, #tpu.memory_space<vmem>>, vector<1x16xi32>,
      %swap3A_205 = vector.shape_cast %swap3A_204 : vector<1x16xi32> to vector<16xi32>
      %swap3A_206 = vector.shape_cast %select_n3A_201 : vector<16xi32> to vector<1x16xi32>
      tpu.vector_store %arg9[%swap3A_202, %swap3A_203], %swap3A_206 {strides = array<i32>} : memref<50x128xi32, #tpu.memory_space<vmem>>, vector<1x16xi32>,
      %swap3A_207 = arith.index_cast %scan3A_31 : i32 to index
      %swap3A_208 = arith.constant 16 : index
      %swap3A_209 = tpu.vector_load %arg10[%swap3A_207, %swap3A_208] {strides = array<i32>} : memref<50x128xi32, #tpu.memory_space<vmem>>, vector<1x16xi32>,
      %swap3A_210 = vector.shape_cast %swap3A_209 : vector<1x16xi32> to vector<16xi32>
      %swap3A_211 = vector.shape_cast %select_n3A_161 : vector<16xi32> to vector<1x16xi32>
      tpu.vector_store %arg10[%swap3A_207, %swap3A_208], %swap3A_211 {strides = array<i32>} : memref<50x128xi32, #tpu.memory_space<vmem>>, vector<1x16xi32>,
      %swap3A_212 = arith.index_cast %scan3A_31 : i32 to index
      %swap3A_213 = arith.constant 16 : index
      %swap3A_214 = tpu.vector_load %arg11[%swap3A_212, %swap3A_213] {strides = array<i32>} : memref<50x128xi32, #tpu.memory_space<vmem>>, vector<1x16xi32>,
      %swap3A_215 = vector.shape_cast %swap3A_214 : vector<1x16xi32> to vector<16xi32>
      %swap3A_216 = vector.shape_cast %select_n3A_189 : vector<16xi32> to vector<1x16xi32>
      tpu.vector_store %arg11[%swap3A_212, %swap3A_213], %swap3A_216 {strides = array<i32>} : memref<50x128xi32, #tpu.memory_space<vmem>>, vector<1x16xi32>,
      %select_n3A_217 = arith.select %lt3A_136, %broadcast_in_dim3A_192, %add3A_191 : vector<16xi1>, vector<16xi32>
      %swap3A_218 = arith.index_cast %scan3A_31 : i32 to index
      %swap3A_219 = arith.constant 16 : index
      %swap3A_220 = tpu.vector_load %arg12[%swap3A_218, %swap3A_219] {strides = array<i32>} : memref<50x128xi32, #tpu.memory_space<vmem>>, vector<1x16xi32>,
      %swap3A_221 = vector.shape_cast %swap3A_220 : vector<1x16xi32> to vector<16xi32>
      %swap3A_222 = vector.shape_cast %select_n3A_217 : vector<16xi32> to vector<1x16xi32>
      tpu.vector_store %arg12[%swap3A_218, %swap3A_219], %swap3A_222 {strides = array<i32>} : memref<50x128xi32, #tpu.memory_space<vmem>>, vector<1x16xi32>,
      %iota3A_223 = tpu.iota {dimensions = array<i32: 0>} : vector<16xi32>
      %add3A_224 = arith.constant 32 : i32
      %add3A_225 = vector.broadcast %add3A_224 : i32 to vector<16xi32>
      %add3A_226 = arith.addi %add3A_225, %iota3A_223 : vector<16xi32>
      %mul3A_227 = arith.constant 128 : i32
      %mul3A_228 = arith.muli %scan3A_31, %mul3A_227 : i32
      %add3A_229 = arith.constant 32 : i32
      %add3A_230 = arith.addi %mul3A_228, %add3A_229 : i32
      %get3A_231 = arith.index_cast %add3A_230 : i32 to index
      %get3A_232 = tpu.vector_load %arg7[%get3A_231] {strides = array<i32>} : memref<6400xi32, #tpu.memory_space<vmem>>, vector<16xi32>,
      %get3A_233 = vector.shape_cast %get3A_232 : vector<16xi32> to vector<16xi32>
      %lt3A_234 = arith.constant 30000 : i32
      %lt3A_235 = vector.broadcast %lt3A_234 : i32 to vector<16xi32>
      %lt3A_236 = arith.cmpi slt, %get3A_233, %lt3A_235 : vector<16xi32>
      %mul3A_237 = arith.constant 7 : i32
      %mul3A_238 = vector.broadcast %mul3A_237 : i32 to vector<16xi32>
      %mul3A_239 = arith.muli %get3A_233, %mul3A_238 : vector<16xi32>
      %jit3A_240 = arith.constant 140000 : i32
      %eq3A_241 = arith.constant 0 : i32
      %eq3A_242 = arith.cmpi eq, %jit3A_240, %eq3A_241 : i32
      %jit3A_243 = arith.constant 1 : i32
      %select_n3A_244 = arith.select %eq3A_242, %jit3A_243, %jit3A_240 : i32
      %rem3A_245 = vector.broadcast %select_n3A_244 : i32 to vector<16xi32>
      %rem3A_246 = arith.remsi %mul3A_239, %rem3A_245 : vector<16xi32>
      %ne3A_247 = arith.constant 0 : i32
      %ne3A_248 = vector.broadcast %ne3A_247 : i32 to vector<16xi32>
      %ne3A_249 = arith.cmpi ne, %rem3A_246, %ne3A_248 : vector<16xi32>
      %lt3A_250 = arith.constant 0 : i32
      %lt3A_251 = vector.broadcast %lt3A_250 : i32 to vector<16xi32>
      %lt3A_252 = arith.cmpi slt, %rem3A_246, %lt3A_251 : vector<16xi32>
      %lt3A_253 = arith.constant 0 : i32
      %lt3A_254 = arith.cmpi slt, %select_n3A_244, %lt3A_253 : i32
      %ne3A_255 = vector.broadcast %lt3A_254 : i1 to vector<16xi1>
      %ne3A_256 = vector.broadcast %ne3A_255 : vector<16xi1> to vector<16xi1>
      %ne3A_257 = arith.xori %lt3A_252, %ne3A_256 : vector<16xi1>
      %and3A_258 = arith.andi %ne3A_257, %ne3A_249 : vector<16xi1>
      %add3A_259 = vector.broadcast %select_n3A_244 : i32 to vector<16xi32>
      %add3A_260 = arith.addi %rem3A_246, %add3A_259 : vector<16xi32>
      %select_n3A_261 = arith.select %and3A_258, %add3A_260, %rem3A_246 : vector<16xi1>, vector<16xi32>
      %mul3A_262 = arith.constant 7 : i32
      %mul3A_263 = vector.broadcast %mul3A_262 : i32 to vector<16xi32>
      %mul3A_264 = arith.muli %get3A_233, %mul3A_263 : vector<16xi32>
      %add3A_265 = arith.constant 3 : i32
      %add3A_266 = vector.broadcast %add3A_265 : i32 to vector<16xi32>
      %add3A_267 = arith.addi %mul3A_264, %add3A_266 : vector<16xi32>
      %jit3A_268 = arith.constant 60001 : i32
      %eq3A_269 = arith.constant 0 : i32
      %eq3A_270 = arith.cmpi eq, %jit3A_268, %eq3A_269 : i32
      %jit3A_271 = arith.constant 1 : i32
      %select_n3A_272 = arith.select %eq3A_270, %jit3A_271, %jit3A_268 : i32
      %rem3A_273 = vector.broadcast %select_n3A_272 : i32 to vector<16xi32>
      %rem3A_274 = arith.remsi %add3A_267, %rem3A_273 : vector<16xi32>
      %ne3A_275 = arith.constant 0 : i32
      %ne3A_276 = vector.broadcast %ne3A_275 : i32 to vector<16xi32>
      %ne3A_277 = arith.cmpi ne, %rem3A_274, %ne3A_276 : vector<16xi32>
      %lt3A_278 = arith.constant 0 : i32
      %lt3A_279 = vector.broadcast %lt3A_278 : i32 to vector<16xi32>
      %lt3A_280 = arith.cmpi slt, %rem3A_274, %lt3A_279 : vector<16xi32>
      %lt3A_281 = arith.constant 0 : i32
      %lt3A_282 = arith.cmpi slt, %select_n3A_272, %lt3A_281 : i32
      %ne3A_283 = vector.broadcast %lt3A_282 : i1 to vector<16xi1>
      %ne3A_284 = vector.broadcast %ne3A_283 : vector<16xi1> to vector<16xi1>
      %ne3A_285 = arith.xori %lt3A_280, %ne3A_284 : vector<16xi1>
      %and3A_286 = arith.andi %ne3A_285, %ne3A_277 : vector<16xi1>
      %add3A_287 = vector.broadcast %select_n3A_272 : i32 to vector<16xi32>
      %add3A_288 = arith.addi %rem3A_274, %add3A_287 : vector<16xi32>
      %select_n3A_289 = arith.select %and3A_286, %add3A_288, %rem3A_274 : vector<16xi1>, vector<16xi32>
      %add3A_290 = vector.broadcast %mul3A_4 : i32 to vector<16xi32>
      %add3A_291 = arith.addi %add3A_290, %add3A_226 : vector<16xi32>
      %broadcast_in_dim3A_292 = vector.broadcast %add3A_6 : i32 to vector<16xi32>
      %jit3A_293 = arith.constant 0 : i32
      %broadcast_in_dim3A_294 = vector.broadcast %jit3A_293 : i32 to vector<16xi32>
      %select_n3A_295 = arith.select %lt3A_236, %get3A_233, %broadcast_in_dim3A_294 : vector<16xi1>, vector<16xi32>
      %swap3A_296 = arith.index_cast %scan3A_31 : i32 to index
      %swap3A_297 = arith.constant 32 : index
      %swap3A_298 = tpu.vector_load %arg8[%swap3A_296, %swap3A_297] {strides = array<i32>} : memref<50x128xi32, #tpu.memory_space<vmem>>, vector<1x16xi32>,
      %swap3A_299 = vector.shape_cast %swap3A_298 : vector<1x16xi32> to vector<16xi32>
      %swap3A_300 = vector.shape_cast %select_n3A_295 : vector<16xi32> to vector<1x16xi32>
      tpu.vector_store %arg8[%swap3A_296, %swap3A_297], %swap3A_300 {strides = array<i32>} : memref<50x128xi32, #tpu.memory_space<vmem>>, vector<1x16xi32>,
      %select_n3A_301 = arith.select %lt3A_236, %add3A_291, %broadcast_in_dim3A_292 : vector<16xi1>, vector<16xi32>
      %swap3A_302 = arith.index_cast %scan3A_31 : i32 to index
      %swap3A_303 = arith.constant 32 : index
      %swap3A_304 = tpu.vector_load %arg9[%swap3A_302, %swap3A_303] {strides = array<i32>} : memref<50x128xi32, #tpu.memory_space<vmem>>, vector<1x16xi32>,
      %swap3A_305 = vector.shape_cast %swap3A_304 : vector<1x16xi32> to vector<16xi32>
      %swap3A_306 = vector.shape_cast %select_n3A_301 : vector<16xi32> to vector<1x16xi32>
      tpu.vector_store %arg9[%swap3A_302, %swap3A_303], %swap3A_306 {strides = array<i32>} : memref<50x128xi32, #tpu.memory_space<vmem>>, vector<1x16xi32>,
      %swap3A_307 = arith.index_cast %scan3A_31 : i32 to index
      %swap3A_308 = arith.constant 32 : index
      %swap3A_309 = tpu.vector_load %arg10[%swap3A_307, %swap3A_308] {strides = array<i32>} : memref<50x128xi32, #tpu.memory_space<vmem>>, vector<1x16xi32>,
      %swap3A_310 = vector.shape_cast %swap3A_309 : vector<1x16xi32> to vector<16xi32>
      %swap3A_311 = vector.shape_cast %select_n3A_261 : vector<16xi32> to vector<1x16xi32>
      tpu.vector_store %arg10[%swap3A_307, %swap3A_308], %swap3A_311 {strides = array<i32>} : memref<50x128xi32, #tpu.memory_space<vmem>>, vector<1x16xi32>,
      %swap3A_312 = arith.index_cast %scan3A_31 : i32 to index
      %swap3A_313 = arith.constant 32 : index
      %swap3A_314 = tpu.vector_load %arg11[%swap3A_312, %swap3A_313] {strides = array<i32>} : memref<50x128xi32, #tpu.memory_space<vmem>>, vector<1x16xi32>,
      %swap3A_315 = vector.shape_cast %swap3A_314 : vector<1x16xi32> to vector<16xi32>
      %swap3A_316 = vector.shape_cast %select_n3A_289 : vector<16xi32> to vector<1x16xi32>
      tpu.vector_store %arg11[%swap3A_312, %swap3A_313], %swap3A_316 {strides = array<i32>} : memref<50x128xi32, #tpu.memory_space<vmem>>, vector<1x16xi32>,
      %select_n3A_317 = arith.select %lt3A_236, %broadcast_in_dim3A_292, %add3A_291 : vector<16xi1>, vector<16xi32>
      %swap3A_318 = arith.index_cast %scan3A_31 : i32 to index
      %swap3A_319 = arith.constant 32 : index
      %swap3A_320 = tpu.vector_load %arg12[%swap3A_318, %swap3A_319] {strides = array<i32>} : memref<50x128xi32, #tpu.memory_space<vmem>>, vector<1x16xi32>,
      %swap3A_321 = vector.shape_cast %swap3A_320 : vector<1x16xi32> to vector<16xi32>
      %swap3A_322 = vector.shape_cast %select_n3A_317 : vector<16xi32> to vector<1x16xi32>
      tpu.vector_store %arg12[%swap3A_318, %swap3A_319], %swap3A_322 {strides = array<i32>} : memref<50x128xi32, #tpu.memory_space<vmem>>, vector<1x16xi32>,
      %iota3A_323 = tpu.iota {dimensions = array<i32: 0>} : vector<16xi32>
      %add3A_324 = arith.constant 48 : i32
      %add3A_325 = vector.broadcast %add3A_324 : i32 to vector<16xi32>
      %add3A_326 = arith.addi %add3A_325, %iota3A_323 : vector<16xi32>
      %mul3A_327 = arith.constant 128 : i32
      %mul3A_328 = arith.muli %scan3A_31, %mul3A_327 : i32
      %add3A_329 = arith.constant 48 : i32
      %add3A_330 = arith.addi %mul3A_328, %add3A_329 : i32
      %get3A_331 = arith.index_cast %add3A_330 : i32 to index
      %get3A_332 = tpu.vector_load %arg7[%get3A_331] {strides = array<i32>} : memref<6400xi32, #tpu.memory_space<vmem>>, vector<16xi32>,
      %get3A_333 = vector.shape_cast %get3A_332 : vector<16xi32> to vector<16xi32>
      %lt3A_334 = arith.constant 30000 : i32
      %lt3A_335 = vector.broadcast %lt3A_334 : i32 to vector<16xi32>
      %lt3A_336 = arith.cmpi slt, %get3A_333, %lt3A_335 : vector<16xi32>
      %mul3A_337 = arith.constant 7 : i32
      %mul3A_338 = vector.broadcast %mul3A_337 : i32 to vector<16xi32>
      %mul3A_339 = arith.muli %get3A_333, %mul3A_338 : vector<16xi32>
      %jit3A_340 = arith.constant 140000 : i32
      %eq3A_341 = arith.constant 0 : i32
      %eq3A_342 = arith.cmpi eq, %jit3A_340, %eq3A_341 : i32
      %jit3A_343 = arith.constant 1 : i32
      %select_n3A_344 = arith.select %eq3A_342, %jit3A_343, %jit3A_340 : i32
      %rem3A_345 = vector.broadcast %select_n3A_344 : i32 to vector<16xi32>
      %rem3A_346 = arith.remsi %mul3A_339, %rem3A_345 : vector<16xi32>
      %ne3A_347 = arith.constant 0 : i32
      %ne3A_348 = vector.broadcast %ne3A_347 : i32 to vector<16xi32>
      %ne3A_349 = arith.cmpi ne, %rem3A_346, %ne3A_348 : vector<16xi32>
      %lt3A_350 = arith.constant 0 : i32
      %lt3A_351 = vector.broadcast %lt3A_350 : i32 to vector<16xi32>
      %lt3A_352 = arith.cmpi slt, %rem3A_346, %lt3A_351 : vector<16xi32>
      %lt3A_353 = arith.constant 0 : i32
      %lt3A_354 = arith.cmpi slt, %select_n3A_344, %lt3A_353 : i32
      %ne3A_355 = vector.broadcast %lt3A_354 : i1 to vector<16xi1>
      %ne3A_356 = vector.broadcast %ne3A_355 : vector<16xi1> to vector<16xi1>
      %ne3A_357 = arith.xori %lt3A_352, %ne3A_356 : vector<16xi1>
      %and3A_358 = arith.andi %ne3A_357, %ne3A_349 : vector<16xi1>
      %add3A_359 = vector.broadcast %select_n3A_344 : i32 to vector<16xi32>
      %add3A_360 = arith.addi %rem3A_346, %add3A_359 : vector<16xi32>
      %select_n3A_361 = arith.select %and3A_358, %add3A_360, %rem3A_346 : vector<16xi1>, vector<16xi32>
      %mul3A_362 = arith.constant 7 : i32
      %mul3A_363 = vector.broadcast %mul3A_362 : i32 to vector<16xi32>
      %mul3A_364 = arith.muli %get3A_333, %mul3A_363 : vector<16xi32>
      %add3A_365 = arith.constant 3 : i32
      %add3A_366 = vector.broadcast %add3A_365 : i32 to vector<16xi32>
      %add3A_367 = arith.addi %mul3A_364, %add3A_366 : vector<16xi32>
      %jit3A_368 = arith.constant 60001 : i32
      %eq3A_369 = arith.constant 0 : i32
      %eq3A_370 = arith.cmpi eq, %jit3A_368, %eq3A_369 : i32
      %jit3A_371 = arith.constant 1 : i32
      %select_n3A_372 = arith.select %eq3A_370, %jit3A_371, %jit3A_368 : i32
      %rem3A_373 = vector.broadcast %select_n3A_372 : i32 to vector<16xi32>
      %rem3A_374 = arith.remsi %add3A_367, %rem3A_373 : vector<16xi32>
      %ne3A_375 = arith.constant 0 : i32
      %ne3A_376 = vector.broadcast %ne3A_375 : i32 to vector<16xi32>
      %ne3A_377 = arith.cmpi ne, %rem3A_374, %ne3A_376 : vector<16xi32>
      %lt3A_378 = arith.constant 0 : i32
      %lt3A_379 = vector.broadcast %lt3A_378 : i32 to vector<16xi32>
      %lt3A_380 = arith.cmpi slt, %rem3A_374, %lt3A_379 : vector<16xi32>
      %lt3A_381 = arith.constant 0 : i32
      %lt3A_382 = arith.cmpi slt, %select_n3A_372, %lt3A_381 : i32
      %ne3A_383 = vector.broadcast %lt3A_382 : i1 to vector<16xi1>
      %ne3A_384 = vector.broadcast %ne3A_383 : vector<16xi1> to vector<16xi1>
      %ne3A_385 = arith.xori %lt3A_380, %ne3A_384 : vector<16xi1>
      %and3A_386 = arith.andi %ne3A_385, %ne3A_377 : vector<16xi1>
      %add3A_387 = vector.broadcast %select_n3A_372 : i32 to vector<16xi32>
      %add3A_388 = arith.addi %rem3A_374, %add3A_387 : vector<16xi32>
      %select_n3A_389 = arith.select %and3A_386, %add3A_388, %rem3A_374 : vector<16xi1>, vector<16xi32>
      %add3A_390 = vector.broadcast %mul3A_4 : i32 to vector<16xi32>
      %add3A_391 = arith.addi %add3A_390, %add3A_326 : vector<16xi32>
      %broadcast_in_dim3A_392 = vector.broadcast %add3A_6 : i32 to vector<16xi32>
      %jit3A_393 = arith.constant 0 : i32
      %broadcast_in_dim3A_394 = vector.broadcast %jit3A_393 : i32 to vector<16xi32>
      %select_n3A_395 = arith.select %lt3A_336, %get3A_333, %broadcast_in_dim3A_394 : vector<16xi1>, vector<16xi32>
      %swap3A_396 = arith.index_cast %scan3A_31 : i32 to index
      %swap3A_397 = arith.constant 48 : index
      %swap3A_398 = tpu.vector_load %arg8[%swap3A_396, %swap3A_397] {strides = array<i32>} : memref<50x128xi32, #tpu.memory_space<vmem>>, vector<1x16xi32>,
      %swap3A_399 = vector.shape_cast %swap3A_398 : vector<1x16xi32> to vector<16xi32>
      %swap3A_400 = vector.shape_cast %select_n3A_395 : vector<16xi32> to vector<1x16xi32>
      tpu.vector_store %arg8[%swap3A_396, %swap3A_397], %swap3A_400 {strides = array<i32>} : memref<50x128xi32, #tpu.memory_space<vmem>>, vector<1x16xi32>,
      %select_n3A_401 = arith.select %lt3A_336, %add3A_391, %broadcast_in_dim3A_392 : vector<16xi1>, vector<16xi32>
      %swap3A_402 = arith.index_cast %scan3A_31 : i32 to index
      %swap3A_403 = arith.constant 48 : index
      %swap3A_404 = tpu.vector_load %arg9[%swap3A_402, %swap3A_403] {strides = array<i32>} : memref<50x128xi32, #tpu.memory_space<vmem>>, vector<1x16xi32>,
      %swap3A_405 = vector.shape_cast %swap3A_404 : vector<1x16xi32> to vector<16xi32>
      %swap3A_406 = vector.shape_cast %select_n3A_401 : vector<16xi32> to vector<1x16xi32>
      tpu.vector_store %arg9[%swap3A_402, %swap3A_403], %swap3A_406 {strides = array<i32>} : memref<50x128xi32, #tpu.memory_space<vmem>>, vector<1x16xi32>,
      %swap3A_407 = arith.index_cast %scan3A_31 : i32 to index
      %swap3A_408 = arith.constant 48 : index
      %swap3A_409 = tpu.vector_load %arg10[%swap3A_407, %swap3A_408] {strides = array<i32>} : memref<50x128xi32, #tpu.memory_space<vmem>>, vector<1x16xi32>,
      %swap3A_410 = vector.shape_cast %swap3A_409 : vector<1x16xi32> to vector<16xi32>
      %swap3A_411 = vector.shape_cast %select_n3A_361 : vector<16xi32> to vector<1x16xi32>
      tpu.vector_store %arg10[%swap3A_407, %swap3A_408], %swap3A_411 {strides = array<i32>} : memref<50x128xi32, #tpu.memory_space<vmem>>, vector<1x16xi32>,
      %swap3A_412 = arith.index_cast %scan3A_31 : i32 to index
      %swap3A_413 = arith.constant 48 : index
      %swap3A_414 = tpu.vector_load %arg11[%swap3A_412, %swap3A_413] {strides = array<i32>} : memref<50x128xi32, #tpu.memory_space<vmem>>, vector<1x16xi32>,
      %swap3A_415 = vector.shape_cast %swap3A_414 : vector<1x16xi32> to vector<16xi32>
      %swap3A_416 = vector.shape_cast %select_n3A_389 : vector<16xi32> to vector<1x16xi32>
      tpu.vector_store %arg11[%swap3A_412, %swap3A_413], %swap3A_416 {strides = array<i32>} : memref<50x128xi32, #tpu.memory_space<vmem>>, vector<1x16xi32>,
      %select_n3A_417 = arith.select %lt3A_336, %broadcast_in_dim3A_392, %add3A_391 : vector<16xi1>, vector<16xi32>
      %swap3A_418 = arith.index_cast %scan3A_31 : i32 to index
      %swap3A_419 = arith.constant 48 : index
      %swap3A_420 = tpu.vector_load %arg12[%swap3A_418, %swap3A_419] {strides = array<i32>} : memref<50x128xi32, #tpu.memory_space<vmem>>, vector<1x16xi32>,
      %swap3A_421 = vector.shape_cast %swap3A_420 : vector<1x16xi32> to vector<16xi32>
      %swap3A_422 = vector.shape_cast %select_n3A_417 : vector<16xi32> to vector<1x16xi32>
      tpu.vector_store %arg12[%swap3A_418, %swap3A_419], %swap3A_422 {strides = array<i32>} : memref<50x128xi32, #tpu.memory_space<vmem>>, vector<1x16xi32>,
      %iota3A_423 = tpu.iota {dimensions = array<i32: 0>} : vector<16xi32>
      %add3A_424 = arith.constant 64 : i32
      %add3A_425 = vector.broadcast %add3A_424 : i32 to vector<16xi32>
      %add3A_426 = arith.addi %add3A_425, %iota3A_423 : vector<16xi32>
      %mul3A_427 = arith.constant 128 : i32
      %mul3A_428 = arith.muli %scan3A_31, %mul3A_427 : i32
      %add3A_429 = arith.constant 64 : i32
      %add3A_430 = arith.addi %mul3A_428, %add3A_429 : i32
      %get3A_431 = arith.index_cast %add3A_430 : i32 to index
      %get3A_432 = tpu.vector_load %arg7[%get3A_431] {strides = array<i32>} : memref<6400xi32, #tpu.memory_space<vmem>>, vector<16xi32>,
      %get3A_433 = vector.shape_cast %get3A_432 : vector<16xi32> to vector<16xi32>
      %lt3A_434 = arith.constant 30000 : i32
      %lt3A_435 = vector.broadcast %lt3A_434 : i32 to vector<16xi32>
      %lt3A_436 = arith.cmpi slt, %get3A_433, %lt3A_435 : vector<16xi32>
      %mul3A_437 = arith.constant 7 : i32
      %mul3A_438 = vector.broadcast %mul3A_437 : i32 to vector<16xi32>
      %mul3A_439 = arith.muli %get3A_433, %mul3A_438 : vector<16xi32>
      %jit3A_440 = arith.constant 140000 : i32
      %eq3A_441 = arith.constant 0 : i32
      %eq3A_442 = arith.cmpi eq, %jit3A_440, %eq3A_441 : i32
      %jit3A_443 = arith.constant 1 : i32
      %select_n3A_444 = arith.select %eq3A_442, %jit3A_443, %jit3A_440 : i32
      %rem3A_445 = vector.broadcast %select_n3A_444 : i32 to vector<16xi32>
      %rem3A_446 = arith.remsi %mul3A_439, %rem3A_445 : vector<16xi32>
      %ne3A_447 = arith.constant 0 : i32
      %ne3A_448 = vector.broadcast %ne3A_447 : i32 to vector<16xi32>
      %ne3A_449 = arith.cmpi ne, %rem3A_446, %ne3A_448 : vector<16xi32>
      %lt3A_450 = arith.constant 0 : i32
      %lt3A_451 = vector.broadcast %lt3A_450 : i32 to vector<16xi32>
      %lt3A_452 = arith.cmpi slt, %rem3A_446, %lt3A_451 : vector<16xi32>
      %lt3A_453 = arith.constant 0 : i32
      %lt3A_454 = arith.cmpi slt, %select_n3A_444, %lt3A_453 : i32
      %ne3A_455 = vector.broadcast %lt3A_454 : i1 to vector<16xi1>
      %ne3A_456 = vector.broadcast %ne3A_455 : vector<16xi1> to vector<16xi1>
      %ne3A_457 = arith.xori %lt3A_452, %ne3A_456 : vector<16xi1>
      %and3A_458 = arith.andi %ne3A_457, %ne3A_449 : vector<16xi1>
      %add3A_459 = vector.broadcast %select_n3A_444 : i32 to vector<16xi32>
      %add3A_460 = arith.addi %rem3A_446, %add3A_459 : vector<16xi32>
      %select_n3A_461 = arith.select %and3A_458, %add3A_460, %rem3A_446 : vector<16xi1>, vector<16xi32>
      %mul3A_462 = arith.constant 7 : i32
      %mul3A_463 = vector.broadcast %mul3A_462 : i32 to vector<16xi32>
      %mul3A_464 = arith.muli %get3A_433, %mul3A_463 : vector<16xi32>
      %add3A_465 = arith.constant 3 : i32
      %add3A_466 = vector.broadcast %add3A_465 : i32 to vector<16xi32>
      %add3A_467 = arith.addi %mul3A_464, %add3A_466 : vector<16xi32>
      %jit3A_468 = arith.constant 60001 : i32
      %eq3A_469 = arith.constant 0 : i32
      %eq3A_470 = arith.cmpi eq, %jit3A_468, %eq3A_469 : i32
      %jit3A_471 = arith.constant 1 : i32
      %select_n3A_472 = arith.select %eq3A_470, %jit3A_471, %jit3A_468 : i32
      %rem3A_473 = vector.broadcast %select_n3A_472 : i32 to vector<16xi32>
      %rem3A_474 = arith.remsi %add3A_467, %rem3A_473 : vector<16xi32>
      %ne3A_475 = arith.constant 0 : i32
      %ne3A_476 = vector.broadcast %ne3A_475 : i32 to vector<16xi32>
      %ne3A_477 = arith.cmpi ne, %rem3A_474, %ne3A_476 : vector<16xi32>
      %lt3A_478 = arith.constant 0 : i32
      %lt3A_479 = vector.broadcast %lt3A_478 : i32 to vector<16xi32>
      %lt3A_480 = arith.cmpi slt, %rem3A_474, %lt3A_479 : vector<16xi32>
      %lt3A_481 = arith.constant 0 : i32
      %lt3A_482 = arith.cmpi slt, %select_n3A_472, %lt3A_481 : i32
      %ne3A_483 = vector.broadcast %lt3A_482 : i1 to vector<16xi1>
      %ne3A_484 = vector.broadcast %ne3A_483 : vector<16xi1> to vector<16xi1>
      %ne3A_485 = arith.xori %lt3A_480, %ne3A_484 : vector<16xi1>
      %and3A_486 = arith.andi %ne3A_485, %ne3A_477 : vector<16xi1>
      %add3A_487 = vector.broadcast %select_n3A_472 : i32 to vector<16xi32>
      %add3A_488 = arith.addi %rem3A_474, %add3A_487 : vector<16xi32>
      %select_n3A_489 = arith.select %and3A_486, %add3A_488, %rem3A_474 : vector<16xi1>, vector<16xi32>
      %add3A_490 = vector.broadcast %mul3A_4 : i32 to vector<16xi32>
      %add3A_491 = arith.addi %add3A_490, %add3A_426 : vector<16xi32>
      %broadcast_in_dim3A_492 = vector.broadcast %add3A_6 : i32 to vector<16xi32>
      %jit3A_493 = arith.constant 0 : i32
      %broadcast_in_dim3A_494 = vector.broadcast %jit3A_493 : i32 to vector<16xi32>
      %select_n3A_495 = arith.select %lt3A_436, %get3A_433, %broadcast_in_dim3A_494 : vector<16xi1>, vector<16xi32>
      %swap3A_496 = arith.index_cast %scan3A_31 : i32 to index
      %swap3A_497 = arith.constant 64 : index
      %swap3A_498 = tpu.vector_load %arg8[%swap3A_496, %swap3A_497] {strides = array<i32>} : memref<50x128xi32, #tpu.memory_space<vmem>>, vector<1x16xi32>,
      %swap3A_499 = vector.shape_cast %swap3A_498 : vector<1x16xi32> to vector<16xi32>
      %swap3A_500 = vector.shape_cast %select_n3A_495 : vector<16xi32> to vector<1x16xi32>
      tpu.vector_store %arg8[%swap3A_496, %swap3A_497], %swap3A_500 {strides = array<i32>} : memref<50x128xi32, #tpu.memory_space<vmem>>, vector<1x16xi32>,
      %select_n3A_501 = arith.select %lt3A_436, %add3A_491, %broadcast_in_dim3A_492 : vector<16xi1>, vector<16xi32>
      %swap3A_502 = arith.index_cast %scan3A_31 : i32 to index
      %swap3A_503 = arith.constant 64 : index
      %swap3A_504 = tpu.vector_load %arg9[%swap3A_502, %swap3A_503] {strides = array<i32>} : memref<50x128xi32, #tpu.memory_space<vmem>>, vector<1x16xi32>,
      %swap3A_505 = vector.shape_cast %swap3A_504 : vector<1x16xi32> to vector<16xi32>
      %swap3A_506 = vector.shape_cast %select_n3A_501 : vector<16xi32> to vector<1x16xi32>
      tpu.vector_store %arg9[%swap3A_502, %swap3A_503], %swap3A_506 {strides = array<i32>} : memref<50x128xi32, #tpu.memory_space<vmem>>, vector<1x16xi32>,
      %swap3A_507 = arith.index_cast %scan3A_31 : i32 to index
      %swap3A_508 = arith.constant 64 : index
      %swap3A_509 = tpu.vector_load %arg10[%swap3A_507, %swap3A_508] {strides = array<i32>} : memref<50x128xi32, #tpu.memory_space<vmem>>, vector<1x16xi32>,
      %swap3A_510 = vector.shape_cast %swap3A_509 : vector<1x16xi32> to vector<16xi32>
      %swap3A_511 = vector.shape_cast %select_n3A_461 : vector<16xi32> to vector<1x16xi32>
      tpu.vector_store %arg10[%swap3A_507, %swap3A_508], %swap3A_511 {strides = array<i32>} : memref<50x128xi32, #tpu.memory_space<vmem>>, vector<1x16xi32>,
      %swap3A_512 = arith.index_cast %scan3A_31 : i32 to index
      %swap3A_513 = arith.constant 64 : index
      %swap3A_514 = tpu.vector_load %arg11[%swap3A_512, %swap3A_513] {strides = array<i32>} : memref<50x128xi32, #tpu.memory_space<vmem>>, vector<1x16xi32>,
      %swap3A_515 = vector.shape_cast %swap3A_514 : vector<1x16xi32> to vector<16xi32>
      %swap3A_516 = vector.shape_cast %select_n3A_489 : vector<16xi32> to vector<1x16xi32>
      tpu.vector_store %arg11[%swap3A_512, %swap3A_513], %swap3A_516 {strides = array<i32>} : memref<50x128xi32, #tpu.memory_space<vmem>>, vector<1x16xi32>,
      %select_n3A_517 = arith.select %lt3A_436, %broadcast_in_dim3A_492, %add3A_491 : vector<16xi1>, vector<16xi32>
      %swap3A_518 = arith.index_cast %scan3A_31 : i32 to index
      %swap3A_519 = arith.constant 64 : index
      %swap3A_520 = tpu.vector_load %arg12[%swap3A_518, %swap3A_519] {strides = array<i32>} : memref<50x128xi32, #tpu.memory_space<vmem>>, vector<1x16xi32>,
      %swap3A_521 = vector.shape_cast %swap3A_520 : vector<1x16xi32> to vector<16xi32>
      %swap3A_522 = vector.shape_cast %select_n3A_517 : vector<16xi32> to vector<1x16xi32>
      tpu.vector_store %arg12[%swap3A_518, %swap3A_519], %swap3A_522 {strides = array<i32>} : memref<50x128xi32, #tpu.memory_space<vmem>>, vector<1x16xi32>,
      %iota3A_523 = tpu.iota {dimensions = array<i32: 0>} : vector<16xi32>
      %add3A_524 = arith.constant 80 : i32
      %add3A_525 = vector.broadcast %add3A_524 : i32 to vector<16xi32>
      %add3A_526 = arith.addi %add3A_525, %iota3A_523 : vector<16xi32>
      %mul3A_527 = arith.constant 128 : i32
      %mul3A_528 = arith.muli %scan3A_31, %mul3A_527 : i32
      %add3A_529 = arith.constant 80 : i32
      %add3A_530 = arith.addi %mul3A_528, %add3A_529 : i32
      %get3A_531 = arith.index_cast %add3A_530 : i32 to index
      %get3A_532 = tpu.vector_load %arg7[%get3A_531] {strides = array<i32>} : memref<6400xi32, #tpu.memory_space<vmem>>, vector<16xi32>,
      %get3A_533 = vector.shape_cast %get3A_532 : vector<16xi32> to vector<16xi32>
      %lt3A_534 = arith.constant 30000 : i32
      %lt3A_535 = vector.broadcast %lt3A_534 : i32 to vector<16xi32>
      %lt3A_536 = arith.cmpi slt, %get3A_533, %lt3A_535 : vector<16xi32>
      %mul3A_537 = arith.constant 7 : i32
      %mul3A_538 = vector.broadcast %mul3A_537 : i32 to vector<16xi32>
      %mul3A_539 = arith.muli %get3A_533, %mul3A_538 : vector<16xi32>
      %jit3A_540 = arith.constant 140000 : i32
      %eq3A_541 = arith.constant 0 : i32
      %eq3A_542 = arith.cmpi eq, %jit3A_540, %eq3A_541 : i32
      %jit3A_543 = arith.constant 1 : i32
      %select_n3A_544 = arith.select %eq3A_542, %jit3A_543, %jit3A_540 : i32
      %rem3A_545 = vector.broadcast %select_n3A_544 : i32 to vector<16xi32>
      %rem3A_546 = arith.remsi %mul3A_539, %rem3A_545 : vector<16xi32>
      %ne3A_547 = arith.constant 0 : i32
      %ne3A_548 = vector.broadcast %ne3A_547 : i32 to vector<16xi32>
      %ne3A_549 = arith.cmpi ne, %rem3A_546, %ne3A_548 : vector<16xi32>
      %lt3A_550 = arith.constant 0 : i32
      %lt3A_551 = vector.broadcast %lt3A_550 : i32 to vector<16xi32>
      %lt3A_552 = arith.cmpi slt, %rem3A_546, %lt3A_551 : vector<16xi32>
      %lt3A_553 = arith.constant 0 : i32
      %lt3A_554 = arith.cmpi slt, %select_n3A_544, %lt3A_553 : i32
      %ne3A_555 = vector.broadcast %lt3A_554 : i1 to vector<16xi1>
      %ne3A_556 = vector.broadcast %ne3A_555 : vector<16xi1> to vector<16xi1>
      %ne3A_557 = arith.xori %lt3A_552, %ne3A_556 : vector<16xi1>
      %and3A_558 = arith.andi %ne3A_557, %ne3A_549 : vector<16xi1>
      %add3A_559 = vector.broadcast %select_n3A_544 : i32 to vector<16xi32>
      %add3A_560 = arith.addi %rem3A_546, %add3A_559 : vector<16xi32>
      %select_n3A_561 = arith.select %and3A_558, %add3A_560, %rem3A_546 : vector<16xi1>, vector<16xi32>
      %mul3A_562 = arith.constant 7 : i32
      %mul3A_563 = vector.broadcast %mul3A_562 : i32 to vector<16xi32>
      %mul3A_564 = arith.muli %get3A_533, %mul3A_563 : vector<16xi32>
      %add3A_565 = arith.constant 3 : i32
      %add3A_566 = vector.broadcast %add3A_565 : i32 to vector<16xi32>
      %add3A_567 = arith.addi %mul3A_564, %add3A_566 : vector<16xi32>
      %jit3A_568 = arith.constant 60001 : i32
      %eq3A_569 = arith.constant 0 : i32
      %eq3A_570 = arith.cmpi eq, %jit3A_568, %eq3A_569 : i32
      %jit3A_571 = arith.constant 1 : i32
      %select_n3A_572 = arith.select %eq3A_570, %jit3A_571, %jit3A_568 : i32
      %rem3A_573 = vector.broadcast %select_n3A_572 : i32 to vector<16xi32>
      %rem3A_574 = arith.remsi %add3A_567, %rem3A_573 : vector<16xi32>
      %ne3A_575 = arith.constant 0 : i32
      %ne3A_576 = vector.broadcast %ne3A_575 : i32 to vector<16xi32>
      %ne3A_577 = arith.cmpi ne, %rem3A_574, %ne3A_576 : vector<16xi32>
      %lt3A_578 = arith.constant 0 : i32
      %lt3A_579 = vector.broadcast %lt3A_578 : i32 to vector<16xi32>
      %lt3A_580 = arith.cmpi slt, %rem3A_574, %lt3A_579 : vector<16xi32>
      %lt3A_581 = arith.constant 0 : i32
      %lt3A_582 = arith.cmpi slt, %select_n3A_572, %lt3A_581 : i32
      %ne3A_583 = vector.broadcast %lt3A_582 : i1 to vector<16xi1>
      %ne3A_584 = vector.broadcast %ne3A_583 : vector<16xi1> to vector<16xi1>
      %ne3A_585 = arith.xori %lt3A_580, %ne3A_584 : vector<16xi1>
      %and3A_586 = arith.andi %ne3A_585, %ne3A_577 : vector<16xi1>
      %add3A_587 = vector.broadcast %select_n3A_572 : i32 to vector<16xi32>
      %add3A_588 = arith.addi %rem3A_574, %add3A_587 : vector<16xi32>
      %select_n3A_589 = arith.select %and3A_586, %add3A_588, %rem3A_574 : vector<16xi1>, vector<16xi32>
      %add3A_590 = vector.broadcast %mul3A_4 : i32 to vector<16xi32>
      %add3A_591 = arith.addi %add3A_590, %add3A_526 : vector<16xi32>
      %broadcast_in_dim3A_592 = vector.broadcast %add3A_6 : i32 to vector<16xi32>
      %jit3A_593 = arith.constant 0 : i32
      %broadcast_in_dim3A_594 = vector.broadcast %jit3A_593 : i32 to vector<16xi32>
      %select_n3A_595 = arith.select %lt3A_536, %get3A_533, %broadcast_in_dim3A_594 : vector<16xi1>, vector<16xi32>
      %swap3A_596 = arith.index_cast %scan3A_31 : i32 to index
      %swap3A_597 = arith.constant 80 : index
      %swap3A_598 = tpu.vector_load %arg8[%swap3A_596, %swap3A_597] {strides = array<i32>} : memref<50x128xi32, #tpu.memory_space<vmem>>, vector<1x16xi32>,
      %swap3A_599 = vector.shape_cast %swap3A_598 : vector<1x16xi32> to vector<16xi32>
      %swap3A_600 = vector.shape_cast %select_n3A_595 : vector<16xi32> to vector<1x16xi32>
      tpu.vector_store %arg8[%swap3A_596, %swap3A_597], %swap3A_600 {strides = array<i32>} : memref<50x128xi32, #tpu.memory_space<vmem>>, vector<1x16xi32>,
      %select_n3A_601 = arith.select %lt3A_536, %add3A_591, %broadcast_in_dim3A_592 : vector<16xi1>, vector<16xi32>
      %swap3A_602 = arith.index_cast %scan3A_31 : i32 to index
      %swap3A_603 = arith.constant 80 : index
      %swap3A_604 = tpu.vector_load %arg9[%swap3A_602, %swap3A_603] {strides = array<i32>} : memref<50x128xi32, #tpu.memory_space<vmem>>, vector<1x16xi32>,
      %swap3A_605 = vector.shape_cast %swap3A_604 : vector<1x16xi32> to vector<16xi32>
      %swap3A_606 = vector.shape_cast %select_n3A_601 : vector<16xi32> to vector<1x16xi32>
      tpu.vector_store %arg9[%swap3A_602, %swap3A_603], %swap3A_606 {strides = array<i32>} : memref<50x128xi32, #tpu.memory_space<vmem>>, vector<1x16xi32>,
      %swap3A_607 = arith.index_cast %scan3A_31 : i32 to index
      %swap3A_608 = arith.constant 80 : index
      %swap3A_609 = tpu.vector_load %arg10[%swap3A_607, %swap3A_608] {strides = array<i32>} : memref<50x128xi32, #tpu.memory_space<vmem>>, vector<1x16xi32>,
      %swap3A_610 = vector.shape_cast %swap3A_609 : vector<1x16xi32> to vector<16xi32>
      %swap3A_611 = vector.shape_cast %select_n3A_561 : vector<16xi32> to vector<1x16xi32>
      tpu.vector_store %arg10[%swap3A_607, %swap3A_608], %swap3A_611 {strides = array<i32>} : memref<50x128xi32, #tpu.memory_space<vmem>>, vector<1x16xi32>,
      %swap3A_612 = arith.index_cast %scan3A_31 : i32 to index
      %swap3A_613 = arith.constant 80 : index
      %swap3A_614 = tpu.vector_load %arg11[%swap3A_612, %swap3A_613] {strides = array<i32>} : memref<50x128xi32, #tpu.memory_space<vmem>>, vector<1x16xi32>,
      %swap3A_615 = vector.shape_cast %swap3A_614 : vector<1x16xi32> to vector<16xi32>
      %swap3A_616 = vector.shape_cast %select_n3A_589 : vector<16xi32> to vector<1x16xi32>
      tpu.vector_store %arg11[%swap3A_612, %swap3A_613], %swap3A_616 {strides = array<i32>} : memref<50x128xi32, #tpu.memory_space<vmem>>, vector<1x16xi32>,
      %select_n3A_617 = arith.select %lt3A_536, %broadcast_in_dim3A_592, %add3A_591 : vector<16xi1>, vector<16xi32>
      %swap3A_618 = arith.index_cast %scan3A_31 : i32 to index
      %swap3A_619 = arith.constant 80 : index
      %swap3A_620 = tpu.vector_load %arg12[%swap3A_618, %swap3A_619] {strides = array<i32>} : memref<50x128xi32, #tpu.memory_space<vmem>>, vector<1x16xi32>,
      %swap3A_621 = vector.shape_cast %swap3A_620 : vector<1x16xi32> to vector<16xi32>
      %swap3A_622 = vector.shape_cast %select_n3A_617 : vector<16xi32> to vector<1x16xi32>
      tpu.vector_store %arg12[%swap3A_618, %swap3A_619], %swap3A_622 {strides = array<i32>} : memref<50x128xi32, #tpu.memory_space<vmem>>, vector<1x16xi32>,
      %iota3A_623 = tpu.iota {dimensions = array<i32: 0>} : vector<16xi32>
      %add3A_624 = arith.constant 96 : i32
      %add3A_625 = vector.broadcast %add3A_624 : i32 to vector<16xi32>
      %add3A_626 = arith.addi %add3A_625, %iota3A_623 : vector<16xi32>
      %mul3A_627 = arith.constant 128 : i32
      %mul3A_628 = arith.muli %scan3A_31, %mul3A_627 : i32
      %add3A_629 = arith.constant 96 : i32
      %add3A_630 = arith.addi %mul3A_628, %add3A_629 : i32
      %get3A_631 = arith.index_cast %add3A_630 : i32 to index
      %get3A_632 = tpu.vector_load %arg7[%get3A_631] {strides = array<i32>} : memref<6400xi32, #tpu.memory_space<vmem>>, vector<16xi32>,
      %get3A_633 = vector.shape_cast %get3A_632 : vector<16xi32> to vector<16xi32>
      %lt3A_634 = arith.constant 30000 : i32
      %lt3A_635 = vector.broadcast %lt3A_634 : i32 to vector<16xi32>
      %lt3A_636 = arith.cmpi slt, %get3A_633, %lt3A_635 : vector<16xi32>
      %mul3A_637 = arith.constant 7 : i32
      %mul3A_638 = vector.broadcast %mul3A_637 : i32 to vector<16xi32>
      %mul3A_639 = arith.muli %get3A_633, %mul3A_638 : vector<16xi32>
      %jit3A_640 = arith.constant 140000 : i32
      %eq3A_641 = arith.constant 0 : i32
      %eq3A_642 = arith.cmpi eq, %jit3A_640, %eq3A_641 : i32
      %jit3A_643 = arith.constant 1 : i32
      %select_n3A_644 = arith.select %eq3A_642, %jit3A_643, %jit3A_640 : i32
      %rem3A_645 = vector.broadcast %select_n3A_644 : i32 to vector<16xi32>
      %rem3A_646 = arith.remsi %mul3A_639, %rem3A_645 : vector<16xi32>
      %ne3A_647 = arith.constant 0 : i32
      %ne3A_648 = vector.broadcast %ne3A_647 : i32 to vector<16xi32>
      %ne3A_649 = arith.cmpi ne, %rem3A_646, %ne3A_648 : vector<16xi32>
      %lt3A_650 = arith.constant 0 : i32
      %lt3A_651 = vector.broadcast %lt3A_650 : i32 to vector<16xi32>
      %lt3A_652 = arith.cmpi slt, %rem3A_646, %lt3A_651 : vector<16xi32>
      %lt3A_653 = arith.constant 0 : i32
      %lt3A_654 = arith.cmpi slt, %select_n3A_644, %lt3A_653 : i32
      %ne3A_655 = vector.broadcast %lt3A_654 : i1 to vector<16xi1>
      %ne3A_656 = vector.broadcast %ne3A_655 : vector<16xi1> to vector<16xi1>
      %ne3A_657 = arith.xori %lt3A_652, %ne3A_656 : vector<16xi1>
      %and3A_658 = arith.andi %ne3A_657, %ne3A_649 : vector<16xi1>
      %add3A_659 = vector.broadcast %select_n3A_644 : i32 to vector<16xi32>
      %add3A_660 = arith.addi %rem3A_646, %add3A_659 : vector<16xi32>
      %select_n3A_661 = arith.select %and3A_658, %add3A_660, %rem3A_646 : vector<16xi1>, vector<16xi32>
      %mul3A_662 = arith.constant 7 : i32
      %mul3A_663 = vector.broadcast %mul3A_662 : i32 to vector<16xi32>
      %mul3A_664 = arith.muli %get3A_633, %mul3A_663 : vector<16xi32>
      %add3A_665 = arith.constant 3 : i32
      %add3A_666 = vector.broadcast %add3A_665 : i32 to vector<16xi32>
      %add3A_667 = arith.addi %mul3A_664, %add3A_666 : vector<16xi32>
      %jit3A_668 = arith.constant 60001 : i32
      %eq3A_669 = arith.constant 0 : i32
      %eq3A_670 = arith.cmpi eq, %jit3A_668, %eq3A_669 : i32
      %jit3A_671 = arith.constant 1 : i32
      %select_n3A_672 = arith.select %eq3A_670, %jit3A_671, %jit3A_668 : i32
      %rem3A_673 = vector.broadcast %select_n3A_672 : i32 to vector<16xi32>
      %rem3A_674 = arith.remsi %add3A_667, %rem3A_673 : vector<16xi32>
      %ne3A_675 = arith.constant 0 : i32
      %ne3A_676 = vector.broadcast %ne3A_675 : i32 to vector<16xi32>
      %ne3A_677 = arith.cmpi ne, %rem3A_674, %ne3A_676 : vector<16xi32>
      %lt3A_678 = arith.constant 0 : i32
      %lt3A_679 = vector.broadcast %lt3A_678 : i32 to vector<16xi32>
      %lt3A_680 = arith.cmpi slt, %rem3A_674, %lt3A_679 : vector<16xi32>
      %lt3A_681 = arith.constant 0 : i32
      %lt3A_682 = arith.cmpi slt, %select_n3A_672, %lt3A_681 : i32
      %ne3A_683 = vector.broadcast %lt3A_682 : i1 to vector<16xi1>
      %ne3A_684 = vector.broadcast %ne3A_683 : vector<16xi1> to vector<16xi1>
      %ne3A_685 = arith.xori %lt3A_680, %ne3A_684 : vector<16xi1>
      %and3A_686 = arith.andi %ne3A_685, %ne3A_677 : vector<16xi1>
      %add3A_687 = vector.broadcast %select_n3A_672 : i32 to vector<16xi32>
      %add3A_688 = arith.addi %rem3A_674, %add3A_687 : vector<16xi32>
      %select_n3A_689 = arith.select %and3A_686, %add3A_688, %rem3A_674 : vector<16xi1>, vector<16xi32>
      %add3A_690 = vector.broadcast %mul3A_4 : i32 to vector<16xi32>
      %add3A_691 = arith.addi %add3A_690, %add3A_626 : vector<16xi32>
      %broadcast_in_dim3A_692 = vector.broadcast %add3A_6 : i32 to vector<16xi32>
      %jit3A_693 = arith.constant 0 : i32
      %broadcast_in_dim3A_694 = vector.broadcast %jit3A_693 : i32 to vector<16xi32>
      %select_n3A_695 = arith.select %lt3A_636, %get3A_633, %broadcast_in_dim3A_694 : vector<16xi1>, vector<16xi32>
      %swap3A_696 = arith.index_cast %scan3A_31 : i32 to index
      %swap3A_697 = arith.constant 96 : index
      %swap3A_698 = tpu.vector_load %arg8[%swap3A_696, %swap3A_697] {strides = array<i32>} : memref<50x128xi32, #tpu.memory_space<vmem>>, vector<1x16xi32>,
      %swap3A_699 = vector.shape_cast %swap3A_698 : vector<1x16xi32> to vector<16xi32>
      %swap3A_700 = vector.shape_cast %select_n3A_695 : vector<16xi32> to vector<1x16xi32>
      tpu.vector_store %arg8[%swap3A_696, %swap3A_697], %swap3A_700 {strides = array<i32>} : memref<50x128xi32, #tpu.memory_space<vmem>>, vector<1x16xi32>,
      %select_n3A_701 = arith.select %lt3A_636, %add3A_691, %broadcast_in_dim3A_692 : vector<16xi1>, vector<16xi32>
      %swap3A_702 = arith.index_cast %scan3A_31 : i32 to index
      %swap3A_703 = arith.constant 96 : index
      %swap3A_704 = tpu.vector_load %arg9[%swap3A_702, %swap3A_703] {strides = array<i32>} : memref<50x128xi32, #tpu.memory_space<vmem>>, vector<1x16xi32>,
      %swap3A_705 = vector.shape_cast %swap3A_704 : vector<1x16xi32> to vector<16xi32>
      %swap3A_706 = vector.shape_cast %select_n3A_701 : vector<16xi32> to vector<1x16xi32>
      tpu.vector_store %arg9[%swap3A_702, %swap3A_703], %swap3A_706 {strides = array<i32>} : memref<50x128xi32, #tpu.memory_space<vmem>>, vector<1x16xi32>,
      %swap3A_707 = arith.index_cast %scan3A_31 : i32 to index
      %swap3A_708 = arith.constant 96 : index
      %swap3A_709 = tpu.vector_load %arg10[%swap3A_707, %swap3A_708] {strides = array<i32>} : memref<50x128xi32, #tpu.memory_space<vmem>>, vector<1x16xi32>,
      %swap3A_710 = vector.shape_cast %swap3A_709 : vector<1x16xi32> to vector<16xi32>
      %swap3A_711 = vector.shape_cast %select_n3A_661 : vector<16xi32> to vector<1x16xi32>
      tpu.vector_store %arg10[%swap3A_707, %swap3A_708], %swap3A_711 {strides = array<i32>} : memref<50x128xi32, #tpu.memory_space<vmem>>, vector<1x16xi32>,
      %swap3A_712 = arith.index_cast %scan3A_31 : i32 to index
      %swap3A_713 = arith.constant 96 : index
      %swap3A_714 = tpu.vector_load %arg11[%swap3A_712, %swap3A_713] {strides = array<i32>} : memref<50x128xi32, #tpu.memory_space<vmem>>, vector<1x16xi32>,
      %swap3A_715 = vector.shape_cast %swap3A_714 : vector<1x16xi32> to vector<16xi32>
      %swap3A_716 = vector.shape_cast %select_n3A_689 : vector<16xi32> to vector<1x16xi32>
      tpu.vector_store %arg11[%swap3A_712, %swap3A_713], %swap3A_716 {strides = array<i32>} : memref<50x128xi32, #tpu.memory_space<vmem>>, vector<1x16xi32>,
      %select_n3A_717 = arith.select %lt3A_636, %broadcast_in_dim3A_692, %add3A_691 : vector<16xi1>, vector<16xi32>
      %swap3A_718 = arith.index_cast %scan3A_31 : i32 to index
      %swap3A_719 = arith.constant 96 : index
      %swap3A_720 = tpu.vector_load %arg12[%swap3A_718, %swap3A_719] {strides = array<i32>} : memref<50x128xi32, #tpu.memory_space<vmem>>, vector<1x16xi32>,
      %swap3A_721 = vector.shape_cast %swap3A_720 : vector<1x16xi32> to vector<16xi32>
      %swap3A_722 = vector.shape_cast %select_n3A_717 : vector<16xi32> to vector<1x16xi32>
      tpu.vector_store %arg12[%swap3A_718, %swap3A_719], %swap3A_722 {strides = array<i32>} : memref<50x128xi32, #tpu.memory_space<vmem>>, vector<1x16xi32>,
      %iota3A_723 = tpu.iota {dimensions = array<i32: 0>} : vector<16xi32>
      %add3A_724 = arith.constant 112 : i32
      %add3A_725 = vector.broadcast %add3A_724 : i32 to vector<16xi32>
      %add3A_726 = arith.addi %add3A_725, %iota3A_723 : vector<16xi32>
      %mul3A_727 = arith.constant 128 : i32
      %mul3A_728 = arith.muli %scan3A_31, %mul3A_727 : i32
      %add3A_729 = arith.constant 112 : i32
      %add3A_730 = arith.addi %mul3A_728, %add3A_729 : i32
      %get3A_731 = arith.index_cast %add3A_730 : i32 to index
      %get3A_732 = tpu.vector_load %arg7[%get3A_731] {strides = array<i32>} : memref<6400xi32, #tpu.memory_space<vmem>>, vector<16xi32>,
      %get3A_733 = vector.shape_cast %get3A_732 : vector<16xi32> to vector<16xi32>
      %lt3A_734 = arith.constant 30000 : i32
      %lt3A_735 = vector.broadcast %lt3A_734 : i32 to vector<16xi32>
      %lt3A_736 = arith.cmpi slt, %get3A_733, %lt3A_735 : vector<16xi32>
      %mul3A_737 = arith.constant 7 : i32
      %mul3A_738 = vector.broadcast %mul3A_737 : i32 to vector<16xi32>
      %mul3A_739 = arith.muli %get3A_733, %mul3A_738 : vector<16xi32>
      %jit3A_740 = arith.constant 140000 : i32
      %eq3A_741 = arith.constant 0 : i32
      %eq3A_742 = arith.cmpi eq, %jit3A_740, %eq3A_741 : i32
      %jit3A_743 = arith.constant 1 : i32
      %select_n3A_744 = arith.select %eq3A_742, %jit3A_743, %jit3A_740 : i32
      %rem3A_745 = vector.broadcast %select_n3A_744 : i32 to vector<16xi32>
      %rem3A_746 = arith.remsi %mul3A_739, %rem3A_745 : vector<16xi32>
      %ne3A_747 = arith.constant 0 : i32
      %ne3A_748 = vector.broadcast %ne3A_747 : i32 to vector<16xi32>
      %ne3A_749 = arith.cmpi ne, %rem3A_746, %ne3A_748 : vector<16xi32>
      %lt3A_750 = arith.constant 0 : i32
      %lt3A_751 = vector.broadcast %lt3A_750 : i32 to vector<16xi32>
      %lt3A_752 = arith.cmpi slt, %rem3A_746, %lt3A_751 : vector<16xi32>
      %lt3A_753 = arith.constant 0 : i32
      %lt3A_754 = arith.cmpi slt, %select_n3A_744, %lt3A_753 : i32
      %ne3A_755 = vector.broadcast %lt3A_754 : i1 to vector<16xi1>
      %ne3A_756 = vector.broadcast %ne3A_755 : vector<16xi1> to vector<16xi1>
      %ne3A_757 = arith.xori %lt3A_752, %ne3A_756 : vector<16xi1>
      %and3A_758 = arith.andi %ne3A_757, %ne3A_749 : vector<16xi1>
      %add3A_759 = vector.broadcast %select_n3A_744 : i32 to vector<16xi32>
      %add3A_760 = arith.addi %rem3A_746, %add3A_759 : vector<16xi32>
      %select_n3A_761 = arith.select %and3A_758, %add3A_760, %rem3A_746 : vector<16xi1>, vector<16xi32>
      %mul3A_762 = arith.constant 7 : i32
      %mul3A_763 = vector.broadcast %mul3A_762 : i32 to vector<16xi32>
      %mul3A_764 = arith.muli %get3A_733, %mul3A_763 : vector<16xi32>
      %add3A_765 = arith.constant 3 : i32
      %add3A_766 = vector.broadcast %add3A_765 : i32 to vector<16xi32>
      %add3A_767 = arith.addi %mul3A_764, %add3A_766 : vector<16xi32>
      %jit3A_768 = arith.constant 60001 : i32
      %eq3A_769 = arith.constant 0 : i32
      %eq3A_770 = arith.cmpi eq, %jit3A_768, %eq3A_769 : i32
      %jit3A_771 = arith.constant 1 : i32
      %select_n3A_772 = arith.select %eq3A_770, %jit3A_771, %jit3A_768 : i32
      %rem3A_773 = vector.broadcast %select_n3A_772 : i32 to vector<16xi32>
      %rem3A_774 = arith.remsi %add3A_767, %rem3A_773 : vector<16xi32>
      %ne3A_775 = arith.constant 0 : i32
      %ne3A_776 = vector.broadcast %ne3A_775 : i32 to vector<16xi32>
      %ne3A_777 = arith.cmpi ne, %rem3A_774, %ne3A_776 : vector<16xi32>
      %lt3A_778 = arith.constant 0 : i32
      %lt3A_779 = vector.broadcast %lt3A_778 : i32 to vector<16xi32>
      %lt3A_780 = arith.cmpi slt, %rem3A_774, %lt3A_779 : vector<16xi32>
      %lt3A_781 = arith.constant 0 : i32
      %lt3A_782 = arith.cmpi slt, %select_n3A_772, %lt3A_781 : i32
      %ne3A_783 = vector.broadcast %lt3A_782 : i1 to vector<16xi1>
      %ne3A_784 = vector.broadcast %ne3A_783 : vector<16xi1> to vector<16xi1>
      %ne3A_785 = arith.xori %lt3A_780, %ne3A_784 : vector<16xi1>
      %and3A_786 = arith.andi %ne3A_785, %ne3A_777 : vector<16xi1>
      %add3A_787 = vector.broadcast %select_n3A_772 : i32 to vector<16xi32>
      %add3A_788 = arith.addi %rem3A_774, %add3A_787 : vector<16xi32>
      %select_n3A_789 = arith.select %and3A_786, %add3A_788, %rem3A_774 : vector<16xi1>, vector<16xi32>
      %add3A_790 = vector.broadcast %mul3A_4 : i32 to vector<16xi32>
      %add3A_791 = arith.addi %add3A_790, %add3A_726 : vector<16xi32>
      %broadcast_in_dim3A_792 = vector.broadcast %add3A_6 : i32 to vector<16xi32>
      %jit3A_793 = arith.constant 0 : i32
      %broadcast_in_dim3A_794 = vector.broadcast %jit3A_793 : i32 to vector<16xi32>
      %select_n3A_795 = arith.select %lt3A_736, %get3A_733, %broadcast_in_dim3A_794 : vector<16xi1>, vector<16xi32>
      %swap3A_796 = arith.index_cast %scan3A_31 : i32 to index
      %swap3A_797 = arith.constant 112 : index
      %swap3A_798 = tpu.vector_load %arg8[%swap3A_796, %swap3A_797] {strides = array<i32>} : memref<50x128xi32, #tpu.memory_space<vmem>>, vector<1x16xi32>,
      %swap3A_799 = vector.shape_cast %swap3A_798 : vector<1x16xi32> to vector<16xi32>
      %swap3A_800 = vector.shape_cast %select_n3A_795 : vector<16xi32> to vector<1x16xi32>
      tpu.vector_store %arg8[%swap3A_796, %swap3A_797], %swap3A_800 {strides = array<i32>} : memref<50x128xi32, #tpu.memory_space<vmem>>, vector<1x16xi32>,
      %select_n3A_801 = arith.select %lt3A_736, %add3A_791, %broadcast_in_dim3A_792 : vector<16xi1>, vector<16xi32>
      %swap3A_802 = arith.index_cast %scan3A_31 : i32 to index
      %swap3A_803 = arith.constant 112 : index
      %swap3A_804 = tpu.vector_load %arg9[%swap3A_802, %swap3A_803] {strides = array<i32>} : memref<50x128xi32, #tpu.memory_space<vmem>>, vector<1x16xi32>,
      %swap3A_805 = vector.shape_cast %swap3A_804 : vector<1x16xi32> to vector<16xi32>
      %swap3A_806 = vector.shape_cast %select_n3A_801 : vector<16xi32> to vector<1x16xi32>
      tpu.vector_store %arg9[%swap3A_802, %swap3A_803], %swap3A_806 {strides = array<i32>} : memref<50x128xi32, #tpu.memory_space<vmem>>, vector<1x16xi32>,
      %swap3A_807 = arith.index_cast %scan3A_31 : i32 to index
      %swap3A_808 = arith.constant 112 : index
      %swap3A_809 = tpu.vector_load %arg10[%swap3A_807, %swap3A_808] {strides = array<i32>} : memref<50x128xi32, #tpu.memory_space<vmem>>, vector<1x16xi32>,
      %swap3A_810 = vector.shape_cast %swap3A_809 : vector<1x16xi32> to vector<16xi32>
      %swap3A_811 = vector.shape_cast %select_n3A_761 : vector<16xi32> to vector<1x16xi32>
      tpu.vector_store %arg10[%swap3A_807, %swap3A_808], %swap3A_811 {strides = array<i32>} : memref<50x128xi32, #tpu.memory_space<vmem>>, vector<1x16xi32>,
      %swap3A_812 = arith.index_cast %scan3A_31 : i32 to index
      %swap3A_813 = arith.constant 112 : index
      %swap3A_814 = tpu.vector_load %arg11[%swap3A_812, %swap3A_813] {strides = array<i32>} : memref<50x128xi32, #tpu.memory_space<vmem>>, vector<1x16xi32>,
      %swap3A_815 = vector.shape_cast %swap3A_814 : vector<1x16xi32> to vector<16xi32>
      %swap3A_816 = vector.shape_cast %select_n3A_789 : vector<16xi32> to vector<1x16xi32>
      tpu.vector_store %arg11[%swap3A_812, %swap3A_813], %swap3A_816 {strides = array<i32>} : memref<50x128xi32, #tpu.memory_space<vmem>>, vector<1x16xi32>,
      %select_n3A_817 = arith.select %lt3A_736, %broadcast_in_dim3A_792, %add3A_791 : vector<16xi1>, vector<16xi32>
      %swap3A_818 = arith.index_cast %scan3A_31 : i32 to index
      %swap3A_819 = arith.constant 112 : index
      %swap3A_820 = tpu.vector_load %arg12[%swap3A_818, %swap3A_819] {strides = array<i32>} : memref<50x128xi32, #tpu.memory_space<vmem>>, vector<1x16xi32>,
      %swap3A_821 = vector.shape_cast %swap3A_820 : vector<1x16xi32> to vector<16xi32>
      %swap3A_822 = vector.shape_cast %select_n3A_817 : vector<16xi32> to vector<1x16xi32>
      tpu.vector_store %arg12[%swap3A_818, %swap3A_819], %swap3A_822 {strides = array<i32>} : memref<50x128xi32, #tpu.memory_space<vmem>>, vector<1x16xi32>,
      %scan3A_823 = arith.constant 0 : i32
      scf.yield %scan3A_823 : i32
    }
    %scan3A_12 = arith.constant 50 : i32
    %broadcast_in_dim3A = arith.constant 0.000000e+00 : f32
    %broadcast_in_dim3A_13 = vector.broadcast %broadcast_in_dim3A : f32 to vector<16xf32>
    %scan3A_14 = arith.constant 0 : i32
    %scan3A_15 = arith.constant 0 : i32
    %scan3A_16 = arith.constant 128 : i32
    %scan3A_17 = arith.addi %scan3A_15, %scan3A_16 : i32
    %scan3A_18 = arith.constant 1 : i32
    %scan3A_19 = scf.for %scan3A_31 = %scan3A_15 to %scan3A_17 step %scan3A_18 iter_args(%scan3A_32 = %scan3A_14) -> (i32)  : i32 {
      %swap3A = arith.constant 0 : i32
      %swap3A_33 = arith.index_cast %swap3A : i32 to index
      %swap3A_34 = arith.index_cast %scan3A_31 : i32 to index
      %swap3A_35 = arith.constant 0 : index
      %swap3A_36 = tpu.vector_load %arg13[%swap3A_33, %swap3A_34, %swap3A_35] {strides = array<i32>} : memref<3x128x128xf32, #tpu.memory_space<vmem>>, vector<1x1x16xf32>,
      %swap3A_37 = vector.shape_cast %swap3A_36 : vector<1x1x16xf32> to vector<16xf32>
      %swap3A_38 = vector.shape_cast %broadcast_in_dim3A_13 : vector<16xf32> to vector<1x1x16xf32>
      tpu.vector_store %arg13[%swap3A_33, %swap3A_34, %swap3A_35], %swap3A_38 {strides = array<i32>} : memref<3x128x128xf32, #tpu.memory_space<vmem>>, vector<1x1x16xf32>,
      %swap3A_39 = arith.constant 0 : i32
      %swap3A_40 = arith.index_cast %swap3A_39 : i32 to index
      %swap3A_41 = arith.index_cast %scan3A_31 : i32 to index
      %swap3A_42 = arith.constant 16 : index
      %swap3A_43 = tpu.vector_load %arg13[%swap3A_40, %swap3A_41, %swap3A_42] {strides = array<i32>} : memref<3x128x128xf32, #tpu.memory_space<vmem>>, vector<1x1x16xf32>,
      %swap3A_44 = vector.shape_cast %swap3A_43 : vector<1x1x16xf32> to vector<16xf32>
      %swap3A_45 = vector.shape_cast %broadcast_in_dim3A_13 : vector<16xf32> to vector<1x1x16xf32>
      tpu.vector_store %arg13[%swap3A_40, %swap3A_41, %swap3A_42], %swap3A_45 {strides = array<i32>} : memref<3x128x128xf32, #tpu.memory_space<vmem>>, vector<1x1x16xf32>,
      %swap3A_46 = arith.constant 0 : i32
      %swap3A_47 = arith.index_cast %swap3A_46 : i32 to index
      %swap3A_48 = arith.index_cast %scan3A_31 : i32 to index
      %swap3A_49 = arith.constant 32 : index
      %swap3A_50 = tpu.vector_load %arg13[%swap3A_47, %swap3A_48, %swap3A_49] {strides = array<i32>} : memref<3x128x128xf32, #tpu.memory_space<vmem>>, vector<1x1x16xf32>,
      %swap3A_51 = vector.shape_cast %swap3A_50 : vector<1x1x16xf32> to vector<16xf32>
      %swap3A_52 = vector.shape_cast %broadcast_in_dim3A_13 : vector<16xf32> to vector<1x1x16xf32>
      tpu.vector_store %arg13[%swap3A_47, %swap3A_48, %swap3A_49], %swap3A_52 {strides = array<i32>} : memref<3x128x128xf32, #tpu.memory_space<vmem>>, vector<1x1x16xf32>,
      %swap3A_53 = arith.constant 0 : i32
      %swap3A_54 = arith.index_cast %swap3A_53 : i32 to index
      %swap3A_55 = arith.index_cast %scan3A_31 : i32 to index
      %swap3A_56 = arith.constant 48 : index
      %swap3A_57 = tpu.vector_load %arg13[%swap3A_54, %swap3A_55, %swap3A_56] {strides = array<i32>} : memref<3x128x128xf32, #tpu.memory_space<vmem>>, vector<1x1x16xf32>,
      %swap3A_58 = vector.shape_cast %swap3A_57 : vector<1x1x16xf32> to vector<16xf32>
      %swap3A_59 = vector.shape_cast %broadcast_in_dim3A_13 : vector<16xf32> to vector<1x1x16xf32>
      tpu.vector_store %arg13[%swap3A_54, %swap3A_55, %swap3A_56], %swap3A_59 {strides = array<i32>} : memref<3x128x128xf32, #tpu.memory_space<vmem>>, vector<1x1x16xf32>,
      %swap3A_60 = arith.constant 0 : i32
      %swap3A_61 = arith.index_cast %swap3A_60 : i32 to index
      %swap3A_62 = arith.index_cast %scan3A_31 : i32 to index
      %swap3A_63 = arith.constant 64 : index
      %swap3A_64 = tpu.vector_load %arg13[%swap3A_61, %swap3A_62, %swap3A_63] {strides = array<i32>} : memref<3x128x128xf32, #tpu.memory_space<vmem>>, vector<1x1x16xf32>,
      %swap3A_65 = vector.shape_cast %swap3A_64 : vector<1x1x16xf32> to vector<16xf32>
      %swap3A_66 = vector.shape_cast %broadcast_in_dim3A_13 : vector<16xf32> to vector<1x1x16xf32>
      tpu.vector_store %arg13[%swap3A_61, %swap3A_62, %swap3A_63], %swap3A_66 {strides = array<i32>} : memref<3x128x128xf32, #tpu.memory_space<vmem>>, vector<1x1x16xf32>,
      %swap3A_67 = arith.constant 0 : i32
      %swap3A_68 = arith.index_cast %swap3A_67 : i32 to index
      %swap3A_69 = arith.index_cast %scan3A_31 : i32 to index
      %swap3A_70 = arith.constant 80 : index
      %swap3A_71 = tpu.vector_load %arg13[%swap3A_68, %swap3A_69, %swap3A_70] {strides = array<i32>} : memref<3x128x128xf32, #tpu.memory_space<vmem>>, vector<1x1x16xf32>,
      %swap3A_72 = vector.shape_cast %swap3A_71 : vector<1x1x16xf32> to vector<16xf32>
      %swap3A_73 = vector.shape_cast %broadcast_in_dim3A_13 : vector<16xf32> to vector<1x1x16xf32>
      tpu.vector_store %arg13[%swap3A_68, %swap3A_69, %swap3A_70], %swap3A_73 {strides = array<i32>} : memref<3x128x128xf32, #tpu.memory_space<vmem>>, vector<1x1x16xf32>,
      %swap3A_74 = arith.constant 0 : i32
      %swap3A_75 = arith.index_cast %swap3A_74 : i32 to index
      %swap3A_76 = arith.index_cast %scan3A_31 : i32 to index
      %swap3A_77 = arith.constant 96 : index
      %swap3A_78 = tpu.vector_load %arg13[%swap3A_75, %swap3A_76, %swap3A_77] {strides = array<i32>} : memref<3x128x128xf32, #tpu.memory_space<vmem>>, vector<1x1x16xf32>,
      %swap3A_79 = vector.shape_cast %swap3A_78 : vector<1x1x16xf32> to vector<16xf32>
      %swap3A_80 = vector.shape_cast %broadcast_in_dim3A_13 : vector<16xf32> to vector<1x1x16xf32>
      tpu.vector_store %arg13[%swap3A_75, %swap3A_76, %swap3A_77], %swap3A_80 {strides = array<i32>} : memref<3x128x128xf32, #tpu.memory_space<vmem>>, vector<1x1x16xf32>,
      %swap3A_81 = arith.constant 0 : i32
      %swap3A_82 = arith.index_cast %swap3A_81 : i32 to index
      %swap3A_83 = arith.index_cast %scan3A_31 : i32 to index
      %swap3A_84 = arith.constant 112 : index
      %swap3A_85 = tpu.vector_load %arg13[%swap3A_82, %swap3A_83, %swap3A_84] {strides = array<i32>} : memref<3x128x128xf32, #tpu.memory_space<vmem>>, vector<1x1x16xf32>,
      %swap3A_86 = vector.shape_cast %swap3A_85 : vector<1x1x16xf32> to vector<16xf32>
      %swap3A_87 = vector.shape_cast %broadcast_in_dim3A_13 : vector<16xf32> to vector<1x1x16xf32>
      tpu.vector_store %arg13[%swap3A_82, %swap3A_83, %swap3A_84], %swap3A_87 {strides = array<i32>} : memref<3x128x128xf32, #tpu.memory_space<vmem>>, vector<1x1x16xf32>,
      %scan3A_88 = arith.constant 0 : i32
      scf.yield %scan3A_88 : i32
    }
    %scan3A_20 = arith.constant 128 : i32
    %run_scoped3A = arith.constant 0 : i32
    "tpu.region"() ({
      %run_scoped3A_31 = tpu.sem_alloc : memref<!tpu.dma_semaphore, #tpu.memory_space<semaphore_mem>>
      %dma_start3A = arith.constant 0 : i32
      %dma_start3A_32 = arith.constant 0 : i32
      %dma_start3A_33 = tpu.memref_slice %arg13[%run_scoped3A, %dma_start3A, %dma_start3A_32] : memref<3x128x128xf32, #tpu.memory_space<vmem>> -> memref<1x128x128xf32, #tpu.memory_space<vmem>>
      %dma_start3A_34 = tpu.memref_squeeze %dma_start3A_33 : memref<1x128x128xf32, #tpu.memory_space<vmem>> -> memref<128x128xf32, #tpu.memory_space<vmem>>
      %dma_start3A_35 = arith.constant 0 : i32
      %dma_start3A_36 = tpu.memref_slice %arg14[%mul3A_4, %dma_start3A_35] : memref<2064x128xf32, #tpu.memory_space<vmem_shared>> -> memref<128x128xf32, #tpu.memory_space<vmem_shared>>
      %dma_start3A_37 = arith.constant 0 : i32
      %dma_start3A_38 = tpu.memref_slice %arg14[%mul3A_4, %dma_start3A_37] : memref<2064x128xf32, #tpu.memory_space<vmem_shared>> -> memref<128x128xf32, #tpu.memory_space<vmem_shared>>
      %dma_start3A_39 = arith.constant 0 : i32
      %dma_start3A_40 = arith.constant 0 : i32
      %dma_start3A_41 = tpu.memref_slice %arg13[%run_scoped3A, %dma_start3A_39, %dma_start3A_40] : memref<3x128x128xf32, #tpu.memory_space<vmem>> -> memref<1x128x128xf32, #tpu.memory_space<vmem>>
      %dma_start3A_42 = tpu.memref_squeeze %dma_start3A_41 : memref<1x128x128xf32, #tpu.memory_space<vmem>> -> memref<128x128xf32, #tpu.memory_space<vmem>>
      tpu.enqueue_dma source(%dma_start3A_42 : memref<128x128xf32, #tpu.memory_space<vmem>>) target(%dma_start3A_38 : memref<128x128xf32, #tpu.memory_space<vmem_shared>>) target_semaphore(%run_scoped3A_31 : memref<!tpu.dma_semaphore, #tpu.memory_space<semaphore_mem>>)
      %dma_wait3A = arith.constant 0 : i32
      %dma_wait3A_43 = arith.constant 0 : i32
      %dma_wait3A_44 = tpu.memref_slice %arg13[%run_scoped3A, %dma_wait3A, %dma_wait3A_43] : memref<3x128x128xf32, #tpu.memory_space<vmem>> -> memref<1x128x128xf32, #tpu.memory_space<vmem>>
      %dma_wait3A_45 = tpu.memref_squeeze %dma_wait3A_44 : memref<1x128x128xf32, #tpu.memory_space<vmem>> -> memref<128x128xf32, #tpu.memory_space<vmem>>
      %dma_wait3A_46 = arith.constant 0 : i32
      %dma_wait3A_47 = tpu.memref_slice %arg14[%mul3A_4, %dma_wait3A_46] : memref<2064x128xf32, #tpu.memory_space<vmem_shared>> -> memref<128x128xf32, #tpu.memory_space<vmem_shared>>
      %dma_wait3A_48 = arith.constant 0 : i32
      %dma_wait3A_49 = tpu.memref_slice %arg14[%mul3A_4, %dma_wait3A_48] : memref<2064x128xf32, #tpu.memory_space<vmem_shared>> -> memref<128x128xf32, #tpu.memory_space<vmem_shared>>
      %dma_wait3A_50 = arith.constant 0 : i32
      %dma_wait3A_51 = arith.constant 0 : i32
      %dma_wait3A_52 = tpu.memref_slice %arg13[%run_scoped3A, %dma_wait3A_50, %dma_wait3A_51] : memref<3x128x128xf32, #tpu.memory_space<vmem>> -> memref<1x128x128xf32, #tpu.memory_space<vmem>>
      %dma_wait3A_53 = tpu.memref_squeeze %dma_wait3A_52 : memref<1x128x128xf32, #tpu.memory_space<vmem>> -> memref<128x128xf32, #tpu.memory_space<vmem>>
      tpu.wait_dma2 semaphore(%run_scoped3A_31 : memref<!tpu.dma_semaphore, #tpu.memory_space<semaphore_mem>>) src(%dma_wait3A_53 : memref<128x128xf32, #tpu.memory_space<vmem>>) dst(%dma_wait3A_49 : memref<128x128xf32, #tpu.memory_space<vmem_shared>>)
      tpu.yield
    }) : () -> ()
    %run_scoped3A_21 = arith.constant 0 : i32
    "tpu.region"() ({
      %run_scoped3A_31 = tpu.sem_alloc : memref<!tpu.dma_semaphore, #tpu.memory_space<semaphore_mem>>
      %dma_start3A = arith.constant 0 : i32
      %dma_start3A_32 = arith.constant 0 : i32
      %dma_start3A_33 = tpu.memref_slice %arg13[%run_scoped3A_21, %dma_start3A, %dma_start3A_32] : memref<3x128x128xf32, #tpu.memory_space<vmem>> -> memref<1x1x128xf32, #tpu.memory_space<vmem>>
      %dma_start3A_34 = tpu.memref_squeeze %dma_start3A_33 : memref<1x1x128xf32, #tpu.memory_space<vmem>> -> memref<1x128xf32, #tpu.memory_space<vmem>>
      %dma_start3A_35 = arith.constant 0 : i32
      %dma_start3A_36 = tpu.memref_slice %arg14[%add3A_6, %dma_start3A_35] : memref<2064x128xf32, #tpu.memory_space<vmem_shared>> -> memref<1x128xf32, #tpu.memory_space<vmem_shared>>
      %dma_start3A_37 = arith.constant 0 : i32
      %dma_start3A_38 = tpu.memref_slice %arg14[%add3A_6, %dma_start3A_37] : memref<2064x128xf32, #tpu.memory_space<vmem_shared>> -> memref<1x128xf32, #tpu.memory_space<vmem_shared>>
      %dma_start3A_39 = arith.constant 0 : i32
      %dma_start3A_40 = arith.constant 0 : i32
      %dma_start3A_41 = tpu.memref_slice %arg13[%run_scoped3A_21, %dma_start3A_39, %dma_start3A_40] : memref<3x128x128xf32, #tpu.memory_space<vmem>> -> memref<1x1x128xf32, #tpu.memory_space<vmem>>
      %dma_start3A_42 = tpu.memref_squeeze %dma_start3A_41 : memref<1x1x128xf32, #tpu.memory_space<vmem>> -> memref<1x128xf32, #tpu.memory_space<vmem>>
      tpu.enqueue_dma source(%dma_start3A_42 : memref<1x128xf32, #tpu.memory_space<vmem>>) target(%dma_start3A_38 : memref<1x128xf32, #tpu.memory_space<vmem_shared>>) target_semaphore(%run_scoped3A_31 : memref<!tpu.dma_semaphore, #tpu.memory_space<semaphore_mem>>)
      %dma_wait3A = arith.constant 0 : i32
      %dma_wait3A_43 = arith.constant 0 : i32
      %dma_wait3A_44 = tpu.memref_slice %arg13[%run_scoped3A_21, %dma_wait3A, %dma_wait3A_43] : memref<3x128x128xf32, #tpu.memory_space<vmem>> -> memref<1x1x128xf32, #tpu.memory_space<vmem>>
      %dma_wait3A_45 = tpu.memref_squeeze %dma_wait3A_44 : memref<1x1x128xf32, #tpu.memory_space<vmem>> -> memref<1x128xf32, #tpu.memory_space<vmem>>
      %dma_wait3A_46 = arith.constant 0 : i32
      %dma_wait3A_47 = tpu.memref_slice %arg14[%add3A_6, %dma_wait3A_46] : memref<2064x128xf32, #tpu.memory_space<vmem_shared>> -> memref<1x128xf32, #tpu.memory_space<vmem_shared>>
      %dma_wait3A_48 = arith.constant 0 : i32
      %dma_wait3A_49 = tpu.memref_slice %arg14[%add3A_6, %dma_wait3A_48] : memref<2064x128xf32, #tpu.memory_space<vmem_shared>> -> memref<1x128xf32, #tpu.memory_space<vmem_shared>>
      %dma_wait3A_50 = arith.constant 0 : i32
      %dma_wait3A_51 = arith.constant 0 : i32
      %dma_wait3A_52 = tpu.memref_slice %arg13[%run_scoped3A_21, %dma_wait3A_50, %dma_wait3A_51] : memref<3x128x128xf32, #tpu.memory_space<vmem>> -> memref<1x1x128xf32, #tpu.memory_space<vmem>>
      %dma_wait3A_53 = tpu.memref_squeeze %dma_wait3A_52 : memref<1x1x128xf32, #tpu.memory_space<vmem>> -> memref<1x128xf32, #tpu.memory_space<vmem>>
      tpu.wait_dma2 semaphore(%run_scoped3A_31 : memref<!tpu.dma_semaphore, #tpu.memory_space<semaphore_mem>>) src(%dma_wait3A_53 : memref<1x128xf32, #tpu.memory_space<vmem>>) dst(%dma_wait3A_49 : memref<1x128xf32, #tpu.memory_space<vmem_shared>>)
      tpu.yield
    }) : () -> ()
    %scan3A_22 = arith.constant 0 : i32
    %scan3A_23 = arith.constant 0 : i32
    %scan3A_24 = arith.constant 50 : i32
    %scan3A_25 = arith.addi %scan3A_23, %scan3A_24 : i32
    %scan3A_26 = arith.constant 1 : i32
    %scan3A_27 = scf.for %scan3A_31 = %scan3A_23 to %scan3A_25 step %scan3A_26 iter_args(%scan3A_32 = %scan3A_22) -> (i32)  : i32 {
      %dma_start3A = arith.constant 0 : i32
      %dma_start3A_33 = arith.constant 0 : i32
      %dma_start3A_34 = arith.constant 0 : i32
      %dma_start3A_35 = tpu.memref_slice %arg13[%dma_start3A, %dma_start3A_33, %dma_start3A_34] : memref<3x128x128xf32, #tpu.memory_space<vmem>> -> memref<1x128x128xf32, #tpu.memory_space<vmem>>
      %dma_start3A_36 = tpu.memref_squeeze %dma_start3A_35 : memref<1x128x128xf32, #tpu.memory_space<vmem>> -> memref<128x128xf32, #tpu.memory_space<vmem>>
      %dma_start3A_37 = arith.constant 0 : i32
      %dma_start3A_38 = tpu.memref_slice %arg8[%scan3A_31, %dma_start3A_37] : memref<50x128xi32, #tpu.memory_space<vmem>> -> memref<1x128xi32, #tpu.memory_space<vmem>>
      %dma_start3A_39 = tpu.memref_squeeze %dma_start3A_38 : memref<1x128xi32, #tpu.memory_space<vmem>> -> memref<128xi32, #tpu.memory_space<vmem>>
      %dma_start3A_40 = arith.constant 0 : i32
      %dma_start3A_41 = arith.constant 0 : i32
      %dma_start3A_42 = tpu.memref_slice %arg3[%dma_start3A_40, %dma_start3A_41] : memref<30000x128xf32, #tpu.memory_space<hbm>> -> memref<30000x128xf32, #tpu.memory_space<hbm>>
      tpu.enqueue_indirect_dma source(%dma_start3A_42 : memref<30000x128xf32, #tpu.memory_space<hbm>>) target(%dma_start3A_36 : memref<128x128xf32, #tpu.memory_space<vmem>>) offsets(%dma_start3A_39 : memref<128xi32, #tpu.memory_space<vmem>>) semaphore(%arg15 : memref<!tpu.dma_semaphore, #tpu.memory_space<semaphore_mem>>)
      %dma_start3A_43 = arith.constant 1 : i32
      %dma_start3A_44 = arith.constant 0 : i32
      %dma_start3A_45 = arith.constant 0 : i32
      %dma_start3A_46 = tpu.memref_slice %arg13[%dma_start3A_43, %dma_start3A_44, %dma_start3A_45] : memref<3x128x128xf32, #tpu.memory_space<vmem>> -> memref<1x128x128xf32, #tpu.memory_space<vmem>>
      %dma_start3A_47 = tpu.memref_squeeze %dma_start3A_46 : memref<1x128x128xf32, #tpu.memory_space<vmem>> -> memref<128x128xf32, #tpu.memory_space<vmem>>
      %dma_start3A_48 = arith.constant 0 : i32
      %dma_start3A_49 = tpu.memref_slice %arg10[%scan3A_31, %dma_start3A_48] : memref<50x128xi32, #tpu.memory_space<vmem>> -> memref<1x128xi32, #tpu.memory_space<vmem>>
      %dma_start3A_50 = tpu.memref_squeeze %dma_start3A_49 : memref<1x128xi32, #tpu.memory_space<vmem>> -> memref<128xi32, #tpu.memory_space<vmem>>
      %dma_start3A_51 = arith.constant 0 : i32
      %dma_start3A_52 = arith.constant 0 : i32
      %dma_start3A_53 = tpu.memref_slice %arg4[%dma_start3A_51, %dma_start3A_52] : memref<140000x128xf32, #tpu.memory_space<hbm>> -> memref<140000x128xf32, #tpu.memory_space<hbm>>
      tpu.enqueue_indirect_dma source(%dma_start3A_53 : memref<140000x128xf32, #tpu.memory_space<hbm>>) target(%dma_start3A_47 : memref<128x128xf32, #tpu.memory_space<vmem>>) offsets(%dma_start3A_50 : memref<128xi32, #tpu.memory_space<vmem>>) semaphore(%arg16 : memref<!tpu.dma_semaphore, #tpu.memory_space<semaphore_mem>>)
      %dma_start3A_54 = arith.constant 2 : i32
      %dma_start3A_55 = arith.constant 0 : i32
      %dma_start3A_56 = arith.constant 0 : i32
      %dma_start3A_57 = tpu.memref_slice %arg13[%dma_start3A_54, %dma_start3A_55, %dma_start3A_56] : memref<3x128x128xf32, #tpu.memory_space<vmem>> -> memref<1x128x128xf32, #tpu.memory_space<vmem>>
      %dma_start3A_58 = tpu.memref_squeeze %dma_start3A_57 : memref<1x128x128xf32, #tpu.memory_space<vmem>> -> memref<128x128xf32, #tpu.memory_space<vmem>>
      %dma_start3A_59 = arith.constant 0 : i32
      %dma_start3A_60 = tpu.memref_slice %arg11[%scan3A_31, %dma_start3A_59] : memref<50x128xi32, #tpu.memory_space<vmem>> -> memref<1x128xi32, #tpu.memory_space<vmem>>
      %dma_start3A_61 = tpu.memref_squeeze %dma_start3A_60 : memref<1x128xi32, #tpu.memory_space<vmem>> -> memref<128xi32, #tpu.memory_space<vmem>>
      %dma_start3A_62 = arith.constant 0 : i32
      %dma_start3A_63 = arith.constant 0 : i32
      %dma_start3A_64 = tpu.memref_slice %arg5[%dma_start3A_62, %dma_start3A_63] : memref<60001x128xf32, #tpu.memory_space<hbm>> -> memref<60001x128xf32, #tpu.memory_space<hbm>>
      tpu.enqueue_indirect_dma source(%dma_start3A_64 : memref<60001x128xf32, #tpu.memory_space<hbm>>) target(%dma_start3A_58 : memref<128x128xf32, #tpu.memory_space<vmem>>) offsets(%dma_start3A_61 : memref<128xi32, #tpu.memory_space<vmem>>) semaphore(%arg17 : memref<!tpu.dma_semaphore, #tpu.memory_space<semaphore_mem>>)
      %dma_wait3A = arith.constant 0 : i32
      %dma_wait3A_65 = arith.constant 0 : i32
      %dma_wait3A_66 = arith.constant 0 : i32
      %dma_wait3A_67 = tpu.memref_slice %arg13[%dma_wait3A, %dma_wait3A_65, %dma_wait3A_66] : memref<3x128x128xf32, #tpu.memory_space<vmem>> -> memref<1x128x128xf32, #tpu.memory_space<vmem>>
      %dma_wait3A_68 = tpu.memref_squeeze %dma_wait3A_67 : memref<1x128x128xf32, #tpu.memory_space<vmem>> -> memref<128x128xf32, #tpu.memory_space<vmem>>
      %dma_wait3A_69 = arith.constant 0 : i32
      %dma_wait3A_70 = tpu.memref_slice %arg8[%scan3A_31, %dma_wait3A_69] : memref<50x128xi32, #tpu.memory_space<vmem>> -> memref<1x128xi32, #tpu.memory_space<vmem>>
      %dma_wait3A_71 = tpu.memref_squeeze %dma_wait3A_70 : memref<1x128xi32, #tpu.memory_space<vmem>> -> memref<128xi32, #tpu.memory_space<vmem>>
      %dma_wait3A_72 = arith.constant 0 : i32
      %dma_wait3A_73 = arith.constant 0 : i32
      %dma_wait3A_74 = tpu.memref_slice %arg3[%dma_wait3A_72, %dma_wait3A_73] : memref<30000x128xf32, #tpu.memory_space<hbm>> -> memref<30000x128xf32, #tpu.memory_space<hbm>>
      tpu.wait_indirect_dma semaphore(%arg15 : memref<!tpu.dma_semaphore, #tpu.memory_space<semaphore_mem>>) src(%dma_wait3A_74 : memref<30000x128xf32, #tpu.memory_space<hbm>>) dst(%dma_wait3A_68 : memref<128x128xf32, #tpu.memory_space<vmem>>)
      %dma_wait3A_75 = arith.constant 1 : i32
      %dma_wait3A_76 = arith.constant 0 : i32
      %dma_wait3A_77 = arith.constant 0 : i32
      %dma_wait3A_78 = tpu.memref_slice %arg13[%dma_wait3A_75, %dma_wait3A_76, %dma_wait3A_77] : memref<3x128x128xf32, #tpu.memory_space<vmem>> -> memref<1x128x128xf32, #tpu.memory_space<vmem>>
      %dma_wait3A_79 = tpu.memref_squeeze %dma_wait3A_78 : memref<1x128x128xf32, #tpu.memory_space<vmem>> -> memref<128x128xf32, #tpu.memory_space<vmem>>
      %dma_wait3A_80 = arith.constant 0 : i32
      %dma_wait3A_81 = tpu.memref_slice %arg10[%scan3A_31, %dma_wait3A_80] : memref<50x128xi32, #tpu.memory_space<vmem>> -> memref<1x128xi32, #tpu.memory_space<vmem>>
      %dma_wait3A_82 = tpu.memref_squeeze %dma_wait3A_81 : memref<1x128xi32, #tpu.memory_space<vmem>> -> memref<128xi32, #tpu.memory_space<vmem>>
      %dma_wait3A_83 = arith.constant 0 : i32
      %dma_wait3A_84 = arith.constant 0 : i32
      %dma_wait3A_85 = tpu.memref_slice %arg4[%dma_wait3A_83, %dma_wait3A_84] : memref<140000x128xf32, #tpu.memory_space<hbm>> -> memref<140000x128xf32, #tpu.memory_space<hbm>>
      tpu.wait_indirect_dma semaphore(%arg16 : memref<!tpu.dma_semaphore, #tpu.memory_space<semaphore_mem>>) src(%dma_wait3A_85 : memref<140000x128xf32, #tpu.memory_space<hbm>>) dst(%dma_wait3A_79 : memref<128x128xf32, #tpu.memory_space<vmem>>)
      %dma_wait3A_86 = arith.constant 2 : i32
      %dma_wait3A_87 = arith.constant 0 : i32
      %dma_wait3A_88 = arith.constant 0 : i32
      %dma_wait3A_89 = tpu.memref_slice %arg13[%dma_wait3A_86, %dma_wait3A_87, %dma_wait3A_88] : memref<3x128x128xf32, #tpu.memory_space<vmem>> -> memref<1x128x128xf32, #tpu.memory_space<vmem>>
      %dma_wait3A_90 = tpu.memref_squeeze %dma_wait3A_89 : memref<1x128x128xf32, #tpu.memory_space<vmem>> -> memref<128x128xf32, #tpu.memory_space<vmem>>
      %dma_wait3A_91 = arith.constant 0 : i32
      %dma_wait3A_92 = tpu.memref_slice %arg11[%scan3A_31, %dma_wait3A_91] : memref<50x128xi32, #tpu.memory_space<vmem>> -> memref<1x128xi32, #tpu.memory_space<vmem>>
      %dma_wait3A_93 = tpu.memref_squeeze %dma_wait3A_92 : memref<1x128xi32, #tpu.memory_space<vmem>> -> memref<128xi32, #tpu.memory_space<vmem>>
      %dma_wait3A_94 = arith.constant 0 : i32
      %dma_wait3A_95 = arith.constant 0 : i32
      %dma_wait3A_96 = tpu.memref_slice %arg5[%dma_wait3A_94, %dma_wait3A_95] : memref<60001x128xf32, #tpu.memory_space<hbm>> -> memref<60001x128xf32, #tpu.memory_space<hbm>>
      tpu.wait_indirect_dma semaphore(%arg17 : memref<!tpu.dma_semaphore, #tpu.memory_space<semaphore_mem>>) src(%dma_wait3A_96 : memref<60001x128xf32, #tpu.memory_space<hbm>>) dst(%dma_wait3A_90 : memref<128x128xf32, #tpu.memory_space<vmem>>)
      %run_scoped3A_97 = arith.constant 0 : i32
      "tpu.region"() ({
        %run_scoped3A_101 = tpu.sem_alloc : memref<!tpu.dma_semaphore, #tpu.memory_space<semaphore_mem>>
        %dma_start3A_102 = arith.constant 0 : i32
        %dma_start3A_103 = arith.constant 0 : i32
        %dma_start3A_104 = tpu.memref_slice %arg13[%run_scoped3A_97, %dma_start3A_102, %dma_start3A_103] : memref<3x128x128xf32, #tpu.memory_space<vmem>> -> memref<1x128x128xf32, #tpu.memory_space<vmem>>
        %dma_start3A_105 = tpu.memref_squeeze %dma_start3A_104 : memref<1x128x128xf32, #tpu.memory_space<vmem>> -> memref<128x128xf32, #tpu.memory_space<vmem>>
        %dma_start3A_106 = arith.constant 0 : i32
        %dma_start3A_107 = tpu.memref_slice %arg9[%scan3A_31, %dma_start3A_106] : memref<50x128xi32, #tpu.memory_space<vmem>> -> memref<1x128xi32, #tpu.memory_space<vmem>>
        %dma_start3A_108 = tpu.memref_squeeze %dma_start3A_107 : memref<1x128xi32, #tpu.memory_space<vmem>> -> memref<128xi32, #tpu.memory_space<vmem>>
        %dma_start3A_109 = arith.constant 0 : i32
        %dma_start3A_110 = arith.constant 0 : i32
        %dma_start3A_111 = tpu.memref_slice %arg14[%dma_start3A_109, %dma_start3A_110] : memref<2064x128xf32, #tpu.memory_space<vmem_shared>> -> memref<2064x128xf32, #tpu.memory_space<vmem_shared>>
        tpu.enqueue_indirect_dma source(%dma_start3A_105 : memref<128x128xf32, #tpu.memory_space<vmem>>) target(%dma_start3A_111 : memref<2064x128xf32, #tpu.memory_space<vmem_shared>>) offsets(%dma_start3A_108 : memref<128xi32, #tpu.memory_space<vmem>>) semaphore(%run_scoped3A_101 : memref<!tpu.dma_semaphore, #tpu.memory_space<semaphore_mem>>) {add = true}
        %dma_wait3A_112 = arith.constant 0 : i32
        %dma_wait3A_113 = arith.constant 0 : i32
        %dma_wait3A_114 = tpu.memref_slice %arg13[%run_scoped3A_97, %dma_wait3A_112, %dma_wait3A_113] : memref<3x128x128xf32, #tpu.memory_space<vmem>> -> memref<1x128x128xf32, #tpu.memory_space<vmem>>
        %dma_wait3A_115 = tpu.memref_squeeze %dma_wait3A_114 : memref<1x128x128xf32, #tpu.memory_space<vmem>> -> memref<128x128xf32, #tpu.memory_space<vmem>>
        %dma_wait3A_116 = arith.constant 0 : i32
        %dma_wait3A_117 = tpu.memref_slice %arg9[%scan3A_31, %dma_wait3A_116] : memref<50x128xi32, #tpu.memory_space<vmem>> -> memref<1x128xi32, #tpu.memory_space<vmem>>
        %dma_wait3A_118 = tpu.memref_squeeze %dma_wait3A_117 : memref<1x128xi32, #tpu.memory_space<vmem>> -> memref<128xi32, #tpu.memory_space<vmem>>
        %dma_wait3A_119 = arith.constant 0 : i32
        %dma_wait3A_120 = arith.constant 0 : i32
        %dma_wait3A_121 = tpu.memref_slice %arg14[%dma_wait3A_119, %dma_wait3A_120] : memref<2064x128xf32, #tpu.memory_space<vmem_shared>> -> memref<2064x128xf32, #tpu.memory_space<vmem_shared>>
        tpu.wait_indirect_dma semaphore(%run_scoped3A_101 : memref<!tpu.dma_semaphore, #tpu.memory_space<semaphore_mem>>) src(%dma_wait3A_115 : memref<128x128xf32, #tpu.memory_space<vmem>>) dst(%dma_wait3A_121 : memref<2064x128xf32, #tpu.memory_space<vmem_shared>>)
        tpu.yield
      }) : () -> ()
      %run_scoped3A_98 = arith.constant 1 : i32
      "tpu.region"() ({
        %run_scoped3A_101 = tpu.sem_alloc : memref<!tpu.dma_semaphore, #tpu.memory_space<semaphore_mem>>
        %dma_start3A_102 = arith.constant 0 : i32
        %dma_start3A_103 = arith.constant 0 : i32
        %dma_start3A_104 = tpu.memref_slice %arg13[%run_scoped3A_98, %dma_start3A_102, %dma_start3A_103] : memref<3x128x128xf32, #tpu.memory_space<vmem>> -> memref<1x128x128xf32, #tpu.memory_space<vmem>>
        %dma_start3A_105 = tpu.memref_squeeze %dma_start3A_104 : memref<1x128x128xf32, #tpu.memory_space<vmem>> -> memref<128x128xf32, #tpu.memory_space<vmem>>
        %dma_start3A_106 = arith.constant 0 : i32
        %dma_start3A_107 = tpu.memref_slice %arg12[%scan3A_31, %dma_start3A_106] : memref<50x128xi32, #tpu.memory_space<vmem>> -> memref<1x128xi32, #tpu.memory_space<vmem>>
        %dma_start3A_108 = tpu.memref_squeeze %dma_start3A_107 : memref<1x128xi32, #tpu.memory_space<vmem>> -> memref<128xi32, #tpu.memory_space<vmem>>
        %dma_start3A_109 = arith.constant 0 : i32
        %dma_start3A_110 = arith.constant 0 : i32
        %dma_start3A_111 = tpu.memref_slice %arg14[%dma_start3A_109, %dma_start3A_110] : memref<2064x128xf32, #tpu.memory_space<vmem_shared>> -> memref<2064x128xf32, #tpu.memory_space<vmem_shared>>
        tpu.enqueue_indirect_dma source(%dma_start3A_105 : memref<128x128xf32, #tpu.memory_space<vmem>>) target(%dma_start3A_111 : memref<2064x128xf32, #tpu.memory_space<vmem_shared>>) offsets(%dma_start3A_108 : memref<128xi32, #tpu.memory_space<vmem>>) semaphore(%run_scoped3A_101 : memref<!tpu.dma_semaphore, #tpu.memory_space<semaphore_mem>>) {add = true}
        %dma_wait3A_112 = arith.constant 0 : i32
        %dma_wait3A_113 = arith.constant 0 : i32
        %dma_wait3A_114 = tpu.memref_slice %arg13[%run_scoped3A_98, %dma_wait3A_112, %dma_wait3A_113] : memref<3x128x128xf32, #tpu.memory_space<vmem>> -> memref<1x128x128xf32, #tpu.memory_space<vmem>>
        %dma_wait3A_115 = tpu.memref_squeeze %dma_wait3A_114 : memref<1x128x128xf32, #tpu.memory_space<vmem>> -> memref<128x128xf32, #tpu.memory_space<vmem>>
        %dma_wait3A_116 = arith.constant 0 : i32
        %dma_wait3A_117 = tpu.memref_slice %arg12[%scan3A_31, %dma_wait3A_116] : memref<50x128xi32, #tpu.memory_space<vmem>> -> memref<1x128xi32, #tpu.memory_space<vmem>>
        %dma_wait3A_118 = tpu.memref_squeeze %dma_wait3A_117 : memref<1x128xi32, #tpu.memory_space<vmem>> -> memref<128xi32, #tpu.memory_space<vmem>>
        %dma_wait3A_119 = arith.constant 0 : i32
        %dma_wait3A_120 = arith.constant 0 : i32
        %dma_wait3A_121 = tpu.memref_slice %arg14[%dma_wait3A_119, %dma_wait3A_120] : memref<2064x128xf32, #tpu.memory_space<vmem_shared>> -> memref<2064x128xf32, #tpu.memory_space<vmem_shared>>
        tpu.wait_indirect_dma semaphore(%run_scoped3A_101 : memref<!tpu.dma_semaphore, #tpu.memory_space<semaphore_mem>>) src(%dma_wait3A_115 : memref<128x128xf32, #tpu.memory_space<vmem>>) dst(%dma_wait3A_121 : memref<2064x128xf32, #tpu.memory_space<vmem_shared>>)
        tpu.yield
      }) : () -> ()
      %run_scoped3A_99 = arith.constant 2 : i32
      "tpu.region"() ({
        %run_scoped3A_101 = tpu.sem_alloc : memref<!tpu.dma_semaphore, #tpu.memory_space<semaphore_mem>>
        %dma_start3A_102 = arith.constant 0 : i32
        %dma_start3A_103 = arith.constant 0 : i32
        %dma_start3A_104 = tpu.memref_slice %arg13[%run_scoped3A_99, %dma_start3A_102, %dma_start3A_103] : memref<3x128x128xf32, #tpu.memory_space<vmem>> -> memref<1x128x128xf32, #tpu.memory_space<vmem>>
        %dma_start3A_105 = tpu.memref_squeeze %dma_start3A_104 : memref<1x128x128xf32, #tpu.memory_space<vmem>> -> memref<128x128xf32, #tpu.memory_space<vmem>>
        %dma_start3A_106 = arith.constant 0 : i32
        %dma_start3A_107 = tpu.memref_slice %arg12[%scan3A_31, %dma_start3A_106] : memref<50x128xi32, #tpu.memory_space<vmem>> -> memref<1x128xi32, #tpu.memory_space<vmem>>
        %dma_start3A_108 = tpu.memref_squeeze %dma_start3A_107 : memref<1x128xi32, #tpu.memory_space<vmem>> -> memref<128xi32, #tpu.memory_space<vmem>>
        %dma_start3A_109 = arith.constant 0 : i32
        %dma_start3A_110 = arith.constant 0 : i32
        %dma_start3A_111 = tpu.memref_slice %arg14[%dma_start3A_109, %dma_start3A_110] : memref<2064x128xf32, #tpu.memory_space<vmem_shared>> -> memref<2064x128xf32, #tpu.memory_space<vmem_shared>>
        tpu.enqueue_indirect_dma source(%dma_start3A_105 : memref<128x128xf32, #tpu.memory_space<vmem>>) target(%dma_start3A_111 : memref<2064x128xf32, #tpu.memory_space<vmem_shared>>) offsets(%dma_start3A_108 : memref<128xi32, #tpu.memory_space<vmem>>) semaphore(%run_scoped3A_101 : memref<!tpu.dma_semaphore, #tpu.memory_space<semaphore_mem>>) {add = true}
        %dma_wait3A_112 = arith.constant 0 : i32
        %dma_wait3A_113 = arith.constant 0 : i32
        %dma_wait3A_114 = tpu.memref_slice %arg13[%run_scoped3A_99, %dma_wait3A_112, %dma_wait3A_113] : memref<3x128x128xf32, #tpu.memory_space<vmem>> -> memref<1x128x128xf32, #tpu.memory_space<vmem>>
        %dma_wait3A_115 = tpu.memref_squeeze %dma_wait3A_114 : memref<1x128x128xf32, #tpu.memory_space<vmem>> -> memref<128x128xf32, #tpu.memory_space<vmem>>
        %dma_wait3A_116 = arith.constant 0 : i32
        %dma_wait3A_117 = tpu.memref_slice %arg12[%scan3A_31, %dma_wait3A_116] : memref<50x128xi32, #tpu.memory_space<vmem>> -> memref<1x128xi32, #tpu.memory_space<vmem>>
        %dma_wait3A_118 = tpu.memref_squeeze %dma_wait3A_117 : memref<1x128xi32, #tpu.memory_space<vmem>> -> memref<128xi32, #tpu.memory_space<vmem>>
        %dma_wait3A_119 = arith.constant 0 : i32
        %dma_wait3A_120 = arith.constant 0 : i32
        %dma_wait3A_121 = tpu.memref_slice %arg14[%dma_wait3A_119, %dma_wait3A_120] : memref<2064x128xf32, #tpu.memory_space<vmem_shared>> -> memref<2064x128xf32, #tpu.memory_space<vmem_shared>>
        tpu.wait_indirect_dma semaphore(%run_scoped3A_101 : memref<!tpu.dma_semaphore, #tpu.memory_space<semaphore_mem>>) src(%dma_wait3A_115 : memref<128x128xf32, #tpu.memory_space<vmem>>) dst(%dma_wait3A_121 : memref<2064x128xf32, #tpu.memory_space<vmem_shared>>)
        tpu.yield
      }) : () -> ()
      %scan3A_100 = arith.constant 0 : i32
      scf.yield %scan3A_100 : i32
    }
    %scan3A_28 = arith.constant 50 : i32
    %mul3A_29 = arith.constant 128 : i32
    %mul3A_30 = arith.muli %add3A, %mul3A_29 : i32
    "tpu.region"() ({
      %run_scoped3A_31 = tpu.sem_alloc : memref<!tpu.dma_semaphore, #tpu.memory_space<semaphore_mem>>
      %dma_start3A = arith.constant 0 : i32
      %dma_start3A_32 = tpu.memref_slice %arg6[%mul3A_30, %dma_start3A] : memref<4096x128xf32, #tpu.memory_space<hbm>> -> memref<128x128xf32, #tpu.memory_space<hbm>>
      %dma_start3A_33 = arith.constant 0 : i32
      %dma_start3A_34 = tpu.memref_slice %arg14[%mul3A_4, %dma_start3A_33] : memref<2064x128xf32, #tpu.memory_space<vmem_shared>> -> memref<128x128xf32, #tpu.memory_space<vmem_shared>>
      tpu.enqueue_dma source(%dma_start3A_34 : memref<128x128xf32, #tpu.memory_space<vmem_shared>>) target(%dma_start3A_32 : memref<128x128xf32, #tpu.memory_space<hbm>>) target_semaphore(%run_scoped3A_31 : memref<!tpu.dma_semaphore, #tpu.memory_space<semaphore_mem>>)
      %dma_wait3A = arith.constant 0 : i32
      %dma_wait3A_35 = tpu.memref_slice %arg6[%mul3A_30, %dma_wait3A] : memref<4096x128xf32, #tpu.memory_space<hbm>> -> memref<128x128xf32, #tpu.memory_space<hbm>>
      %dma_wait3A_36 = arith.constant 0 : i32
      %dma_wait3A_37 = tpu.memref_slice %arg14[%mul3A_4, %dma_wait3A_36] : memref<2064x128xf32, #tpu.memory_space<vmem_shared>> -> memref<128x128xf32, #tpu.memory_space<vmem_shared>>
      tpu.wait_dma2 semaphore(%run_scoped3A_31 : memref<!tpu.dma_semaphore, #tpu.memory_space<semaphore_mem>>) src(%dma_wait3A_37 : memref<128x128xf32, #tpu.memory_space<vmem_shared>>) dst(%dma_wait3A_35 : memref<128x128xf32, #tpu.memory_space<hbm>>)
      tpu.yield
    }) : () -> ()
    return
  }
}

</mosaic_0001>

<sc_bundles>
// kernel: _run.3.cloned.1.call-start
scs
__scs_entry_jumppad:
0x0: {  	(pc) =	sbr.rel $0x88, $3  }
0x1: {  	(tag) =	ssettag $0x0;
	lr =	simm.s32 $0x1  }
0x2: {  	[smem:$0x3F9D] =	sst lr;
	_ =	strace $0xD0000000  }
0x3: {  	_ = 	snop  }
0x4: {  	_ = 	snop  }
0x5: {  	_ = 	snop  }
0x6: {  	_ = 	snop  }
0x7: {  	_ = 	snop  }
__scs_overlays_trampoline_lowered:
0x8: {  	[smem:$0x3FAC] =	sst s0  }
0x9: {  	[smem:$0x3FAD] =	sst s1  }
0xa: {  	[smem:$0x3FAE] =	sst s2  }
0xb: {  	[smem:$0x3FAF] =	sst s3  }
0xc: {  	[smem:$0x3FB0] =	sst s4  }
0xd: {  	[smem:$0x3FB1] =	sst s5  }
0xe: {  	[smem:$0x3FB2] =	sst s6  }
0xf: {  	[smem:$0x3FB3] =	sst s7  }
0x10: {  	[smem:$0x3FB4] =	sst s8  }
0x11: {  	[smem:$0x3FB5] =	sst s9;
	s0 =	simm.s32 @!p0 $0x0  }
0x12: {  	s1 =	sld [smem:$0x3F9B];
	s0 =	simm.s32 @p0 $0x1  }
0x13: {  	[smem:$0x3FB6] =	sst s0;
	s0 =	simm.s32 @!p1 $0x0  }
0x14: {  	s2 =	sld [smem:$0x3F9A];
	s0 =	simm.s32 @p1 $0x1  }
0x15: {  	[smem:$0x3FB7] =	sst s0;
	s0 =	simm.s32 @!p2 $0x0  }
0x16: {  	s3 =	sld [smem:$0x3FDB];
	s0 =	simm.s32 @p2 $0x1  }
0x17: {  	s4 =	simm.s32 $0x1BF5;
	[smem:$0x3FB9] =	sst s0  }
0x18: {  	s0 =	sld [smem:$0x3F9C];
	_ =	swait.ge [sflag:s4], $0x0  }
0x19: {  	s7 =	sld [smem:$0x3F9D]  }
0x1a: {  	s8 =	sadd.s32 $0xFFFFE003, lr  }
0x1b: {  	s9 =	sadd.s32 $0xFFFFFEF7, lr;
	s5 =	simm.s32 $0xFFFFFFFF;
	p2 =	slt.u32 s8, $0xFFFFF086  }
0x1c: {  	p1 =	slt.u32 s9, $0xF7A;
	s5 =	simm.s32 @!p2 $0x0  }
0x1d: {  	s5 =	simm.s32 @p1 $0x1;
	p0 =	seq.s32 s7, s2  }
0x1e: {  	s7 =	smul.u32 @!p0 $0xF7A, s2;
	p2 =	seq.s32 @!p0 s5, $0x0  }
0x1f: {  	s9 =	smul.u32 $0xF7A, s1;
	s8 =	simm.s32 @!p0 $0x1BF5;
	p2 =	por !p2, p0  }
0x20: {  	[sflag:s8] =	ssyncset.s32 @!p0 $0xFFFFF086;
	s6 =	sadd.s32 @!p0 s3, s7;
	s7 =	simm.s32 @!p0 $0x108  }
0x21: {  	s3 =	sadd.s32 s3, s9;
	s6 =	sadd.s32 @!p0 $0x88, s6;
	s7 =	simm.s32 @p2 $0x1082  }
0x22: {  	[simem:s7], [sflag:s8] =	dma.local @!p0 [hbm:s6], $0xF7A  }
0x23: {  	s9 =	sor.u32 $0xD0000000, s2;
	s6 =	simm.s32 $0x108;
	_ =	swait.ge @!p0 [sflag:s8], $0x0  }
0x24: {  	s3 =	sadd.s32 $0x88, s3;
	s6 =	simm.s32 @!p1 $0x1082;
	[sflag:s4] =	ssyncset.s32 $0xFFFFF086  }
0x25: {  	[simem:s6], [sflag:s4] =	dma.local [hbm:s3], $0xF7A  }
0x26: {  	[smem:$0x3F9D] =	sst s1;
	(tag) =	ssettag s2;
	_ =	strace s9  }
0x27: {  	s1 =	sld [smem:$0x3FAD]  }
0x28: {  	s2 =	sld [smem:$0x3FAE]  }
0x29: {  	s4 =	sld [smem:$0x3FB0]  }
0x2a: {  	p0 =	seq.s32 s5, $0x0;
	s5 =	sld [smem:$0x3FB1]  }
0x2b: {  	s6 =	sld [smem:$0x3FB2]  }
0x2c: {  	s7 =	sld [smem:$0x3FB3]  }
0x2d: {  	s3 =	simm.s32 $0x108;
	s8 =	sld [smem:$0x3FB4]  }
0x2e: {  	s3 =	simm.s32 @!p0 $0x1082;
	s9 =	sld [smem:$0x3FB5]  }
0x2f: {  	lr =	sadd.s32 s0, s3;
	s0 =	sld [smem:$0x3FAC]  }
0x30: {  	s3 =	sld [smem:$0x3FAF]  }
0x31: {  	[smem:$0x3FB8] =	sst s10  }
0x32: {  	s10 =	sld [smem:$0x3FB6];
	_ =	sdelay $0x3  }
0x33: {  	p0 =	seq.s32 s10, $0x1;
	s10 =	sld [smem:$0x3FB8];
	_ =	sdelay $0x3  }
0x34: {  	[smem:$0x3FB8] =	sst s10  }
0x35: {  	s10 =	sld [smem:$0x3FB7];
	_ =	sdelay $0x3  }
0x36: {  	p1 =	seq.s32 s10, $0x1;
	s10 =	sld [smem:$0x3FB8];
	_ =	sdelay $0x3  }
0x37: {  	[smem:$0x3FB8] =	sst s10  }
0x38: {  	s10 =	sld [smem:$0x3FB9]  }
0x39: {  	_ = 	snop;
	(pc) =	sbr.ind lr, $3  }
0x3a: {  	_ = 	snop  }
0x3b: {  	_ = 	snop  }
0x3c: {  	p2 =	seq.s32 s10, $0x1;
	s10 =	sld [smem:$0x3FB8]  }
0x3d: {  	_ =	shalt  }
0x3e: {  	_ =	shalt  }
0x3f: {  	_ =	shalt  }
0x40: {  	_ =	shalt  }
0x41: {  	_ =	shalt  }
0x42: {  	_ =	shalt  }
0x43: {  	_ =	shalt  }
0x44: {  	_ =	shalt  }
0x45: {  	_ =	shalt  }
0x46: {  	_ =	shalt  }
0x47: {  	_ =	shalt  }
0x48: {  	_ =	shalt  }
0x49: {  	_ =	shalt  }
0x4a: {  	_ =	shalt  }
0x4b: {  	_ =	shalt  }
0x4c: {  	_ =	shalt  }
0x4d: {  	_ =	shalt  }
0x4e: {  	_ =	shalt  }
0x4f: {  	_ =	shalt  }
0x50: {  	_ =	shalt  }
0x51: {  	_ =	shalt  }
0x52: {  	_ =	shalt  }
0x53: {  	_ =	shalt  }
0x54: {  	_ =	shalt  }
0x55: {  	_ =	shalt  }
0x56: {  	_ =	shalt  }
0x57: {  	_ =	shalt  }
0x58: {  	_ =	shalt  }
0x59: {  	_ =	shalt  }
0x5a: {  	_ =	shalt  }
0x5b: {  	_ =	shalt  }
0x5c: {  	_ =	shalt  }
0x5d: {  	_ =	shalt  }
0x5e: {  	_ =	shalt  }
0x5f: {  	_ =	shalt  }
0x60: {  	_ =	shalt  }
0x61: {  	_ =	shalt  }
0x62: {  	_ =	shalt  }
0x63: {  	_ =	shalt  }
0x64: {  	_ =	shalt  }
0x65: {  	_ =	shalt  }
0x66: {  	_ =	shalt  }
0x67: {  	_ =	shalt  }
0x68: {  	_ =	shalt  }
0x69: {  	_ =	shalt  }
0x6a: {  	_ =	shalt  }
0x6b: {  	_ =	shalt  }
0x6c: {  	_ =	shalt  }
0x6d: {  	_ =	shalt  }
0x6e: {  	_ =	shalt  }
0x6f: {  	_ =	shalt  }
0x70: {  	_ =	shalt  }
0x71: {  	_ =	shalt  }
0x72: {  	_ =	shalt  }
0x73: {  	_ =	shalt  }
0x74: {  	_ =	shalt  }
0x75: {  	_ =	shalt  }
0x76: {  	_ =	shalt  }
0x77: {  	_ =	shalt  }
0x78: {  	_ =	shalt  }
0x79: {  	_ =	shalt  }
0x7a: {  	_ =	shalt  }
0x7b: {  	_ =	shalt  }
0x7c: {  	_ =	shalt  }
0x7d: {  	_ =	shalt  }
0x7e: {  	_ =	shalt  }
0x7f: {  	_ =	shalt  }
0x80: {  	_ =	shalt  }
0x81: {  	_ =	shalt  }
0x82: {  	_ =	shalt  }
0x83: {  	_ =	shalt  }
0x84: {  	_ =	shalt  }
0x85: {  	_ =	shalt  }
0x86: {  	_ =	shalt  }
0x87: {  	_ =	shalt  }
.Lfunc_end0:
.L_simem_size_0:
called_computation_lowered:
.L_overlay_start_0:
0x88: {  	s2 =	sld [smem:$0x3FD9]  }
0x89: {  	s3 =	sld [smem:$0x3FFE];
	_ =	sdelay $0x1  }
0x8a: {  	s1 =	srdreg.scid  }
0x8b: {  	s0 =	sand.u32 $0x1, s1  }
0x8c: {  	s18 =	sshll.u32 s0, $0xA;
	s2 =	sadd.s32 s3, s2  }
0x8d: {  	s2 =	sadd.s32 s2, s18  }
0x8e: {  	[smem:$0x3FC4] =	sst s2  }
0x8f: {  	_ = 	snop  }
0x90: {  	s2 =	sld [smem:$0x3FC9]  }
0x91: {  	s19 =	sld [smem:$0x3FC8]  }
0x92: {  	s4 =	sld [smem:$0x3FC7]  }
0x93: {  	s5 =	sld [smem:$0x3FC6]  }
0x94: {  	s6 =	sld [smem:$0x3FD0];
	(tm) =	ssettm $0x1  }
0x95: {  	s7 =	sld [smem:$0x3FFB];
	_ =	sdelay $0x3  }
0x96: {  	_ =	strace s7  }
0x97: {  	s7 =	sld [smem:$0x3FFC];
	_ =	sdelay $0x3  }
0x98: {  	_ =	strace s7  }
0x99: {  	s7 =	sld [smem:$0x3FFD];
	_ =	sdelay $0x3  }
0x9a: {  	_ =	strace s7  }
0x9b: {  	_ =	strace $0x8FFFFFFF  }
0x9c: {  	s20 =	sld [smem:$0x3FDB];
	_ =	sdelay $0x1  }
0x9d: {  	s8 =	simm.s32 $_scs_section_size  }
0x9e: {  	s9 =	simm.s32 $_size__tile_overlayer_lowered;
	s10 =	simm.s32 $_tile_overlayer_lowered  }
0x9f: {  	s23 =	simm.s32 $0x1BFF;
	s22 =	sshll.u32 s10, $0x1;
	s7 =	sadd.s32 s8, s20  }
0xa0: {  	s11 =	simm.s32 $0x0;
	s21 =	sshll.u32 s9, $0x1;
	s9 =	sadd.s32 s22, s7  }
0xa1: {  	[timem:s11], [sflag:s23] =	dma.local [hbm:s9], s21  }
0xa2: {  	_ =	swait.ge [sflag:s23], s21  }
0xa3: {  	s8 =	ssub.s32 $0x0, s21;
	[sflag:s23] =	ssyncset.done $0x0  }
0xa4: {  	[sflag:s23] =	ssyncadd.s32 s8;
	_ =	sdelay $0x1  }
0xa5: {  	s24 =	simm.s32 $0x1B8B  }
0xa6: {  	_ =	swait.ge [sflag:s24], $0x1  }
0xa7: {  	[sflag:s24] =	ssyncset.done $0x0  }
0xa8: {  	s25 =	simm.s32 $0x1B8E;
	[sflag:s24] =	ssyncadd.s32 $0xFFFFFFFF  }
0xa9: {  	s26 =	simm.s32 $execute0_lowered;
	[smem:$0x3FD2] =	sst s25  }
0xaa: {  	s8 =	sshll.u32 s26, $0x1;
	_ =	strace $0x80000046;
	[dreg:$0x1] =	wrdreg $0xFFFFFFFF  }
0xab: {  	s28 =	simm.s32 $_size_execute0_lowered;
	s7 =	sadd.s32 s7, s8;
	[dreg:$0x0] =	wrdreg $0x0  }
0xac: {  	s8 =	sshll.u32 s28, $0x1;
	[dreg:$0x2] =	wrdreg s7  }
0xad: {  	[dreg:$0x3] =	wrdreg s8  }
0xae: {  	[dreg:$0x4] =	wrdreg $0xC0  }
0xaf: {  	_ =	task [dreg:s11], $0x5FFFF  }
0xb0: {  	[dreg:$0x1] =	wrdreg $0xFFFFFFFF  }
0xb1: {  	[dreg:$0x0] =	wrdreg $0x60  }
0xb2: {  	[dreg:$0x2] =	wrdreg s2  }
0xb3: {  	[dreg:$0x3] =	wrdreg s19  }
0xb4: {  	[dreg:$0x4] =	wrdreg s4  }
0xb5: {  	[dreg:$0x5] =	wrdreg s5  }
0xb6: {  	[dreg:$0x6] =	wrdreg s6  }
0xb7: {  	[dreg:$0x7] =	wrdreg $0x165000  }
0xb8: {  	[dreg:$0x8] =	wrdreg $0x9  }
0xb9: {  	_ =	task.clear_ibuf [dreg:s11], $0x9FFFF;
	_ =	strace $0x90000046  }
0xba: {  	s29 =	simm.s32 $0x9;
	_ =	strace $0x80000048  }
0xbb: {  	_ =	swait.ge [sflag:s29], $0x1  }
0xbc: {  	[sflag:s29] =	ssyncadd.s32 $0xFFFFFFFF  }
0xbd: {  	_ =	strace $0x90000048  }
0xbe: {  	_ =	sfence  }
0xbf: {  	s30 =	sld [smem:$0x0];
	_ =	sdelay $0x2  }
0xc0: {  	s31 =	sshll.u32 s1, $0xD;
	s1 =	sshrl.u32 s1, $0x2  }
0xc1: {  	s3 =	sand.u32 $0x4000, s31;
	s1 =	sadd.s32 s1, s30  }
0xc2: {  	s0 =	sor.u32 s3, s0;
	s1 =	sshll.u32 s1, $0x11  }
0xc3: {  	s0 =	sor.u32 s1, s0  }
0xc4: {  	s0 =	sadd.s32 $0x8F2B, s0  }
0xc5: {  	[sflag:s0] =	ssyncadd.remote.s32 $0x1  }
0xc6: {  	_ =	sfence.sel $0xFFFF  }
0xc7: {  	[dreg:$0x0] =	wrdreg $0xFFFFFFFF;
	(pc) =	sbr.abs _section_cstart, $3  }
0xc8: {  	[dreg:$0x1] =	wrdreg $0xFFFFFFFF  }
0xc9: {  	_ =	task.clear_ibuf [dreg:s11], $0x2FFFF;
	_ =	strace $0x9FFFFFFF  }
0xca: {  	(tm) =	ssettm $0x7FFFFFFF  }
0xcb: {  	_ =	shalt  }
tec
execute0_lowered:
.L_overlay_start_1:
0x0: {  	(tag) =	ssettag $0x1  }
0x1: {  	s0 =	rddreg [dreg:$0x0]  }
0x2: {  	s1 =	srdreg.scid;
	s7 =	stileid.u32  }
0x3: {  	s3 =	rddreg [dreg:$0x4];
	v0 =	vlaneseq.u32;
	s2 =	smul.u32 $0x81, s7  }
0x4: {  	s9 =	rddreg [dreg:$0x5];
	s8 =	simm.s32 $0x0;
	v62 =	vimm.s32 $0xECA86420;
	vm0 =	vcmask $0xB08;
	vm1 =	vcmask $0x1310;
	s1 =	sand.u32 $0x1, s1  }
0x5: {  	vm2 =	vcmask $0x1B18;
	v2 =	vor.u32 $0x10, v0;
	[smem:$0x7FF] =	sst s8;
	s4 =	sshll.u32 s1, $0x4;
	v30 =	vadd.s32 s2, v0  }
0x6: {  	vm3 =	vcmask $0x300;
	v3 =	vor.u32 $0x20, v0;
	s1 =	ssub.s32 $0x2, s1;
	_ =	strace $0x80000047;
	s4 =	sor.u32 s7, s4;
	v27 =	vadd.s32 s2, v2;
	[tilespmem:$0x1FF80] =	vst v30  }
0x7: {  	vm4 =	vcmask $0x2320;
	v58 =	vor.u32 $0x30, v0;
	v28 =	vadd.s32 s2, v3;
	s7 =	smul.u32 $0x10200, s7;
	s25 =	sshrl.u32 s1, $0x1;
	s29 =	sshll.u32 s4, $0xB;
	[tilespmem:$0x1FF90] =	vst v27  }
0x8: {  	vm5 =	vcmask $0x2B28;
	v59 =	vor.u32 $0x40, v0;
	v24 =	vadd.s32 s2, v58;
	s6 =	smul.u32 $0x320, s4;
	s1 =	ssub.s32 s1, s25;
	[tilespmem:$0x1FFA0] =	vst v28;
	s30 =	sadd.s32 s3, s29  }
0x9: {  	vm6 =	vcmask $0x3330;
	v4 =	vor.u32 $0x50, v0;
	s5 =	sadd.s32 $0x80, s2;
	v25 =	vadd.s32 s2, v59;
	[tilespmem:$0x1FFB0] =	vst v24;
	s31 =	smax.u32 s1, $0x1;
	[dreg:$0xa] =	wrdreg s30  }
0xa: {  	vm7 =	vcmask $0x3B38;
	v60 =	vor.u32 $0x60, v0;
	v14 =	vadd.s32 s2, v4;
	[tilespmem:$0x1FFC0] =	vst v25;
	s26 =	sshrl.u32 s7, $0x2;
	s0 =	sadd.s32 s0, s6;
	[dreg:$0xb] =	wrdreg s31  }
0xb: {  	v61 =	vor.u32 $0x70, v0;
	v63 =	vunpack.c.l.s4.s8 v62;
	v6 =	vadd.s32 s2, v60;
	s28 =	sshll.u32 s5, $0x7;
	[tilespmem:$0x1FFD0] =	vst v14;
	s10 =	sadd.s32 s26, s9;
	[dreg:$0x7] =	wrdreg s0  }
0xc: {  	vm8 =	vmmov $0xff;
	v11 =	vimm.f32 $0.0e+00;
	v5 =	vadd.s32 s2, v61;
	[tilespmem:$0x1FFE0] =	vst v6;
	s0 =	sadd.s32 s28, s9;
	[dreg:$0x8] =	wrdreg s10  }
0xd: {  	v10 =	vmul.u32 $0x2, v0;
	v9 =	vunpack.c.0.s8.s32 v63;
	v45 =	vmov s5;
	s25 =	simm.s32 $0x4;
	[tilespmem:$0x1FFF0] =	vst v5;
	s1 =	simm.s32 $0x0;
	[dreg:$0x9] =	wrdreg s0  }
.LBB2_1:
0xe: {  	[dreg:$0xc] =	wrdreg s1  }
0xf: {  	s0 =	simm.s32 $0x0;
	s31 =	rddreg [dreg:$0x7]  }
0x10: {  	[tilespmem:s0], [sflag:$0x4] =	stream.linear.gather [hbm4b:s31+s0], $0x1900, $0x38;
	[tilespmem:$0x1A580] =	vst v63  }
0x11: {  	_ =	swait.ge [sflag:s25], $0x1900  }
0x12: {  	[sflag:s25] =	ssyncset.done $0x0  }
0x13: {  	s0 =	simm.s32 $0x0;
	[sflag:s25] =	ssyncadd.s32 $0xFFFFE700  }
.LBB2_2:
0x14: {  	s3 =	sshra.s32 s0, $0x2  }
0x15: {  	v0 =	vld [tilespmem:s3+$0x0];
	_ =	sdelay $0x4  }
0x16: {  	v18 =	vmul.u32 $0x7, v0;
	_ =	sdelay $0x1  }
0x17: {  	(v2sf) =	vpush v18, $0xD;
	_ =	sdelay $0x1  }
0x18: {  	(v2sf) =	vpush v18, $0xC  }
0x19: {  	(v2sf) =	vpush v18, $0xE  }
0x1a: {  	(v2sf) =	vpush v18, $0xF;
	_ =	sdelay $0x1  }
0x1b: {  	(v2sf) =	vpush v18, $0x9;
	_ =	sdelay $0x1  }
0x1c: {  	(v2sf) =	vpush v18, $0x8;
	_ =	sdelay $0x1  }
0x1d: {  	(v2sf) =	vpush v18, $0xA;
	_ =	sdelay $0x1  }
0x1e: {  	(v2sf) =	vpush v18, $0xB;
	_ =	sdelay $0x1  }
0x1f: {  	(v2sf) =	vpush v18, $0x0  }
0x20: {  	s30 =	spop (v2sf)  }
0x21: {  	[dreg:$0xd] =	wrdreg s0;
	(v2sf) =	vpush v18, $0x1;
	s6 =	smulhi.u32 $0x1DF5959F, s30;
	s0 =	sshra.s32 s30, $0x1F  }
0x22: {  	s1 =	spop (v2sf);
	s0 =	smul.u32 $0x1DF5959F, s0  }
0x23: {  	s2 =	spop (v2sf);
	s7 =	smulhi.u32 $0x1DF5959F, s1;
	s1 =	sshra.s32 s1, $0x1F  }
0x24: {  	s4 =	spop (v2sf);
	s1 =	smul.u32 $0x1DF5959F, s1  }
0x25: {  	(v2sf) =	vpush v18, $0x2;
	[smem:$0x679] =	sst s6;
	s16 =	smulhi.u32 $0x1DF5959F, s2  }
0x26: {  	s5 =	spop (v2sf);
	[smem:$0x67A] =	sst s0  }
0x27: {  	(v2sf) =	vpush v18, $0x3;
	[smem:$0x67B] =	sst s7;
	s18 =	smulhi.u32 $0x1DF5959F, s4  }
0x28: {  	s17 =	sshra.s32 s2, $0x1F;
	s31 =	spop (v2sf);
	[smem:$0x67C] =	sst s1  }
0x29: {  	(v2sf) =	vpush v18, $0x4;
	[smem:$0x67D] =	sst s16;
	s1 =	smul.u32 $0x1DF5959F, s17  }
0x2a: {  	(v2sf) =	vpush v18, $0x5;
	s20 =	smulhi.u32 $0x1DF5959F, s5;
	s9 =	spop (v2sf)  }
0x2b: {  	(v2sf) =	vpush v18, $0x6;
	[smem:$0x67F] =	sst s18;
	s22 =	smulhi.u32 $0x1DF5959F, s31  }
0x2c: {  	s19 =	sshra.s32 s4, $0x1F;
	s12 =	spop (v2sf);
	[smem:$0x67E] =	sst s1  }
0x2d: {  	(v2sf) =	vpush v18, $0x7;
	s1 =	smul.u32 $0x1DF5959F, s19;
	[smem:$0x681] =	sst s20  }
0x2e: {  	v16 =	vadd.s32 $0x3, v18;
	s24 =	smulhi.u32 $0x1DF5959F, s9;
	s26 =	sshra.s32 s9, $0x1F;
	s8 =	spop (v2sf)  }
0x2f: {  	(v2sf) =	vpush v16, $0xD;
	[smem:$0x683] =	sst s22;
	s2 =	smul.u32 $0x1DF5959F, s26  }
0x30: {  	s21 =	sshra.s32 s5, $0x1F;
	s28 =	smulhi.u32 $0x1DF5959F, s12;
	s10 =	spop (v2sf)  }
0x31: {  	s23 =	sshra.s32 s31, $0x1F;
	[smem:$0x680] =	sst s1;
	s1 =	smul.u32 $0x1DF5959F, s21  }
0x32: {  	(v2sf) =	vpush v16, $0xC;
	s29 =	sshra.s32 s12, $0x1F;
	[smem:$0x685] =	sst s24;
	s30 =	smulhi.u32 $0x1DF5959F, s8  }
0x33: {  	s31 =	sshra.s32 s8, $0x1F;
	[smem:$0x686] =	sst s2;
	s2 =	smul.u32 $0x1DF5959F, s29  }
0x34: {  	(v2sf) =	vpush v16, $0xE;
	s11 =	spop (v2sf);
	s7 =	smul.u32 $0x1DF5959F, s31  }
0x35: {  	[smem:$0x687] =	sst s28;
	s8 =	smulhi.u32 $0x1DF5959F, s10  }
0x36: {  	(v2sf) =	vpush v16, $0xF;
	s13 =	spop (v2sf);
	[smem:$0x682] =	sst s1  }
0x37: {  	s1 =	smul.u32 $0x1DF5959F, s23;
	[smem:$0x689] =	sst s30  }
0x38: {  	(v2sf) =	vpush v16, $0x9;
	s12 =	sshra.s32 s10, $0x1F;
	s14 =	spop (v2sf);
	[smem:$0x68A] =	sst s7  }
0x39: {  	s7 =	smul.u32 $0x1DF5959F, s12;
	s5 =	spop (v2sf)  }
0x3a: {  	(v2sf) =	vpush v16, $0x8;
	s16 =	sshra.s32 s11, $0x1F;
	[smem:$0x684] =	sst s1;
	s15 =	spop (v2sf)  }
0x3b: {  	[smem:$0x68C] =	sst s7;
	s7 =	smul.u32 $0x1DF5959F, s16  }
0x3c: {  	(v2sf) =	vpush v16, $0xA;
	s20 =	sshra.s32 s13, $0x1F;
	s24 =	smulhi.u32 $0x1DF5959F, s5;
	s6 =	spop (v2sf)  }
0x3d: {  	s5 =	sshra.s32 s5, $0x1F;
	[smem:$0x68D] =	sst s7;
	s7 =	smul.u32 $0x1DF5959F, s20  }
0x3e: {  	(v2sf) =	vpush v16, $0xB;
	s23 =	sshra.s32 s14, $0x1F;
	s5 =	smul.u32 $0x1DF5959F, s5;
	s1 =	spop (v2sf)  }
0x3f: {  	s30 =	sshra.s32 s15, $0x1F;
	[smem:$0x68F] =	sst s7;
	s7 =	smul.u32 $0x1DF5959F, s23  }
0x40: {  	(v2sf) =	vpush v16, $0x1;
	[smem:$0x693] =	sst s5;
	s5 =	smul.u32 $0x1DF5959F, s30  }
0x41: {  	s0 =	spop (v2sf);
	[smem:$0x691] =	sst s7;
	s7 =	sshra.s32 s6, $0x1F  }
0x42: {  	(v2sf) =	vpush v16, $0x0;
	[smem:$0x695] =	sst s5;
	s5 =	smul.u32 $0x1DF5959F, s7  }
0x43: {  	[smem:$0x68B] =	sst s8;
	s8 =	sshra.s32 s1, $0x1F;
	s4 =	spop (v2sf)  }
0x44: {  	(v2sf) =	vpush v16, $0x2;
	[smem:$0x697] =	sst s5;
	s5 =	smul.u32 $0x8BCECC31, s8  }
0x45: {  	[smem:$0x688] =	sst s2;
	s12 =	sshra.s32 s0, $0x1F;
	s9 =	spop (v2sf)  }
0x46: {  	(v2sf) =	vpush v16, $0x3;
	[smem:$0x698] =	sst s5;
	s5 =	smul.u32 $0x8BCECC31, s12  }
0x47: {  	s21 =	smulhi.u32 $0x1DF5959F, s14;
	s14 =	sshra.s32 s4, $0x1F;
	s2 =	spop (v2sf)  }
0x48: {  	(v2sf) =	vpush v16, $0x4;
	[smem:$0x699] =	sst s5;
	s5 =	smul.u32 $0x8BCECC31, s14  }
0x49: {  	s26 =	smulhi.u32 $0x1DF5959F, s15;
	s15 =	sshra.s32 s9, $0x1F;
	s22 =	spop (v2sf)  }
0x4a: {  	(v2sf) =	vpush v16, $0x5;
	[smem:$0x69A] =	sst s5;
	s5 =	smul.u32 $0x8BCECC31, s15  }
0x4b: {  	v43 =	vld [tilespmem:s3+$0x10];
	s10 =	smulhi.u32 $0x1DF5959F, s11;
	s20 =	sshra.s32 s2, $0x1F;
	s29 =	spop (v2sf)  }
0x4c: {  	(v2sf) =	vpush v16, $0x6;
	[smem:$0x69B] =	sst s5;
	s5 =	smul.u32 $0x8BCECC31, s20  }
0x4d: {  	[smem:$0x690] =	sst s21;
	s21 =	sshra.s32 s22, $0x1F;
	s28 =	spop (v2sf)  }
0x4e: {  	(v2sf) =	vpush v16, $0x7;
	[smem:$0x69C] =	sst s5;
	s5 =	smul.u32 $0x8BCECC31, s21  }
0x4f: {  	s18 =	smulhi.u32 $0x1DF5959F, s13;
	s23 =	sshra.s32 s29, $0x1F;
	s19 =	spop (v2sf)  }
0x50: {  	v20 =	vmul.u32 $0x7, v43;
	[smem:$0x69D] =	sst s5;
	s5 =	smul.u32 $0x8BCECC31, s23  }
0x51: {  	[smem:$0x692] =	sst s24;
	s24 =	sshra.s32 s28, $0x1F;
	s17 =	spop (v2sf)  }
0x52: {  	(v2sf) =	vpush v20, $0xD;
	[smem:$0x69E] =	sst s5;
	s5 =	smul.u32 $0x8BCECC31, s24  }
0x53: {  	s31 =	smulhi.u32 $0x1DF5959F, s6;
	s11 =	spop (v2sf);
	s30 =	sshra.s32 s17, $0x1F  }
0x54: {  	[smem:$0x69F] =	sst s5;
	s5 =	smul.u32 $0x8BCECC31, s30  }
0x55: {  	[smem:$0x696] =	sst s31;
	(v2sf) =	vpush v20, $0xC;
	s13 =	spop (v2sf);
	s31 =	sshra.s32 s11, $0x1F  }
0x56: {  	[smem:$0x6A0] =	sst s5;
	s5 =	smul.u32 $0x8BCECC31, s31  }
0x57: {  	s16 =	spop (v2sf);
	s6 =	sshra.s32 s13, $0x1F  }
0x58: {  	(v2sf) =	vpush v20, $0xE;
	[smem:$0x6A1] =	sst s5;
	s5 =	smul.u32 $0x8BCECC31, s6  }
0x59: {  	[smem:$0x68E] =	sst s18;
	s18 =	spop (v2sf);
	s7 =	sshra.s32 s16, $0x1F  }
0x5a: {  	[smem:$0x6A2] =	sst s5;
	s5 =	smul.u32 $0x8BCECC31, s7  }
0x5b: {  	(v2sf) =	vpush v20, $0xF;
	s8 =	sshra.s32 s18, $0x1F;
	s21 =	spop (v2sf)  }
0x5c: {  	[smem:$0x6A3] =	sst s5;
	s5 =	smul.u32 $0x8BCECC31, s8  }
0x5d: {  	s12 =	sshra.s32 s21, $0x1F;
	s15 =	spop (v2sf)  }
0x5e: {  	(v2sf) =	vpush v20, $0x9;
	[smem:$0x6A4] =	sst s5;
	s5 =	smul.u32 $0x8BCECC31, s12  }
0x5f: {  	s20 =	sshra.s32 s15, $0x1F  }
0x60: {  	[smem:$0x6A6] =	sst s5;
	s5 =	smul.u32 $0x8BCECC31, s20  }
0x61: {  	(v2sf) =	vpush v20, $0x8;
	s23 =	spop (v2sf)  }
0x62: {  	[smem:$0x6A7] =	sst s5;
	s5 =	sshra.s32 s23, $0x1F  }
0x63: {  	[smem:$0x694] =	sst s26;
	s26 =	sshra.s32 s19, $0x1F;
	s5 =	smul.u32 $0x1DF5959F, s5  }
0x64: {  	s14 =	smul.u32 $0x8BCECC31, s26;
	(v2sf) =	vpush v20, $0xA;
	s26 =	spop (v2sf)  }
0x65: {  	[smem:$0x6A9] =	sst s5;
	s5 =	sshra.s32 s26, $0x1F  }
0x66: {  	s5 =	smul.u32 $0x1DF5959F, s5  }
0x67: {  	(v2sf) =	vpush v20, $0xB;
	s31 =	spop (v2sf)  }
0x68: {  	[smem:$0x6AB] =	sst s5;
	s5 =	sshra.s32 s31, $0x1F  }
0x69: {  	s5 =	smul.u32 $0x1DF5959F, s5  }
0x6a: {  	(v2sf) =	vpush v20, $0x0;
	s24 =	smulhi.u32 $0x1DF5959F, s23;
	s8 =	spop (v2sf)  }
0x6b: {  	s30 =	smulhi.u32 $0x1DF5959F, s26;
	[smem:$0x6AD] =	sst s5;
	s5 =	sshra.s32 s8, $0x1F  }
0x6c: {  	[smem:$0x6A5] =	sst s15;
	s5 =	smul.u32 $0x1DF5959F, s5  }
0x6d: {  	(v2sf) =	vpush v20, $0x1;
	[smem:$0x6A8] =	sst s24;
	s15 =	spop (v2sf)  }
0x6e: {  	[smem:$0x6AF] =	sst s5;
	s5 =	sshra.s32 s15, $0x1F  }
0x6f: {  	[smem:$0x6AA] =	sst s30;
	s5 =	smul.u32 $0x1DF5959F, s5  }
0x70: {  	(v2sf) =	vpush v20, $0x2;
	s7 =	smulhi.u32 $0x1DF5959F, s31;
	s23 =	spop (v2sf)  }
0x71: {  	[smem:$0x6B1] =	sst s5;
	s5 =	sshra.s32 s23, $0x1F  }
0x72: {  	[smem:$0x6AC] =	sst s7;
	s5 =	smul.u32 $0x1DF5959F, s5  }
0x73: {  	(v2sf) =	vpush v20, $0x3;
	s12 =	smulhi.u32 $0x1DF5959F, s8;
	s26 =	spop (v2sf)  }
0x74: {  	[smem:$0x6B3] =	sst s5;
	s5 =	sshra.s32 s26, $0x1F  }
0x75: {  	[smem:$0x6AE] =	sst s12;
	s5 =	smul.u32 $0x1DF5959F, s5  }
0x76: {  	(v2sf) =	vpush v20, $0x4;
	s20 =	smulhi.u32 $0x1DF5959F, s15;
	s31 =	spop (v2sf)  }
0x77: {  	[smem:$0x6B5] =	sst s5;
	s5 =	sshra.s32 s31, $0x1F  }
0x78: {  	[smem:$0x6B0] =	sst s20;
	s5 =	smul.u32 $0x1DF5959F, s5  }
0x79: {  	(v2sf) =	vpush v20, $0x5;
	s24 =	smulhi.u32 $0x1DF5959F, s23;
	s8 =	spop (v2sf)  }
0x7a: {  	[smem:$0x6B7] =	sst s5;
	s5 =	sshra.s32 s8, $0x1F  }
0x7b: {  	[smem:$0x6B2] =	sst s24;
	s5 =	smul.u32 $0x1DF5959F, s5  }
0x7c: {  	(v2sf) =	vpush v20, $0x6;
	s30 =	smulhi.u32 $0x1DF5959F, s26;
	s15 =	spop (v2sf)  }
0x7d: {  	[smem:$0x6B9] =	sst s5;
	s5 =	sshra.s32 s15, $0x1F  }
0x7e: {  	[smem:$0x6B4] =	sst s30;
	s5 =	smul.u32 $0x1DF5959F, s5  }
0x7f: {  	(v2sf) =	vpush v20, $0x7;
	s7 =	smulhi.u32 $0x1DF5959F, s31;
	s23 =	spop (v2sf)  }
0x80: {  	v17 =	vadd.s32 $0x3, v20;
	[smem:$0x6BB] =	sst s5;
	s5 =	sshra.s32 s23, $0x1F  }
0x81: {  	(v2sf) =	vpush v17, $0xD;
	[smem:$0x6B6] =	sst s7;
	s5 =	smul.u32 $0x1DF5959F, s5  }
0x82: {  	(v2sf) =	vpush v17, $0xC;
	s12 =	smulhi.u32 $0x1DF5959F, s8;
	s26 =	spop (v2sf)  }
0x83: {  	[smem:$0x6BD] =	sst s5;
	s5 =	sshra.s32 s26, $0x1F  }
0x84: {  	(v2sf) =	vpush v17, $0xE;
	[smem:$0x6B8] =	sst s12;
	s5 =	smul.u32 $0x1DF5959F, s5  }
0x85: {  	s20 =	smulhi.u32 $0x1DF5959F, s15;
	s31 =	spop (v2sf)  }
0x86: {  	(v2sf) =	vpush v17, $0xF;
	[smem:$0x6BF] =	sst s5;
	s5 =	sshra.s32 s31, $0x1F  }
0x87: {  	[smem:$0x6BA] =	sst s20;
	s5 =	smul.u32 $0x1DF5959F, s5  }
0x88: {  	(v2sf) =	vpush v17, $0x9;
	s24 =	smulhi.u32 $0x1DF5959F, s23;
	s8 =	spop (v2sf)  }
0x89: {  	s30 =	smulhi.u32 $0x1DF5959F, s26;
	[smem:$0x6C1] =	sst s5;
	s5 =	sshra.s32 s8, $0x1F  }
0x8a: {  	[smem:$0x6BC] =	sst s24;
	s5 =	smul.u32 $0x1DF5959F, s5  }
0x8b: {  	(v2sf) =	vpush v17, $0x8;
	s7 =	smulhi.u32 $0x1DF5959F, s31;
	s15 =	spop (v2sf)  }
0x8c: {  	s12 =	smulhi.u32 $0x1DF5959F, s8;
	[smem:$0x6C3] =	sst s5;
	s5 =	sshra.s32 s15, $0x1F  }
0x8d: {  	(v2sf) =	vpush v17, $0xA;
	[smem:$0x6BE] =	sst s30;
	s5 =	smul.u32 $0x1DF5959F, s5  }
0x8e: {  	(v2sf) =	vpush v17, $0xB;
	[smem:$0x6C2] =	sst s12;
	s23 =	spop (v2sf)  }
0x8f: {  	s24 =	smulhi.u32 $0x1DF5959F, s23;
	[smem:$0x6C5] =	sst s5;
	s5 =	sshra.s32 s23, $0x1F  }
0x90: {  	(v2sf) =	vpush v17, $0x1;
	s23 =	spop (v2sf);
	s5 =	smul.u32 $0x1DF5959F, s5  }
0x91: {  	s20 =	smulhi.u32 $0x1DF5959F, s15;
	s26 =	sshra.s32 s23, $0x1F;
	s12 =	spop (v2sf)  }
0x92: {  	(v2sf) =	vpush v17, $0x0;
	[smem:$0x6C7] =	sst s5;
	s5 =	smul.u32 $0x8BCECC31, s26  }
0x93: {  	[smem:$0x6C4] =	sst s20;
	s30 =	sshra.s32 s12, $0x1F;
	s20 =	spop (v2sf)  }
0x94: {  	(v2sf) =	vpush v17, $0x2;
	[smem:$0x6C8] =	sst s5;
	s5 =	smul.u32 $0x8BCECC31, s30  }
0x95: {  	[smem:$0x6C6] =	sst s24;
	s31 =	sshra.s32 s20, $0x1F;
	s24 =	spop (v2sf)  }
0x96: {  	(v2sf) =	vpush v17, $0x3;
	[smem:$0x6C9] =	sst s5;
	s5 =	smul.u32 $0x8BCECC31, s31  }
0x97: {  	[smem:$0x6C0] =	sst s7;
	s6 =	sshra.s32 s24, $0x1F;
	s31 =	spop (v2sf)  }
0x98: {  	(v2sf) =	vpush v17, $0x4;
	s7 =	sshra.s32 s31, $0x1F;
	[smem:$0x6CA] =	sst s5;
	s5 =	smul.u32 $0x8BCECC31, s6  }
0x99: {  	s6 =	smul.u32 $0x8BCECC31, s7  }
0x9a: {  	(v2sf) =	vpush v17, $0x5;
	[smem:$0x6CB] =	sst s5;
	s5 =	spop (v2sf)  }
0x9b: {  	v44 =	vld [tilespmem:s3+$0x20];
	[smem:$0x6CD] =	sst s6;
	s8 =	sshra.s32 s5, $0x1F  }
0x9c: {  	(v2sf) =	vpush v17, $0x6;
	s26 =	spop (v2sf);
	s6 =	smul.u32 $0x8BCECC31, s8  }
0x9d: {  	s15 =	sshra.s32 s26, $0x1F;
	s30 =	spop (v2sf)  }
0x9e: {  	(v2sf) =	vpush v17, $0x7;
	[smem:$0x6CE] =	sst s6;
	s6 =	smul.u32 $0x8BCECC31, s15  }
0x9f: {  	s7 =	sshra.s32 s30, $0x1F;
	s8 =	spop (v2sf)  }
0xa0: {  	v19 =	vmul.u32 $0x7, v44;
	[smem:$0x6D1] =	sst s6;
	s6 =	smul.u32 $0x8BCECC31, s7  }
0xa1: {  	[smem:$0x6CC] =	sst s30;
	s15 =	sshra.s32 s8, $0x1F;
	s30 =	spop (v2sf)  }
0xa2: {  	(v2sf) =	vpush v19, $0xD;
	[smem:$0x6D3] =	sst s6;
	s6 =	smul.u32 $0x8BCECC31, s15  }
0xa3: {  	[smem:$0x6CF] =	sst s8;
	s8 =	spop (v2sf);
	s7 =	sshra.s32 s30, $0x1F  }
0xa4: {  	[smem:$0x6D4] =	sst s6;
	s6 =	smul.u32 $0x8BCECC31, s7  }
0xa5: {  	(v2sf) =	vpush v19, $0xC;
	[smem:$0x6D0] =	sst s30;
	s30 =	spop (v2sf);
	s15 =	sshra.s32 s8, $0x1F  }
0xa6: {  	[smem:$0x6D6] =	sst s6;
	s6 =	smul.u32 $0x8BCECC31, s15  }
0xa7: {  	[smem:$0x6D2] =	sst s8;
	s8 =	spop (v2sf);
	s7 =	sshra.s32 s30, $0x1F  }
0xa8: {  	(v2sf) =	vpush v19, $0xE;
	[smem:$0x6D7] =	sst s6;
	s6 =	smul.u32 $0x8BCECC31, s7  }
0xa9: {  	[smem:$0x6D5] =	sst s30;
	s30 =	spop (v2sf);
	s15 =	sshra.s32 s8, $0x1F  }
0xaa: {  	[smem:$0x6DA] =	sst s6;
	s6 =	smul.u32 $0x8BCECC31, s15  }
0xab: {  	(v2sf) =	vpush v19, $0xF;
	[smem:$0x6D8] =	sst s8;
	s8 =	spop (v2sf);
	s7 =	sshra.s32 s30, $0x1F  }
0xac: {  	[smem:$0x6DC] =	sst s6;
	s6 =	smul.u32 $0x8BCECC31, s7  }
0xad: {  	[smem:$0x6D9] =	sst s30;
	s30 =	spop (v2sf);
	s15 =	sshra.s32 s8, $0x1F  }
0xae: {  	(v2sf) =	vpush v19, $0x9;
	[smem:$0x6DD] =	sst s6;
	s6 =	smul.u32 $0x8BCECC31, s15  }
0xaf: {  	s7 =	sshra.s32 s30, $0x1F  }
0xb0: {  	[smem:$0x6DE] =	sst s6;
	s6 =	smul.u32 $0x8BCECC31, s7  }
0xb1: {  	(v2sf) =	vpush v19, $0x8;
	[smem:$0x6DB] =	sst s8;
	s8 =	spop (v2sf)  }
0xb2: {  	s15 =	smulhi.u32 $0x1DF5959F, s8;
	[smem:$0x6DF] =	sst s6;
	s6 =	sshra.s32 s8, $0x1F  }
0xb3: {  	s6 =	smul.u32 $0x1DF5959F, s6  }
0xb4: {  	(v2sf) =	vpush v19, $0xA;
	[smem:$0x6E0] =	sst s15;
	s8 =	spop (v2sf)  }
0xb5: {  	s15 =	smulhi.u32 $0x1DF5959F, s8;
	[smem:$0x6E1] =	sst s6;
	s6 =	sshra.s32 s8, $0x1F  }
0xb6: {  	s6 =	smul.u32 $0x1DF5959F, s6  }
0xb7: {  	(v2sf) =	vpush v19, $0xB;
	[smem:$0x6E2] =	sst s15;
	s8 =	spop (v2sf)  }
0xb8: {  	s15 =	smulhi.u32 $0x1DF5959F, s8;
	[smem:$0x6E3] =	sst s6;
	s6 =	sshra.s32 s8, $0x1F  }
0xb9: {  	(v2sf) =	vpush v19, $0x0;
	s6 =	smul.u32 $0x1DF5959F, s6  }
0xba: {  	[smem:$0x6E4] =	sst s15;
	s8 =	spop (v2sf)  }
0xbb: {  	s15 =	smulhi.u32 $0x1DF5959F, s8;
	[smem:$0x6E5] =	sst s6;
	s6 =	sshra.s32 s8, $0x1F  }
0xbc: {  	s6 =	smul.u32 $0x1DF5959F, s6  }
0xbd: {  	[smem:$0x6E6] =	sst s15;
	s8 =	spop (v2sf)  }
0xbe: {  	s15 =	smulhi.u32 $0x1DF5959F, s8;
	[smem:$0x6E7] =	sst s6;
	s6 =	sshra.s32 s8, $0x1F  }
0xbf: {  	s6 =	smul.u32 $0x1DF5959F, s6  }
0xc0: {  	[smem:$0x6E8] =	sst s15;
	s8 =	spop (v2sf)  }
0xc1: {  	s15 =	smulhi.u32 $0x1DF5959F, s8;
	[smem:$0x6E9] =	sst s6;
	s6 =	sshra.s32 s8, $0x1F  }
0xc2: {  	s6 =	smul.u32 $0x1DF5959F, s6  }
0xc3: {  	[smem:$0x6EA] =	sst s15;
	s8 =	spop (v2sf)  }
0xc4: {  	(v2sf) =	vpush v19, $0x1;
	s15 =	smulhi.u32 $0x1DF5959F, s8;
	[smem:$0x6EB] =	sst s6;
	s6 =	sshra.s32 s8, $0x1F  }
0xc5: {  	s6 =	smul.u32 $0x1DF5959F, s6  }
0xc6: {  	[smem:$0x6EC] =	sst s15;
	s8 =	spop (v2sf)  }
0xc7: {  	s15 =	smulhi.u32 $0x1DF5959F, s8;
	[smem:$0x6ED] =	sst s6;
	s6 =	sshra.s32 s8, $0x1F  }
0xc8: {  	s8 =	spop (v2sf);
	s6 =	smul.u32 $0x1DF5959F, s6  }
0xc9: {  	[smem:$0x6EE] =	sst s15;
	s15 =	smulhi.u32 $0x1DF5959F, s8  }
0xca: {  	[smem:$0x6EF] =	sst s6  }
0xcb: {  	[smem:$0x6F0] =	sst s15  }
0xcc: {  	s6 =	sshra.s32 s8, $0x1F;
	s8 =	sld [smem:$0x679]  }
0xcd: {  	s15 =	sld [smem:$0x67A]  }
0xce: {  	(v2sf) =	vpush v19, $0x2;
	_ =	sdelay $0x1  }
0xcf: {  	s7 =	sadd.s32 s15, s8;
	s8 =	sld [smem:$0x67B]  }
0xd0: {  	s6 =	smul.u32 $0x1DF5959F, s6;
	s15 =	sld [smem:$0x67C]  }
0xd1: {  	_ = 	snop  }
0xd2: {  	[smem:$0x6F1] =	sst s6;
	s6 =	spop (v2sf)  }
0xd3: {  	[dreg:$0x19] =	wrdreg s7;
	s7 =	sadd.s32 s15, s8;
	s15 =	smulhi.u32 $0x1DF5959F, s6  }
0xd4: {  	s8 =	sld [smem:$0x67D]  }
0xd5: {  	[smem:$0x6F2] =	sst s15  }
0xd6: {  	s15 =	sld [smem:$0x67E]  }
0xd7: {  	(v2sf) =	vpush v19, $0x3  }
0xd8: {  	[dreg:$0x1f] =	wrdreg s7  }
0xd9: {  	s6 =	sshra.s32 s6, $0x1F;
	s7 =	sadd.s32 s15, s8;
	s8 =	sld [smem:$0x67F]  }
0xda: {  	s6 =	smul.u32 $0x1DF5959F, s6;
	s15 =	sld [smem:$0x680]  }
0xdb: {  	_ = 	snop  }
0xdc: {  	[smem:$0x6F3] =	sst s6;
	s6 =	spop (v2sf)  }
0xdd: {  	[dreg:$0x1a] =	wrdreg s7;
	s7 =	sadd.s32 s15, s8;
	s15 =	smulhi.u32 $0x1DF5959F, s6  }
0xde: {  	s8 =	sld [smem:$0x681]  }
0xdf: {  	[smem:$0x6F4] =	sst s15  }
0xe0: {  	s15 =	sld [smem:$0x682]  }
0xe1: {  	(v2sf) =	vpush v19, $0x4  }
0xe2: {  	[dreg:$0x18] =	wrdreg s7  }
0xe3: {  	s6 =	sshra.s32 s6, $0x1F;
	s7 =	sadd.s32 s15, s8;
	s8 =	sld [smem:$0x683]  }
0xe4: {  	s6 =	smul.u32 $0x1DF5959F, s6;
	s15 =	sld [smem:$0x684]  }
0xe5: {  	_ = 	snop  }
0xe6: {  	[smem:$0x6F5] =	sst s6;
	s6 =	spop (v2sf)  }
0xe7: {  	[dreg:$0x17] =	wrdreg s7;
	s7 =	sadd.s32 s15, s8;
	s15 =	smulhi.u32 $0x1DF5959F, s6  }
0xe8: {  	s8 =	sld [smem:$0x685]  }
0xe9: {  	[smem:$0x6F6] =	sst s15  }
0xea: {  	s15 =	sld [smem:$0x686];
	_ =	sdelay $0x1  }
0xeb: {  	[dreg:$0x1e] =	wrdreg s7  }
0xec: {  	s6 =	sshra.s32 s6, $0x1F;
	s7 =	sadd.s32 s15, s8;
	s8 =	sld [smem:$0x687]  }
0xed: {  	s6 =	smul.u32 $0x1DF5959F, s6;
	s15 =	sld [smem:$0x688]  }
0xee: {  	_ = 	snop  }
0xef: {  	[smem:$0x6F7] =	sst s6;
	s6 =	spop (v2sf)  }
0xf0: {  	[dreg:$0x1c] =	wrdreg s7;
	s7 =	sadd.s32 s15, s8;
	s15 =	smulhi.u32 $0x1DF5959F, s6  }
0xf1: {  	s8 =	sld [smem:$0x689]  }
0xf2: {  	[smem:$0x6F8] =	sst s15  }
0xf3: {  	s15 =	sld [smem:$0x68A];
	_ =	sdelay $0x1  }
0xf4: {  	[dreg:$0x1b] =	wrdreg s7  }
0xf5: {  	s7 =	sadd.s32 s15, s8;
	s8 =	sld [smem:$0x68B]  }
0xf6: {  	s15 =	sld [smem:$0x68C]  }
0xf7: {  	s6 =	sshra.s32 s6, $0x1F  }
0xf8: {  	s6 =	smul.u32 $0x1DF5959F, s6;
	[smem:$0x73F] =	sst s7  }
0xf9: {  	s7 =	sadd.s32 s15, s8;
	s8 =	sld [smem:$0x68D]  }
0xfa: {  	[smem:$0x6F9] =	sst s6  }
0xfb: {  	(v2sf) =	vpush v19, $0x5;
	s15 =	sld [smem:$0x68F]  }
0xfc: {  	s6 =	sadd.s32 s8, s10;
	s10 =	sld [smem:$0x68E]  }
0xfd: {  	s8 =	sld [smem:$0x690]  }
0xfe: {  	[smem:$0x741] =	sst s6  }
0xff: {  	s6 =	sadd.s32 s15, s10;
	s10 =	sld [smem:$0x691]  }
0x100: {  	[smem:$0x740] =	sst s7  }
0x101: {  	s15 =	sld [smem:$0x693]  }
0x102: {  	s7 =	sadd.s32 s10, s8;
	s10 =	sld [smem:$0x692];
	_ =	sdelay $0x2  }
0x103: {  	s10 =	sadd.s32 s15, s10;
	s15 =	sld [smem:$0x695]  }
0x104: {  	[smem:$0x744] =	sst s10  }
0x105: {  	s10 =	sld [smem:$0x694]  }
0x106: {  	(v2sf) =	vpush v19, $0x6;
	_ =	sdelay $0x1  }
0x107: {  	[smem:$0x742] =	sst s6;
	s8 =	spop (v2sf);
	s10 =	sadd.s32 s15, s10  }
0x108: {  	s15 =	smulhi.u32 $0x1DF5959F, s8;
	[smem:$0x745] =	sst s10  }
0x109: {  	s10 =	sld [smem:$0x696]  }
0x10a: {  	[smem:$0x6FA] =	sst s15  }
0x10b: {  	s6 =	smulhi.u32 $0x8BCECC31, s1;
	s15 =	sld [smem:$0x697]  }
0x10c: {  	_ = 	snop  }
0x10d: {  	s1 =	ssub.s32 s6, s1;
	[smem:$0x743] =	sst s7;
	s7 =	smulhi.u32 $0x8BCECC31, s0  }
0x10e: {  	s6 =	sshra.s32 s8, $0x1F;
	s10 =	sadd.s32 s15, s10;
	s15 =	sld [smem:$0x698]  }
0x10f: {  	s6 =	smul.u32 $0x1DF5959F, s6;
	[smem:$0x746] =	sst s10  }
0x110: {  	(v2sf) =	vpush v19, $0x7;
	s8 =	smulhi.u32 $0x8BCECC31, s4;
	s10 =	sld [smem:$0x699]  }
0x111: {  	v22 =	vadd.s32 $0x3, v19;
	s0 =	ssub.s32 s7, s0;
	[smem:$0x6FB] =	sst s6  }
0x112: {  	(v2sf) =	vpush v22, $0xD;
	s7 =	ssub.s32 s8, s4;
	s1 =	sadd.s32 s15, s1;
	s15 =	sld [smem:$0x69A]  }
0x113: {  	s8 =	smulhi.u32 $0x8BCECC31, s9;
	[dreg:$0xf] =	wrdreg s1;
	s0 =	sadd.s32 s10, s0  }
0x114: {  	s10 =	spop (v2sf);
	[dreg:$0x16] =	wrdreg s0  }
0x115: {  	(v2sf) =	vpush v22, $0xC;
	s0 =	sadd.s32 s15, s7;
	s15 =	sld [smem:$0x69B];
	s7 =	smulhi.u32 $0x1DF5959F, s10  }
0x116: {  	(v2sf) =	vpush v22, $0xE;
	[dreg:$0x10] =	wrdreg s0  }
0x117: {  	s8 =	ssub.s32 s8, s9;
	s9 =	smulhi.u32 $0x8BCECC31, s22;
	[smem:$0x6FC] =	sst s7  }
0x118: {  	s1 =	sadd.s32 s15, s8;
	s15 =	sld [smem:$0x69C]  }
0x119: {  	(v2sf) =	vpush v22, $0xF;
	s6 =	smulhi.u32 $0x8BCECC31, s2;
	s8 =	ssub.s32 s9, s22;
	s22 =	sld [smem:$0x69D]  }
0x11a: {  	s9 =	sshra.s32 s10, $0x1F;
	s10 =	smulhi.u32 $0x8BCECC31, s29;
	[dreg:$0x11] =	wrdreg s1  }
0x11b: {  	s0 =	ssub.s32 s6, s2;
	s2 =	smul.u32 $0x1DF5959F, s9;
	s9 =	sld [smem:$0x69E]  }
0x11c: {  	(v2sf) =	vpush v22, $0x9;
	s7 =	smulhi.u32 $0x8BCECC31, s28;
	s6 =	ssub.s32 s10, s29;
	s29 =	sld [smem:$0x69F]  }
0x11d: {  	(v2sf) =	vpush v22, $0x8;
	s0 =	sadd.s32 s15, s0;
	[smem:$0x6FD] =	sst s2  }
0x11e: {  	s1 =	ssub.s32 s7, s28;
	[dreg:$0x12] =	wrdreg s0  }
0x11f: {  	s0 =	sadd.s32 s22, s8;
	s8 =	spop (v2sf);
	s22 =	smulhi.u32 $0x8BCECC31, s19  }
0x120: {  	[dreg:$0x14] =	wrdreg s0;
	s0 =	sadd.s32 s9, s6;
	s10 =	smulhi.u32 $0x1DF5959F, s8  }
0x121: {  	(v2sf) =	vpush v22, $0xA;
	s7 =	spop (v2sf);
	s1 =	sadd.s32 s29, s1;
	s29 =	sld [smem:$0x6A0]  }
0x122: {  	(v2sf) =	vpush v22, $0xB;
	s15 =	sshra.s32 s8, $0x1F;
	s8 =	smulhi.u32 $0x8BCECC31, s17;
	[dreg:$0x13] =	wrdreg s0  }
0x123: {  	s0 =	smul.u32 $0x1DF5959F, s15;
	[dreg:$0x15] =	wrdreg s1  }
0x124: {  	s28 =	sshra.s32 s7, $0x1F;
	s9 =	spop (v2sf);
	[smem:$0x6FE] =	sst s10  }
0x125: {  	s4 =	smul.u32 $0x8BCECC31, s28;
	s6 =	sshra.s32 s9, $0x1F;
	s2 =	spop (v2sf)  }
0x126: {  	(v2sf) =	vpush v22, $0x1;
	[smem:$0x6FF] =	sst s0;
	s1 =	smul.u32 $0x8BCECC31, s6  }
0x127: {  	s0 =	ssub.s32 s22, s19;
	s10 =	sshra.s32 s2, $0x1F;
	s19 =	smulhi.u32 $0x8BCECC31, s11  }
0x128: {  	[smem:$0x700] =	sst s4;
	s4 =	spop (v2sf);
	s0 =	sadd.s32 s14, s0  }
0x129: {  	s14 =	smul.u32 $0x8BCECC31, s10;
	[smem:$0x701] =	sst s1;
	s15 =	sshra.s32 s4, $0x1F  }
0x12a: {  	[smem:$0x74E] =	sst s0;
	s0 =	smul.u32 $0x8BCECC31, s15  }
0x12b: {  	(v2sf) =	vpush v22, $0x0;
	s28 =	smov.u32 s3;
	[smem:$0x702] =	sst s14;
	s14 =	spop (v2sf)  }
0x12c: {  	(v2sf) =	vpush v22, $0x2;
	s1 =	ssub.s32 s8, s17;
	[smem:$0x703] =	sst s0;
	s0 =	spop (v2sf)  }
0x12d: {  	v46 =	vld [tilespmem:s3+$0x30];
	s1 =	sadd.s32 s29, s1;
	s29 =	sld [smem:$0x6A1];
	s15 =	sshra.s32 s0, $0x1F  }
0x12e: {  	s22 =	sshra.s32 s14, $0x1F;
	[smem:$0x74C] =	sst s1;
	s1 =	smul.u32 $0x8BCECC31, s15  }
0x12f: {  	(v2sf) =	vpush v22, $0x3;
	[dreg:$0xe] =	wrdreg s28;
	s10 =	smul.u32 $0x8BCECC31, s22  }
0x130: {  	(v2sf) =	vpush v22, $0x4;
	s17 =	ssub.s32 s19, s11;
	[smem:$0x705] =	sst s1;
	s1 =	spop (v2sf)  }
0x131: {  	(v2sf) =	vpush v22, $0x5;
	s3 =	sadd.s32 s29, s17;
	s22 =	sshra.s32 s1, $0x1F;
	s6 =	spop (v2sf)  }
0x132: {  	[tilespmem:$0x1FF20] =	vst v0;
	v23 =	vmul.u32 $0x7, v46;
	(v2sf) =	vpush v22, $0x6;
	[smem:$0x704] =	sst s10;
	s8 =	smul.u32 $0x8BCECC31, s22;
	s11 =	sshra.s32 s6, $0x1F  }
0x133: {  	[tilespmem:$0x1FF30] =	vst v43;
	(v2sf) =	vpush v22, $0x7;
	[smem:$0x751] =	sst s3;
	s15 =	smul.u32 $0x8BCECC31, s11  }
0x134: {  	[tilespmem:$0x1FF40] =	vst v44;
	(v2sf) =	vpush v23, $0xD;
	[smem:$0x706] =	sst s8  }
0x135: {  	[tilespmem:$0x1FF50] =	vst v46;
	(v2sf) =	vpush v23, $0xC;
	s8 =	spop (v2sf);
	[smem:$0x707] =	sst s15  }
0x136: {  	s19 =	smulhi.u32 $0x8BCECC31, s13;
	(v2sf) =	vpush v23, $0xE  }
0x137: {  	s17 =	smulhi.u32 $0x8BCECC31, s16;
	s22 =	sld [smem:$0x6A2]  }
0x138: {  	s13 =	ssub.s32 s19, s13;
	s19 =	sshra.s32 s8, $0x1F  }
0x139: {  	s15 =	ssub.s32 s17, s16;
	s29 =	smul.u32 $0x8BCECC31, s19  }
0x13a: {  	s10 =	spop (v2sf);
	s3 =	sadd.s32 s22, s13;
	s13 =	sld [smem:$0x6A3]  }
0x13b: {  	s16 =	spop (v2sf);
	[smem:$0x752] =	sst s3;
	s3 =	sshra.s32 s10, $0x1F  }
0x13c: {  	s22 =	sshra.s32 s16, $0x1F;
	s17 =	smul.u32 $0x8BCECC31, s3  }
0x13d: {  	[smem:$0x708] =	sst s29;
	s3 =	sadd.s32 s13, s15;
	s15 =	smul.u32 $0x8BCECC31, s22  }
0x13e: {  	s29 =	spop (v2sf);
	[smem:$0x709] =	sst s17  }
0x13f: {  	s19 =	smulhi.u32 $0x8BCECC31, s18;
	s17 =	sshra.s32 s29, $0x1F;
	[smem:$0x70A] =	sst s15  }
0x140: {  	s11 =	smul.u32 $0x8BCECC31, s17;
	s15 =	sld [smem:$0x6A4]  }
0x141: {  	s19 =	ssub.s32 s19, s18;
	s18 =	smulhi.u32 $0x8BCECC31, s21;
	[smem:$0x754] =	sst s3  }
0x142: {  	[smem:$0x70B] =	sst s11;
	s11 =	spop (v2sf)  }
0x143: {  	s13 =	sshra.s32 s11, $0x1F;
	s22 =	spop (v2sf);
	s3 =	sadd.s32 s15, s19  }
0x144: {  	s13 =	smul.u32 $0x8BCECC31, s13;
	s15 =	sshra.s32 s22, $0x1F;
	s17 =	spop (v2sf)  }
0x145: {  	s19 =	smul.u32 $0x8BCECC31, s15;
	s15 =	sld [smem:$0x6A5]  }
0x146: {  	s18 =	ssub.s32 s18, s21;
	s21 =	sshra.s32 s17, $0x1F;
	[smem:$0x70C] =	sst s13  }
0x147: {  	s13 =	sld [smem:$0x6A6];
	s21 =	smul.u32 $0x8BCECC31, s21  }
0x148: {  	[smem:$0x70D] =	sst s19  }
0x149: {  	[smem:$0x70E] =	sst s21  }
0x14a: {  	s19 =	smulhi.u32 $0x8BCECC31, s15;
	s21 =	sld [smem:$0x6A7]  }
0x14b: {  	[smem:$0x756] =	sst s3;
	s3 =	spop (v2sf);
	s13 =	sadd.s32 s13, s18  }
0x14c: {  	[smem:$0x75B] =	sst s13;
	s13 =	sshra.s32 s3, $0x1F;
	s19 =	ssub.s32 s19, s15  }
0x14d: {  	s18 =	smul.u32 $0x8BCECC31, s13;
	s13 =	sadd.s32 s21, s19;
	s19 =	sld [smem:$0x6A8]  }
0x14e: {  	s21 =	sld [smem:$0x6A9]  }
0x14f: {  	[smem:$0x75E] =	sst s13  }
0x150: {  	[smem:$0x70F] =	sst s18  }
0x151: {  	s18 =	spop (v2sf);
	s13 =	sadd.s32 s21, s19;
	s19 =	sld [smem:$0x6AA]  }
0x152: {  	s15 =	smulhi.u32 $0x1DF5959F, s18;
	s18 =	sshra.s32 s18, $0x1F;
	s21 =	sld [smem:$0x6AB]  }
0x153: {  	[smem:$0x759] =	sst s13;
	s18 =	smul.u32 $0x1DF5959F, s18  }
0x154: {  	(v2sf) =	vpush v23, $0xF;
	[smem:$0x710] =	sst s15  }
0x155: {  	[smem:$0x711] =	sst s18  }
0x156: {  	s18 =	spop (v2sf);
	s13 =	sadd.s32 s21, s19;
	s19 =	sld [smem:$0x6AC]  }
0x157: {  	s21 =	sld [smem:$0x6AD];
	s15 =	smulhi.u32 $0x1DF5959F, s18  }
0x158: {  	[smem:$0x757] =	sst s13  }
0x159: {  	[smem:$0x712] =	sst s15  }
0x15a: {  	s18 =	sshra.s32 s18, $0x1F;
	s13 =	sadd.s32 s21, s19;
	s19 =	sld [smem:$0x6AE]  }
0x15b: {  	(v2sf) =	vpush v23, $0x9;
	s18 =	smul.u32 $0x1DF5959F, s18;
	s21 =	sld [smem:$0x6AF]  }
0x15c: {  	[smem:$0x75C] =	sst s13  }
0x15d: {  	[smem:$0x713] =	sst s18  }
0x15e: {  	s18 =	spop (v2sf);
	s13 =	sadd.s32 s21, s19;
	s19 =	sld [smem:$0x6B0]  }
0x15f: {  	s15 =	smulhi.u32 $0x1DF5959F, s18;
	s18 =	sshra.s32 s18, $0x1F;
	s21 =	sld [smem:$0x6B1]  }
0x160: {  	s18 =	smul.u32 $0x1DF5959F, s18;
	[smem:$0x761] =	sst s13  }
0x161: {  	[smem:$0x714] =	sst s15  }
0x162: {  	[smem:$0x715] =	sst s18  }
0x163: {  	s18 =	spop (v2sf);
	s13 =	sadd.s32 s21, s19;
	s19 =	sld [smem:$0x6B2]  }
0x164: {  	s21 =	sld [smem:$0x6B3];
	s15 =	smulhi.u32 $0x1DF5959F, s18  }
0x165: {  	[smem:$0x762] =	sst s13  }
0x166: {  	s18 =	sshra.s32 s18, $0x1F;
	[smem:$0x716] =	sst s15  }
0x167: {  	s18 =	smul.u32 $0x1DF5959F, s18;
	s13 =	sadd.s32 s21, s19;
	s19 =	sld [smem:$0x6B4]  }
0x168: {  	s21 =	sld [smem:$0x6B5]  }
0x169: {  	[smem:$0x717] =	sst s18  }
0x16a: {  	s18 =	spop (v2sf);
	[smem:$0x75F] =	sst s13  }
0x16b: {  	s15 =	smulhi.u32 $0x1DF5959F, s18;
	s13 =	sadd.s32 s21, s19;
	s19 =	sld [smem:$0x6B6]  }
0x16c: {  	s21 =	sld [smem:$0x6B7]  }
0x16d: {  	[smem:$0x718] =	sst s15  }
0x16e: {  	[smem:$0x764] =	sst s13  }
0x16f: {  	s13 =	sadd.s32 s21, s19;
	s19 =	sld [smem:$0x6B8]  }
0x170: {  	s21 =	sld [smem:$0x6B9]  }
0x171: {  	s15 =	sld [smem:$0x6BE]  }
0x172: {  	s18 =	sshra.s32 s18, $0x1F;
	[smem:$0x766] =	sst s13  }
0x173: {  	s18 =	smul.u32 $0x1DF5959F, s18;
	s13 =	sadd.s32 s21, s19;
	s19 =	sld [smem:$0x6BA]  }
0x174: {  	s21 =	sld [smem:$0x6BB]  }
0x175: {  	[smem:$0x719] =	sst s18  }
0x176: {  	[smem:$0x753] =	sst s13  }
0x177: {  	s13 =	sadd.s32 s21, s19;
	s19 =	sld [smem:$0x6BC]  }
0x178: {  	s21 =	sld [smem:$0x6BD]  }
0x179: {  	s18 =	sld [smem:$0x6BF]  }
0x17a: {  	[smem:$0x758] =	sst s13  }
0x17b: {  	s13 =	sadd.s32 s21, s19;
	s19 =	sld [smem:$0x6C0]  }
0x17c: {  	s21 =	sld [smem:$0x6C1]  }
0x17d: {  	[smem:$0x75A] =	sst s13;
	s13 =	sadd.s32 s18, s15  }
0x17e: {  	[smem:$0x75D] =	sst s13  }
0x17f: {  	s13 =	sadd.s32 s21, s19;
	s19 =	sld [smem:$0x6C2]  }
0x180: {  	s21 =	sld [smem:$0x6C3]  }
0x181: {  	s15 =	sld [smem:$0x6C4]  }
0x182: {  	[smem:$0x760] =	sst s13  }
0x183: {  	s13 =	sadd.s32 s21, s19;
	s21 =	sld [smem:$0x6C5];
	_ =	sdelay $0x1  }
0x184: {  	[smem:$0x763] =	sst s13  }
0x185: {  	s13 =	sadd.s32 s21, s15;
	s15 =	sld [smem:$0x6C6]  }
0x186: {  	s21 =	sld [smem:$0x6C7];
	_ =	sdelay $0x1  }
0x187: {  	s18 =	smulhi.u32 $0x8BCECC31, s23;
	[smem:$0x765] =	sst s13  }
0x188: {  	s19 =	smulhi.u32 $0x8BCECC31, s12;
	s13 =	sadd.s32 s21, s15;
	s15 =	sld [smem:$0x6C8]  }
0x189: {  	v47 =	vld [tilespmem:s28+$0x40];
	s28 =	sld [smem:$0x708];
	(v2sf) =	vpush v23, $0x8;
	s21 =	smulhi.u32 $0x8BCECC31, s20  }
0x18a: {  	s18 =	ssub.s32 s18, s23;
	[smem:$0x767] =	sst s13;
	s13 =	smulhi.u32 $0x8BCECC31, s24  }
0x18b: {  	s19 =	ssub.s32 s19, s12;
	s12 =	sadd.s32 s15, s18;
	s18 =	sld [smem:$0x6C9]  }
0x18c: {  	s20 =	ssub.s32 s21, s20;
	s21 =	ssub.s32 s13, s24;
	s24 =	sld [smem:$0x6CA]  }
0x18d: {  	s13 =	sld [smem:$0x6CB]  }
0x18e: {  	[smem:$0x776] =	sst s12;
	s12 =	sadd.s32 s18, s19  }
0x18f: {  	[smem:$0x773] =	sst s12  }
0x190: {  	s12 =	sadd.s32 s24, s20;
	s20 =	sld [smem:$0x6CC]  }
0x191: {  	s18 =	smulhi.u32 $0x8BCECC31, s31;
	s24 =	sld [smem:$0x6CD]  }
0x192: {  	[smem:$0x778] =	sst s12  }
0x193: {  	s18 =	ssub.s32 s18, s31;
	s31 =	sld [smem:$0x6CE]  }
0x194: {  	s23 =	smulhi.u32 $0x8BCECC31, s5;
	s12 =	sadd.s32 s13, s21;
	s13 =	sld [smem:$0x6D0]  }
0x195: {  	[smem:$0x77E] =	sst s12;
	s12 =	sadd.s32 s24, s18  }
0x196: {  	s5 =	ssub.s32 s23, s5;
	s15 =	smulhi.u32 $0x8BCECC31, s26;
	[smem:$0x77C] =	sst s12  }
0x197: {  	s23 =	smulhi.u32 $0x8BCECC31, s20;
	s5 =	sadd.s32 s31, s5;
	s31 =	sld [smem:$0x6D1]  }
0x198: {  	(v2sf) =	vpush v23, $0xA;
	s24 =	ssub.s32 s15, s26;
	s26 =	spop (v2sf);
	[smem:$0x779] =	sst s5  }
0x199: {  	s5 =	sld [smem:$0x6CF];
	s15 =	ssub.s32 s23, s20;
	s20 =	smulhi.u32 $0x1DF5959F, s26  }
0x19a: {  	s23 =	sld [smem:$0x6D2]  }
0x19b: {  	[smem:$0x71A] =	sst s20  }
0x19c: {  	s12 =	sadd.s32 s31, s24;
	s31 =	sld [smem:$0x6D4];
	s21 =	smulhi.u32 $0x8BCECC31, s5  }
0x19d: {  	[smem:$0x77F] =	sst s12;
	s24 =	smulhi.u32 $0x8BCECC31, s23  }
0x19e: {  	s5 =	ssub.s32 s21, s5;
	s21 =	sshra.s32 s26, $0x1F;
	s26 =	sld [smem:$0x6D3]  }
0x19f: {  	s18 =	smul.u32 $0x1DF5959F, s21;
	s21 =	ssub.s32 s24, s23;
	s23 =	sld [smem:$0x6D5]  }
0x1a0: {  	s5 =	sadd.s32 s31, s5;
	s31 =	sld [smem:$0x6D7]  }
0x1a1: {  	s19 =	smulhi.u32 $0x8BCECC31, s13;
	s12 =	sadd.s32 s26, s15;
	s26 =	sld [smem:$0x6D6]  }
0x1a2: {  	[smem:$0x777] =	sst s5  }
0x1a3: {  	s20 =	ssub.s32 s19, s13;
	[smem:$0x71B] =	sst s18  }
0x1a4: {  	[smem:$0x781] =	sst s12;
	s24 =	smulhi.u32 $0x8BCECC31, s23;
	s5 =	sadd.s32 s26, s20  }
0x1a5: {  	(v2sf) =	vpush v23, $0xB;
	[smem:$0x771] =	sst s5  }
0x1a6: {  	s5 =	sadd.s32 s31, s21;
	s21 =	ssub.s32 s24, s23;
	s23 =	sld [smem:$0x6D9]  }
0x1a7: {  	s26 =	spop (v2sf);
	s31 =	sld [smem:$0x6DA]  }
0x1a8: {  	s18 =	smulhi.u32 $0x1DF5959F, s26;
	[smem:$0x77A] =	sst s5  }
0x1a9: {  	s15 =	smulhi.u32 $0x8BCECC31, s30;
	s5 =	sld [smem:$0x6D8]  }
0x1aa: {  	[smem:$0x71C] =	sst s18  }
0x1ab: {  	(v2sf) =	vpush v23, $0x0;
	s18 =	ssub.s32 s15, s30;
	s15 =	sld [smem:$0x6E0]  }
0x1ac: {  	s12 =	sadd.s32 s31, s21;
	s21 =	sshra.s32 s26, $0x1F;
	s26 =	sld [smem:$0x6DC]  }
0x1ad: {  	(v2sf) =	vpush v23, $0x1;
	s24 =	smulhi.u32 $0x8BCECC31, s23;
	s31 =	sld [smem:$0x6DD]  }
0x1ae: {  	s20 =	smulhi.u32 $0x8BCECC31, s5;
	[smem:$0x77D] =	sst s12  }
0x1af: {  	s12 =	smul.u32 $0x1DF5959F, s21;
	s19 =	ssub.s32 s24, s23;
	s23 =	sld [smem:$0x6DB]  }
0x1b0: {  	s21 =	sld [smem:$0x6DE];
	s5 =	ssub.s32 s20, s5  }
0x1b1: {  	[smem:$0x71D] =	sst s12;
	s5 =	sadd.s32 s26, s5  }
0x1b2: {  	s24 =	smulhi.u32 $0x8BCECC31, s23;
	[smem:$0x780] =	sst s5  }
0x1b3: {  	s5 =	sadd.s32 s31, s19;
	s31 =	sld [smem:$0x6DF]  }
0x1b4: {  	s20 =	spop (v2sf);
	[smem:$0x782] =	sst s5;
	s13 =	ssub.s32 s24, s23  }
0x1b5: {  	s23 =	smulhi.u32 $0x1DF5959F, s20;
	s24 =	sshra.s32 s20, $0x1F;
	s20 =	sld [smem:$0x6E2]  }
0x1b6: {  	s12 =	sadd.s32 s31, s18;
	s18 =	sld [smem:$0x6E1]  }
0x1b7: {  	s5 =	sadd.s32 s21, s13;
	s21 =	sld [smem:$0x6E3]  }
0x1b8: {  	(v2sf) =	vpush v23, $0x2;
	s30 =	smul.u32 $0x1DF5959F, s24;
	s24 =	sld [smem:$0x6E4]  }
0x1b9: {  	[smem:$0x785] =	sst s5  }
0x1ba: {  	s26 =	spop (v2sf);
	[smem:$0x71E] =	sst s23  }
0x1bb: {  	s13 =	smulhi.u32 $0x1DF5959F, s26;
	[smem:$0x789] =	sst s12  }
0x1bc: {  	s19 =	spop (v2sf);
	s5 =	sshra.s32 s26, $0x1F;
	s26 =	sld [smem:$0x6E5]  }
0x1bd: {  	s23 =	smulhi.u32 $0x1DF5959F, s19;
	[smem:$0x71F] =	sst s13  }
0x1be: {  	s13 =	sld [smem:$0x6EC]  }
0x1bf: {  	[smem:$0x721] =	sst s23  }
0x1c0: {  	s12 =	sadd.s32 s18, s15;
	s15 =	sld [smem:$0x6E6]  }
0x1c1: {  	(v2sf) =	vpush v23, $0x3;
	s5 =	smul.u32 $0x1DF5959F, s5;
	s18 =	sld [smem:$0x6E7]  }
0x1c2: {  	(v2sf) =	vpush v23, $0x4;
	[smem:$0x786] =	sst s12  }
0x1c3: {  	[smem:$0x720] =	sst s5  }
0x1c4: {  	s12 =	sadd.s32 s21, s20;
	s20 =	sld [smem:$0x6E8]  }
0x1c5: {  	s21 =	sld [smem:$0x6E9]  }
0x1c6: {  	[smem:$0x783] =	sst s12  }
0x1c7: {  	s31 =	spop (v2sf);
	s12 =	sadd.s32 s26, s24;
	s24 =	sld [smem:$0x6EA]  }
0x1c8: {  	s5 =	sshra.s32 s19, $0x1F;
	s19 =	smulhi.u32 $0x1DF5959F, s31;
	s26 =	sld [smem:$0x6EB]  }
0x1c9: {  	[smem:$0x787] =	sst s12  }
0x1ca: {  	[smem:$0x723] =	sst s19  }
0x1cb: {  	s5 =	smul.u32 $0x1DF5959F, s5;
	s12 =	sadd.s32 s18, s15;
	s15 =	sld [smem:$0x6ED]  }
0x1cc: {  	s19 =	sld [smem:$0x6EE]  }
0x1cd: {  	[smem:$0x722] =	sst s5  }
0x1ce: {  	[smem:$0x78A] =	sst s12  }
0x1cf: {  	s12 =	sadd.s32 s21, s20;
	s20 =	sld [smem:$0x6EF]  }
0x1d0: {  	s23 =	spop (v2sf);
	[smem:$0x78D] =	sst s12  }
0x1d1: {  	s18 =	spop (v2sf);
	s12 =	sadd.s32 s26, s24;
	s24 =	sld [smem:$0x6F1]  }
0x1d2: {  	s5 =	sshra.s32 s31, $0x1F;
	s31 =	smulhi.u32 $0x1DF5959F, s23;
	s26 =	sld [smem:$0x6F2]  }
0x1d3: {  	s21 =	smulhi.u32 $0x1DF5959F, s18;
	[smem:$0x78B] =	sst s12  }
0x1d4: {  	[smem:$0x725] =	sst s31  }
0x1d5: {  	[smem:$0x727] =	sst s21  }
0x1d6: {  	s31 =	sld [smem:$0x6F3]  }
0x1d7: {  	s12 =	sadd.s32 s15, s13;
	s13 =	sld [smem:$0x6F5]  }
0x1d8: {  	s5 =	smul.u32 $0x1DF5959F, s5;
	s15 =	sld [smem:$0x6F6]  }
0x1d9: {  	s21 =	sld [smem:$0x6FB]  }
0x1da: {  	[smem:$0x724] =	sst s5  }
0x1db: {  	[smem:$0x78F] =	sst s12  }
0x1dc: {  	s5 =	sshra.s32 s23, $0x1F;
	s23 =	sld [smem:$0x6F0]  }
0x1dd: {  	s12 =	sadd.s32 s20, s19;
	s20 =	sld [smem:$0x6FA];
	s5 =	smul.u32 $0x1DF5959F, s5  }
0x1de: {  	[smem:$0x791] =	sst s12  }
0x1df: {  	[smem:$0x726] =	sst s5  }
0x1e0: {  	(v2sf) =	vpush v23, $0x5;
	s5 =	sshra.s32 s18, $0x1F;
	s18 =	sld [smem:$0x6F7]  }
0x1e1: {  	s12 =	sadd.s32 s24, s23;
	s23 =	sld [smem:$0x6FC]  }
0x1e2: {  	s24 =	sld [smem:$0x6FD]  }
0x1e3: {  	[smem:$0x784] =	sst s12  }
0x1e4: {  	s12 =	sadd.s32 s31, s26;
	s26 =	sld [smem:$0x6F8]  }
0x1e5: {  	[smem:$0x788] =	sst s12  }
0x1e6: {  	s5 =	smul.u32 $0x1DF5959F, s5;
	s12 =	sld [smem:$0x6F4]  }
0x1e7: {  	(v2sf) =	vpush v23, $0x6;
	s31 =	sld [smem:$0x6F9]  }
0x1e8: {  	[smem:$0x728] =	sst s5  }
0x1e9: {  	s5 =	sadd.s32 s13, s12;
	s13 =	sld [smem:$0x702]  }
0x1ea: {  	s12 =	sadd.s32 s31, s26;
	[smem:$0x78C] =	sst s5  }
0x1eb: {  	[smem:$0x790] =	sst s12  }
0x1ec: {  	s12 =	sadd.s32 s21, s20;
	s20 =	sld [smem:$0x6FE]  }
0x1ed: {  	s5 =	sadd.s32 s18, s15;
	s21 =	sld [smem:$0x6FF]  }
0x1ee: {  	[smem:$0x78E] =	sst s5  }
0x1ef: {  	s15 =	spop (v2sf);
	[smem:$0x792] =	sst s12  }
0x1f0: {  	s12 =	sadd.s32 s24, s23;
	s26 =	smulhi.u32 $0x1DF5959F, s15;
	s23 =	sld [smem:$0x700]  }
0x1f1: {  	(v2sf) =	vpush v23, $0x7;
	s19 =	smulhi.u32 $0x8BCECC31, s7;
	[smem:$0x793] =	sst s12  }
0x1f2: {  	s18 =	smulhi.u32 $0x8BCECC31, s9;
	s31 =	sshra.s32 s15, $0x1F;
	[smem:$0x729] =	sst s26  }
0x1f3: {  	s24 =	smul.u32 $0x1DF5959F, s31;
	s12 =	sadd.s32 s21, s20;
	s20 =	sld [smem:$0x703]  }
0x1f4: {  	s15 =	smulhi.u32 $0x8BCECC31, s2;
	[smem:$0x794] =	sst s12  }
0x1f5: {  	s5 =	ssub.s32 s19, s7;
	s31 =	smulhi.u32 $0x8BCECC31, s4;
	[smem:$0x72A] =	sst s24  }
0x1f6: {  	s19 =	spop (v2sf);
	s2 =	ssub.s32 s15, s2;
	s12 =	sld [smem:$0x701]  }
0x1f7: {  	v26 =	vadd.s32 $0x3, v23;
	s15 =	smulhi.u32 $0x8BCECC31, s14;
	s4 =	ssub.s32 s31, s4;
	s31 =	sld [smem:$0x705]  }
0x1f8: {  	(v2sf) =	vpush v26, $0xD;
	s5 =	sadd.s32 s23, s5;
	s2 =	sadd.s32 s13, s2;
	s13 =	sld [smem:$0x706]  }
0x1f9: {  	(v2sf) =	vpush v26, $0xC;
	s21 =	smulhi.u32 $0x1DF5959F, s19;
	[smem:$0x797] =	sst s5  }
0x1fa: {  	(v2sf) =	vpush v26, $0xE;
	s26 =	ssub.s32 s18, s9;
	s18 =	smulhi.u32 $0x8BCECC31, s0;
	[smem:$0x799] =	sst s2  }
0x1fb: {  	s9 =	smulhi.u32 $0x8BCECC31, s6;
	[smem:$0x72B] =	sst s21  }
0x1fc: {  	s23 =	sshra.s32 s19, $0x1F;
	s4 =	sadd.s32 s20, s4;
	s20 =	sld [smem:$0x707]  }
0x1fd: {  	(v2sf) =	vpush v26, $0xF;
	s24 =	smulhi.u32 $0x8BCECC31, s1;
	s2 =	ssub.s32 s15, s14;
	[dreg:$0x1d] =	wrdreg s4  }
0x1fe: {  	(v2sf) =	vpush v26, $0x9;
	s0 =	ssub.s32 s18, s0;
	s5 =	sadd.s32 s12, s26;
	s26 =	sld [smem:$0x704]  }
0x1ff: {  	(v2sf) =	vpush v26, $0x8;
	s0 =	sadd.s32 s31, s0;
	s4 =	smul.u32 $0x1DF5959F, s23;
	[smem:$0x796] =	sst s5  }
0x200: {  	s7 =	ssub.s32 s24, s1;
	s12 =	spop (v2sf);
	[smem:$0x79A] =	sst s0  }
0x201: {  	s14 =	smulhi.u32 $0x1DF5959F, s12;
	s15 =	sshra.s32 s12, $0x1F;
	s12 =	sld [smem:$0x709]  }
0x202: {  	s18 =	smulhi.u32 $0x8BCECC31, s8;
	s0 =	sadd.s32 s13, s7;
	[smem:$0x72C] =	sst s4  }
0x203: {  	(v2sf) =	vpush v26, $0xA;
	s1 =	ssub.s32 s9, s6;
	s24 =	smulhi.u32 $0x8BCECC31, s10;
	[smem:$0x79E] =	sst s0  }
0x204: {  	s0 =	smul.u32 $0x1DF5959F, s15;
	s1 =	sadd.s32 s20, s1;
	[smem:$0x72D] =	sst s14  }
0x205: {  	(v2sf) =	vpush v26, $0xB;
	s4 =	smulhi.u32 $0x8BCECC31, s16;
	s2 =	sadd.s32 s26, s2;
	[smem:$0x7A0] =	sst s1  }
0x206: {  	s20 =	smulhi.u32 $0x8BCECC31, s29;
	[smem:$0x79C] =	sst s2  }
0x207: {  	(v2sf) =	vpush v26, $0x1;
	s14 =	spop (v2sf);
	[smem:$0x72E] =	sst s0  }
0x208: {  	s19 =	sshra.s32 s14, $0x1F;
	s13 =	spop (v2sf);
	s0 =	ssub.s32 s18, s8  }
0x209: {  	(v2sf) =	vpush v26, $0x0;
	s21 =	smul.u32 $0x8BCECC31, s19;
	s9 =	spop (v2sf);
	s0 =	sadd.s32 s28, s0  }
0x20a: {  	(v2sf) =	vpush v26, $0x2;
	s23 =	sshra.s32 s13, $0x1F;
	s28 =	smulhi.u32 $0x8BCECC31, s11;
	[smem:$0x798] =	sst s0  }
0x20b: {  	s1 =	smul.u32 $0x8BCECC31, s23;
	s23 =	sld [smem:$0x70A]  }
0x20c: {  	(v2sf) =	vpush v26, $0x3;
	s26 =	sshra.s32 s9, $0x1F;
	s8 =	spop (v2sf);
	[smem:$0x72F] =	sst s21  }
0x20d: {  	s2 =	ssub.s32 s24, s10;
	s31 =	smul.u32 $0x8BCECC31, s26;
	s10 =	spop (v2sf)  }
0x20e: {  	[smem:$0x730] =	sst s1;
	s1 =	sshra.s32 s8, $0x1F;
	s5 =	spop (v2sf)  }
0x20f: {  	s7 =	sshra.s32 s10, $0x1F;
	[smem:$0x731] =	sst s31;
	s0 =	smul.u32 $0x8BCECC31, s1  }
0x210: {  	(v2sf) =	vpush v26, $0x4;
	s1 =	sadd.s32 s12, s2;
	s2 =	ssub.s32 s20, s29;
	s20 =	sld [smem:$0x70C]  }
0x211: {  	s15 =	smul.u32 $0x8BCECC31, s7;
	[smem:$0x795] =	sst s1  }
0x212: {  	(v2sf) =	vpush v26, $0x5;
	s18 =	sshra.s32 s5, $0x1F;
	s12 =	spop (v2sf);
	[smem:$0x732] =	sst s0  }
0x213: {  	(v2sf) =	vpush v26, $0x6;
	s19 =	smul.u32 $0x8BCECC31, s18;
	s21 =	sshra.s32 s12, $0x1F;
	[smem:$0x733] =	sst s15  }
0x214: {  	s0 =	ssub.s32 s4, s16;
	s16 =	spop (v2sf);
	s4 =	sld [smem:$0x70B]  }
0x215: {  	v25 =	vmul.u32 $0x7, v47;
	(v2sf) =	vpush v26, $0x7;
	s24 =	smul.u32 $0x8BCECC31, s21;
	[smem:$0x734] =	sst s19  }
0x216: {  	s0 =	sadd.s32 s23, s0;
	s26 =	sshra.s32 s16, $0x1F;
	s31 =	spop (v2sf)  }
0x217: {  	(v2sf) =	vpush v25, $0xD;
	[smem:$0x79B] =	sst s0;
	s0 =	smul.u32 $0x8BCECC31, s26  }
0x218: {  	[smem:$0x735] =	sst s24;
	s26 =	spop (v2sf);
	s1 =	sadd.s32 s4, s2  }
0x219: {  	s6 =	sshra.s32 s26, $0x1F;
	s18 =	spop (v2sf);
	[smem:$0x736] =	sst s0  }
0x21a: {  	[smem:$0x79D] =	sst s1;
	s0 =	ssub.s32 s28, s11;
	s7 =	smul.u32 $0x8BCECC31, s6  }
0x21b: {  	s11 =	smulhi.u32 $0x8BCECC31, s22;
	s19 =	sshra.s32 s18, $0x1F;
	s23 =	spop (v2sf)  }
0x21c: {  	s1 =	sld [smem:$0x70D];
	s0 =	sadd.s32 s20, s0;
	s15 =	smul.u32 $0x8BCECC31, s19  }
0x21d: {  	s21 =	sshra.s32 s23, $0x1F;
	s20 =	smulhi.u32 $0x8BCECC31, s3;
	[smem:$0x737] =	sst s7  }
0x21e: {  	[smem:$0x79F] =	sst s0;
	s24 =	smul.u32 $0x8BCECC31, s21  }
0x21f: {  	(v2sf) =	vpush v25, $0xC;
	s2 =	ssub.s32 s11, s22;
	s22 =	smulhi.u32 $0x8BCECC31, s17;
	s19 =	spop (v2sf)  }
0x220: {  	s0 =	sadd.s32 s1, s2;
	s1 =	sld [smem:$0x70E];
	s28 =	sshra.s32 s19, $0x1F  }
0x221: {  	s4 =	spop (v2sf);
	[smem:$0x7A1] =	sst s0;
	s6 =	ssub.s32 s22, s17  }
0x222: {  	s7 =	smul.u32 $0x8BCECC31, s28;
	s11 =	sshra.s32 s4, $0x1F;
	s17 =	spop (v2sf)  }
0x223: {  	s28 =	smul.u32 $0x8BCECC31, s11;
	s0 =	sadd.s32 s1, s6;
	s1 =	sld [smem:$0x70F]  }
0x224: {  	s22 =	sshra.s32 s17, $0x1F;
	s11 =	spop (v2sf);
	[smem:$0x738] =	sst s7  }
0x225: {  	[smem:$0x7A3] =	sst s0;
	s21 =	smul.u32 $0x8BCECC31, s22;
	s7 =	sshra.s32 s11, $0x1F  }
0x226: {  	s2 =	ssub.s32 s20, s3;
	s22 =	spop (v2sf);
	s20 =	smul.u32 $0x8BCECC31, s7  }
0x227: {  	s3 =	smulhi.u32 $0x1DF5959F, s22;
	s7 =	sshra.s32 s22, $0x1F;
	s22 =	sld [smem:$0x711]  }
0x228: {  	(v2sf) =	vpush v25, $0xE;
	s0 =	sadd.s32 s1, s2;
	s1 =	sld [smem:$0x714]  }
0x229: {  	[smem:$0x739] =	sst s20  }
0x22a: {  	[smem:$0x7A8] =	sst s0  }
0x22b: {  	(v2sf) =	vpush v25, $0xF;
	[smem:$0x73A] =	sst s3  }
0x22c: {  	s20 =	sld [smem:$0x710];
	s3 =	smul.u32 $0x1DF5959F, s7  }
0x22d: {  	s7 =	sld [smem:$0x712]  }
0x22e: {  	s6 =	spop (v2sf);
	[smem:$0x73B] =	sst s3  }
0x22f: {  	s2 =	sshra.s32 s6, $0x1F;
	s3 =	sld [smem:$0x715]  }
0x230: {  	s0 =	sadd.s32 s22, s20;
	s20 =	sld [smem:$0x713];
	s22 =	smulhi.u32 $0x1DF5959F, s6  }
0x231: {  	s6 =	smul.u32 $0x1DF5959F, s2;
	[smem:$0x7A5] =	sst s0  }
0x232: {  	(v2sf) =	vpush v25, $0x9;
	[smem:$0x73C] =	sst s22  }
0x233: {  	[smem:$0x73D] =	sst s6  }
0x234: {  	s22 =	sld [smem:$0x717]  }
0x235: {  	s6 =	sld [smem:$0x719]  }
0x236: {  	s0 =	sadd.s32 s20, s7;
	s20 =	sld [smem:$0x716]  }
0x237: {  	s7 =	spop (v2sf);
	[smem:$0x7A4] =	sst s0  }
0x238: {  	s0 =	sadd.s32 s3, s1;
	s1 =	smulhi.u32 $0x1DF5959F, s7;
	s3 =	sld [smem:$0x718]  }
0x239: {  	[smem:$0x7A6] =	sst s0  }
0x23a: {  	s2 =	sshra.s32 s7, $0x1F;
	s7 =	spop (v2sf);
	[smem:$0x73E] =	sst s1  }
0x23b: {  	s0 =	sadd.s32 s22, s20;
	s20 =	smul.u32 $0x1DF5959F, s2;
	s1 =	sld [smem:$0x71A]  }
0x23c: {  	s22 =	smulhi.u32 $0x1DF5959F, s7;
	s2 =	sshra.s32 s7, $0x1F;
	s7 =	sld [smem:$0x71D]  }
0x23d: {  	[smem:$0x7AB] =	sst s0  }
0x23e: {  	s0 =	sadd.s32 s6, s3;
	s3 =	sld [smem:$0x71B]  }
0x23f: {  	s6 =	sld [smem:$0x71C]  }
0x240: {  	[smem:$0x7AC] =	sst s0  }
0x241: {  	s0 =	sadd.s32 s3, s1;
	s3 =	spop (v2sf);
	s1 =	sld [smem:$0x71E]  }
0x242: {  	[smem:$0x7A9] =	sst s0;
	s0 =	sadd.s32 s7, s6;
	s6 =	smul.u32 $0x1DF5959F, s2  }
0x243: {  	s7 =	smulhi.u32 $0x1DF5959F, s3;
	s2 =	sshra.s32 s3, $0x1F;
	s3 =	sld [smem:$0x71F]  }
0x244: {  	[smem:$0x7AE] =	sst s0  }
0x245: {  	s0 =	sadd.s32 s30, s1;
	s30 =	sld [smem:$0x720];
	_ =	sdelay $0x1  }
0x246: {  	[smem:$0x7B0] =	sst s0  }
0x247: {  	s0 =	sadd.s32 s30, s3;
	s3 =	sld [smem:$0x721]  }
0x248: {  	s30 =	sld [smem:$0x722];
	_ =	sdelay $0x1  }
0x249: {  	[smem:$0x7A2] =	sst s0  }
0x24a: {  	s0 =	sadd.s32 s30, s3;
	s3 =	sld [smem:$0x723]  }
0x24b: {  	s30 =	sld [smem:$0x724];
	_ =	sdelay $0x1  }
0x24c: {  	[smem:$0x7A7] =	sst s0  }
0x24d: {  	s0 =	sadd.s32 s30, s3;
	s3 =	sld [smem:$0x725]  }
0x24e: {  	s30 =	sld [smem:$0x726];
	_ =	sdelay $0x1  }
0x24f: {  	[smem:$0x7AA] =	sst s0  }
0x250: {  	s0 =	sadd.s32 s30, s3;
	s3 =	sld [smem:$0x727]  }
0x251: {  	s30 =	sld [smem:$0x728];
	_ =	sdelay $0x2  }
0x252: {  	s1 =	sadd.s32 s30, s3;
	s3 =	sld [smem:$0x729]  }
0x253: {  	s30 =	sld [smem:$0x72A];
	_ =	sdelay $0x1  }
0x254: {  	[smem:$0x7AF] =	sst s1  }
0x255: {  	s1 =	sadd.s32 s30, s3;
	s30 =	sld [smem:$0x72C]  }
0x256: {  	[smem:$0x7B1] =	sst s1  }
0x257: {  	s3 =	smulhi.u32 $0x8BCECC31, s13;
	s1 =	sld [smem:$0x72B]  }
0x258: {  	s6 =	sadd.s32 s6, s22  }
0x259: {  	[smem:$0x7CA] =	sst s6;
	s3 =	ssub.s32 s3, s13  }
0x25a: {  	s13 =	smulhi.u32 $0x8BCECC31, s8;
	s1 =	sadd.s32 s30, s1;
	s30 =	sld [smem:$0x72E]  }
0x25b: {  	s2 =	smul.u32 $0x1DF5959F, s2;
	[smem:$0x7B2] =	sst s1  }
0x25c: {  	s8 =	ssub.s32 s13, s8;
	s13 =	smulhi.u32 $0x8BCECC31, s5;
	s1 =	sld [smem:$0x72D]  }
0x25d: {  	s2 =	sadd.s32 s2, s7;
	[smem:$0x7AD] =	sst s0;
	s0 =	smulhi.u32 $0x8BCECC31, s14  }
0x25e: {  	[smem:$0x7CB] =	sst s2;
	s13 =	ssub.s32 s13, s5;
	s5 =	smulhi.u32 $0x8BCECC31, s16  }
0x25f: {  	s0 =	ssub.s32 s0, s14;
	s14 =	sld [smem:$0x731];
	s1 =	sadd.s32 s30, s1  }
0x260: {  	(v2sf) =	vpush v25, $0x8;
	s30 =	sld [smem:$0x72F];
	s5 =	ssub.s32 s5, s16;
	s16 =	smulhi.u32 $0x8BCECC31, s4  }
0x261: {  	[smem:$0x7B3] =	sst s1  }
0x262: {  	s1 =	smulhi.u32 $0x8BCECC31, s9;
	s4 =	ssub.s32 s16, s4;
	s16 =	sld [smem:$0x73C]  }
0x263: {  	s0 =	sadd.s32 s30, s0;
	s30 =	sld [smem:$0x730]  }
0x264: {  	s1 =	ssub.s32 s1, s9;
	[smem:$0x7B8] =	sst s0  }
0x265: {  	s1 =	sadd.s32 s14, s1;
	s14 =	sld [smem:$0x733]  }
0x266: {  	s0 =	sadd.s32 s30, s3;
	s30 =	sld [smem:$0x732]  }
0x267: {  	(v2sf) =	vpush v25, $0xA;
	[smem:$0x7BC] =	sst s1  }
0x268: {  	[smem:$0x7B6] =	sst s0;
	s0 =	smulhi.u32 $0x8BCECC31, s10  }
0x269: {  	s29 =	sshra.s32 s31, $0x1F;
	s1 =	sadd.s32 s30, s8;
	s30 =	sld [smem:$0x734]  }
0x26a: {  	(v2sf) =	vpush v25, $0xB;
	s9 =	smulhi.u32 $0x8BCECC31, s12;
	s0 =	ssub.s32 s0, s10;
	[smem:$0x7BF] =	sst s1  }
0x26b: {  	(v2sf) =	vpush v25, $0x0;
	s8 =	smulhi.u32 $0x8BCECC31, s31;
	s0 =	sadd.s32 s14, s0;
	s14 =	sld [smem:$0x735]  }
0x26c: {  	s10 =	ssub.s32 s9, s12;
	s12 =	smulhi.u32 $0x8BCECC31, s26;
	[smem:$0x7BD] =	sst s0  }
0x26d: {  	s29 =	smul.u32 $0x8BCECC31, s29;
	s3 =	ssub.s32 s8, s31;
	s31 =	sld [smem:$0x736]  }
0x26e: {  	(v2sf) =	vpush v25, $0x1;
	s1 =	ssub.s32 s12, s26;
	s12 =	sld [smem:$0x737];
	s26 =	sadd.s32 s28, s4  }
0x26f: {  	s0 =	sadd.s32 s30, s13;
	s13 =	spop (v2sf);
	s30 =	smulhi.u32 $0x8BCECC31, s18  }
0x270: {  	s3 =	sadd.s32 s29, s3;
	[smem:$0x7BE] =	sst s26;
	s29 =	smulhi.u32 $0x8BCECC31, s11  }
0x271: {  	(v2sf) =	vpush v25, $0x2;
	[smem:$0x7BA] =	sst s0;
	s0 =	sadd.s32 s14, s10;
	s10 =	smulhi.u32 $0x8BCECC31, s23  }
0x272: {  	[smem:$0x7B5] =	sst s3;
	s14 =	smulhi.u32 $0x8BCECC31, s19  }
0x273: {  	(v2sf) =	vpush v25, $0x3;
	s8 =	sshra.s32 s13, $0x1F;
	[smem:$0x7C0] =	sst s0;
	s0 =	smulhi.u32 $0x1DF5959F, s13  }
0x274: {  	s5 =	sadd.s32 s31, s5;
	s1 =	sadd.s32 s12, s1;
	s12 =	sld [smem:$0x739]  }
0x275: {  	s3 =	smul.u32 $0x1DF5959F, s8;
	[smem:$0x7C2] =	sst s5  }
0x276: {  	s8 =	ssub.s32 s30, s18;
	s18 =	spop (v2sf);
	[smem:$0x7B4] =	sst s1  }
0x277: {  	(v2sf) =	vpush v25, $0x4;
	s13 =	sadd.s32 s15, s8;
	s1 =	ssub.s32 s14, s19;
	s14 =	sld [smem:$0x73B]  }
0x278: {  	s15 =	ssub.s32 s10, s23;
	s23 =	smulhi.u32 $0x8BCECC31, s17;
	[smem:$0x7B7] =	sst s13  }
0x279: {  	s30 =	spop (v2sf);
	s5 =	sadd.s32 s24, s15;
	s24 =	sld [smem:$0x738]  }
0x27a: {  	s8 =	ssub.s32 s29, s11;
	s31 =	spop (v2sf);
	s13 =	sld [smem:$0x73A]  }
0x27b: {  	(v2sf) =	vpush v25, $0x5;
	s9 =	sshra.s32 s30, $0x1F;
	[smem:$0x7B9] =	sst s5;
	s5 =	smulhi.u32 $0x1DF5959F, s18  }
0x27c: {  	s0 =	sadd.s32 s3, s0;
	s28 =	ssub.s32 s23, s17;
	s9 =	smul.u32 $0x1DF5959F, s9  }
0x27d: {  	s8 =	sadd.s32 s12, s8;
	s15 =	spop (v2sf);
	s17 =	sld [smem:$0x73D]  }
0x27e: {  	s10 =	sshra.s32 s31, $0x1F;
	[smem:$0x7C3] =	sst s8;
	s8 =	smulhi.u32 $0x1DF5959F, s31  }
0x27f: {  	(v2sf) =	vpush v25, $0x6;
	s19 =	sshra.s32 s18, $0x1F;
	[smem:$0x7C8] =	sst s0;
	s10 =	smul.u32 $0x1DF5959F, s10  }
0x280: {  	s4 =	sadd.s32 s21, s28;
	s18 =	smulhi.u32 $0x1DF5959F, s15;
	s21 =	spop (v2sf)  }
0x281: {  	(v2sf) =	vpush v25, $0x7;
	s1 =	sadd.s32 s24, s1;
	[smem:$0x7C1] =	sst s4;
	s4 =	smulhi.u32 $0x1DF5959F, s30  }
0x282: {  	v27 =	vadd.s32 $0x3, v25;
	s11 =	sadd.s32 s14, s13;
	s22 =	smulhi.u32 $0x1DF5959F, s21;
	s24 =	spop (v2sf)  }
0x283: {  	(v2sf) =	vpush v27, $0xD;
	s14 =	sshra.s32 s21, $0x1F;
	[smem:$0x7BB] =	sst s1;
	s1 =	smul.u32 $0x1DF5959F, s19  }
0x284: {  	(v2sf) =	vpush v27, $0xC;
	[smem:$0x7C6] =	sst s11;
	s12 =	sadd.s32 s17, s16;
	s23 =	smul.u32 $0x1DF5959F, s14  }
0x285: {  	(v2sf) =	vpush v27, $0xE;
	s11 =	sshra.s32 s15, $0x1F;
	s19 =	sld [smem:$0x73E];
	s26 =	smulhi.u32 $0x1DF5959F, s24  }
0x286: {  	s28 =	sshra.s32 s24, $0x1F;
	s30 =	spop (v2sf);
	s11 =	smul.u32 $0x1DF5959F, s11  }
0x287: {  	(v2sf) =	vpush v27, $0xF;
	[smem:$0x7C4] =	sst s12;
	s29 =	smul.u32 $0x1DF5959F, s28;
	s4 =	sadd.s32 s9, s4  }
0x288: {  	(v2sf) =	vpush v27, $0x9;
	s31 =	smulhi.u32 $0x1DF5959F, s30;
	s9 =	sadd.s32 s10, s8;
	[smem:$0x7CE] =	sst s4  }
0x289: {  	s3 =	sshra.s32 s30, $0x1F;
	s1 =	sadd.s32 s1, s5;
	[smem:$0x7C5] =	sst s9  }
0x28a: {  	(v2sf) =	vpush v27, $0x8;
	s10 =	spop (v2sf);
	s2 =	sadd.s32 s23, s22;
	[smem:$0x7CD] =	sst s1  }
0x28b: {  	(v2sf) =	vpush v27, $0xA;
	s3 =	smul.u32 $0x1DF5959F, s3;
	s12 =	sadd.s32 s20, s19;
	[smem:$0x7CC] =	sst s2  }
0x28c: {  	s8 =	smulhi.u32 $0x1DF5959F, s10;
	s0 =	sadd.s32 s29, s26;
	[smem:$0x7C7] =	sst s12  }
0x28d: {  	s5 =	sshra.s32 s10, $0x1F;
	(v2sf) =	vpush v27, $0xB;
	s12 =	sadd.s32 s11, s18;
	[smem:$0x7CF] =	sst s0  }
0x28e: {  	s15 =	sadd.s32 s3, s31;
	s31 =	rddreg [dreg:$0xe];
	s13 =	spop (v2sf)  }
0x28f: {  	s22 =	smul.u32 $0x1DF5959F, s5;
	[smem:$0x7C9] =	sst s12;
	s14 =	sshra.s32 s13, $0x1F  }
0x290: {  	s16 =	spop (v2sf);
	s7 =	smul.u32 $0x1DF5959F, s14  }
0x291: {  	(v2sf) =	vpush v27, $0x1;
	[smem:$0x7D0] =	sst s15;
	s17 =	smulhi.u32 $0x1DF5959F, s16;
	s18 =	sshra.s32 s16, $0x1F  }
0x292: {  	(v2sf) =	vpush v27, $0x0;
	s14 =	spop (v2sf);
	s0 =	smul.u32 $0x1DF5959F, s18  }
0x293: {  	(v2sf) =	vpush v27, $0x2;
	s18 =	spop (v2sf);
	s19 =	sshra.s32 s14, $0x1F;
	[smem:$0x747] =	sst s17  }
0x294: {  	s21 =	smul.u32 $0x8BCECC31, s19;
	s15 =	spop (v2sf);
	s23 =	sshra.s32 s18, $0x1F  }
0x295: {  	[smem:$0x748] =	sst s0;
	s24 =	smul.u32 $0x8BCECC31, s23  }
0x296: {  	s16 =	spop (v2sf);
	s26 =	sshra.s32 s15, $0x1F;
	[smem:$0x749] =	sst s21  }
0x297: {  	s28 =	smul.u32 $0x8BCECC31, s26;
	s17 =	spop (v2sf);
	s29 =	sshra.s32 s16, $0x1F  }
0x298: {  	(v2sf) =	vpush v27, $0x3;
	[smem:$0x74A] =	sst s24;
	s30 =	smul.u32 $0x8BCECC31, s29  }
0x299: {  	s19 =	spop (v2sf);
	s1 =	sshra.s32 s17, $0x1F;
	[smem:$0x74B] =	sst s28  }
0x29a: {  	s2 =	smul.u32 $0x8BCECC31, s1;
	s3 =	sshra.s32 s19, $0x1F;
	s28 =	spop (v2sf)  }
0x29b: {  	(v2sf) =	vpush v27, $0x4;
	[smem:$0x74D] =	sst s30;
	s4 =	smul.u32 $0x8BCECC31, s3  }
0x29c: {  	s24 =	spop (v2sf);
	s5 =	sshra.s32 s28, $0x1F;
	[smem:$0x74F] =	sst s2  }
0x29d: {  	s6 =	smul.u32 $0x8BCECC31, s5;
	s9 =	sshra.s32 s24, $0x1F;
	[smem:$0x750] =	sst s4  }
0x29e: {  	(v2sf) =	vpush v27, $0x5;
	s10 =	smul.u32 $0x8BCECC31, s9;
	s9 =	sadd.s32 s22, s8;
	s8 =	sld [smem:$0x741]  }
0x29f: {  	s20 =	smulhi.u32 $0x1DF5959F, s13;
	[smem:$0x755] =	sst s6  }
0x2a0: {  	s21 =	spop (v2sf);
	[smem:$0x7D1] =	sst s9  }
0x2a1: {  	s23 =	spop (v2sf);
	s9 =	rddreg [dreg:$0x19]  }
0x2a2: {  	(v2sf) =	vpush v27, $0x6;
	s26 =	spop (v2sf);
	[smem:$0x768] =	sst s10  }
0x2a3: {  	s11 =	sshra.s32 s21, $0x1F;
	[smem:$0x769] =	sst s26  }
0x2a4: {  	s12 =	smul.u32 $0x8BCECC31, s11;
	s11 =	sadd.s32 s7, s20;
	s10 =	sld [smem:$0x73F]  }
0x2a5: {  	[smem:$0x7D2] =	sst s11  }
0x2a6: {  	s11 =	rddreg [dreg:$0x18]  }
0x2a7: {  	v48 =	vld [tilespmem:s31+$0x50];
	s13 =	sshra.s32 s23, $0x1F;
	s31 =	spop (v2sf);
	[smem:$0x76A] =	sst s12  }
0x2a8: {  	s29 =	smul.u32 $0x8BCECC31, s13;
	[smem:$0x76B] =	sst s31  }
0x2a9: {  	s2 =	sshra.s32 s31, $0x1F;
	s31 =	rddreg [dreg:$0x1f]  }
0x2aa: {  	s30 =	sshra.s32 s26, $0x1F;
	s3 =	spop (v2sf);
	[smem:$0x76D] =	sst s29  }
0x2ab: {  	s1 =	smul.u32 $0x8BCECC31, s30;
	[smem:$0x76C] =	sst s3  }
0x2ac: {  	s0 =	smul.u32 $0x8BCECC31, s2;
	s4 =	sshra.s32 s3, $0x1F;
	s3 =	sld [smem:$0x740]  }
0x2ad: {  	s5 =	spop (v2sf);
	[smem:$0x76E] =	sst s1  }
0x2ae: {  	s13 =	sshrl.u32 s31, $0x1F;
	[smem:$0x76F] =	sst s5  }
0x2af: {  	s26 =	sshrl.u32 s9, $0x1F;
	v2 =	vmov s13;
	[smem:$0x770] =	sst s0  }
0x2b0: {  	s6 =	sshrl.u32 s10, $0x1F;
	s0 =	smul.u32 $0x8BCECC31, s4;
	v2 =	vsel vm0, s26, v2;
	s26 =	rddreg [dreg:$0x1a]  }
0x2b1: {  	s1 =	sshra.s32 s5, $0x1F;
	v49 =	vmov s6;
	s22 =	spop (v2sf);
	s6 =	sld [smem:$0x742]  }
0x2b2: {  	s12 =	smul.u32 $0x8BCECC31, s1;
	[smem:$0x772] =	sst s22  }
0x2b3: {  	v28 =	vmul.u32 $0x7, v48;
	s30 =	sshra.s32 s22, $0x1F;
	[smem:$0x774] =	sst s0  }
0x2b4: {  	(v2sf) =	vpush v27, $0x7;
	v0 =	vnsel vm3, $0x0, v49;
	s20 =	sshrl.u32 s3, $0x1F;
	[smem:$0x775] =	sst s12;
	s2 =	smul.u32 $0x8BCECC31, s30  }
0x2b5: {  	(v2sf) =	vpush v28, $0xD;
	s29 =	sshrl.u32 s8, $0x1F;
	v0 =	vsel vm0, s20, v0;
	s30 =	rddreg [dreg:$0x1e]  }
0x2b6: {  	[tilespmem:$0x1FF60] =	vst v47;
	(v2sf) =	vpush v28, $0xC;
	v0 =	vsel vm1, s29, v0;
	s5 =	sshrl.u32 s6, $0x1F;
	[smem:$0x77B] =	sst s2  }
0x2b7: {  	[tilespmem:$0x1FF70] =	vst v48;
	(v2sf) =	vpush v28, $0xE;
	s12 =	sshrl.u32 s30, $0x1F;
	v0 =	vsel vm2, s5, v0;
	s5 =	sld [smem:$0x743]  }
0x2b8: {  	v50 =	vmov s12;
	s12 =	rddreg [dreg:$0x17]  }
0x2b9: {  	s4 =	sshrl.u32 s26, $0x1F;
	s2 =	rddreg [dreg:$0x1c]  }
0x2ba: {  	v2 =	vsel vm1, s4, v2;
	s4 =	sld [smem:$0x744]  }
0x2bb: {  	v3 =	vmov s10;
	s10 =	sld [smem:$0x745]  }
0x2bc: {  	v53 =	vmov s30;
	s30 =	sld [smem:$0x748]  }
0x2bd: {  	s7 =	sshrl.u32 s11, $0x1F;
	v52 =	vmov s31;
	s31 =	sld [smem:$0x749];
	s13 =	sshrl.u32 s5, $0x1F  }
0x2be: {  	s20 =	sshrl.u32 s12, $0x1F;
	s22 =	sshrl.u32 s2, $0x1F;
	v0 =	vsel vm4, s13, v0;
	s29 =	sshrl.u32 s4, $0x1F  }
0x2bf: {  	v43 =	vsel vm2, s7, v2;
	v2 =	vsel vm0, s20, v50;
	s20 =	smulhi.u32 $0x8BCECC31, s14;
	s13 =	sshrl.u32 s10, $0x1F;
	v0 =	vsel vm5, s29, v0;
	s29 =	rddreg [dreg:$0x1b]  }
0x2c0: {  	v2 =	vsel vm1, s22, v2;
	s0 =	sshrl.u32 s29, $0x1F;
	v0 =	vsel vm6, s13, v0;
	s13 =	sld [smem:$0x746]  }
0x2c1: {  	s7 =	smulhi.u32 $0x8BCECC31, s18;
	v35 =	vsel vm2, s0, v2;
	s0 =	ssub.s32 s20, s14;
	s20 =	sld [smem:$0x747]  }
0x2c2: {  	s14 =	sld [smem:$0x74A]  }
0x2c3: {  	v2 =	vsel vm0, s9, v52;
	s9 =	ssub.s32 s7, s18;
	s7 =	rddreg [dreg:$0x15]  }
0x2c4: {  	s0 =	sadd.s32 s31, s0;
	s31 =	sld [smem:$0x74C]  }
0x2c5: {  	v2 =	vsel vm1, s26, v2;
	[smem:$0x7D7] =	sst s0  }
0x2c6: {  	v46 =	vsel vm2, s11, v2;
	s11 =	sld [smem:$0x74E]  }
0x2c7: {  	v3 =	vnsel vm3, $0x0, v3;
	s1 =	sshrl.u32 s13, $0x1F;
	s0 =	sadd.s32 s14, s9;
	s14 =	rddreg [dreg:$0x11]  }
0x2c8: {  	v51 =	vsel vm0, s3, v3;
	v3 =	vsel vm0, s12, v53;
	s12 =	smulhi.u32 $0x8BCECC31, s16;
	v0 =	vsel vm7, s1, v0;
	[smem:$0x7D5] =	sst s0  }
0x2c9: {  	[tilespmem:$0x1FED0] =	vst v0;
	v0 =	vsel vm1, s8, v51;
	s8 =	sadd.s32 s30, s20;
	s30 =	rddreg [dreg:$0x16]  }
0x2ca: {  	s20 =	ssub.s32 s12, s16;
	s12 =	sld [smem:$0x74F]  }
0x2cb: {  	s16 =	sld [smem:$0x751]  }
0x2cc: {  	s1 =	smulhi.u32 $0x8BCECC31, s15;
	v55 =	vmov s31;
	s31 =	sld [smem:$0x754]  }
0x2cd: {  	s26 =	smulhi.u32 $0x8BCECC31, s19;
	[smem:$0x7D3] =	sst s8  }
0x2ce: {  	s1 =	ssub.s32 s1, s15;
	s15 =	sld [smem:$0x74B]  }
0x2cf: {  	v0 =	vsel vm2, s6, v0;
	s6 =	ssub.s32 s26, s19;
	s26 =	rddreg [dreg:$0x12]  }
0x2d0: {  	v3 =	vsel vm1, s2, v3;
	v54 =	vmov s30;
	s30 =	rddreg [dreg:$0x13]  }
0x2d1: {  	v47 =	vsel vm2, s29, v3;
	v3 =	vnsel vm3, $0x0, v55;
	v0 =	vsel vm4, s5, v0;
	s5 =	rddreg [dreg:$0xf]  }
0x2d2: {  	v57 =	vsel vm0, s11, v3;
	s11 =	sld [smem:$0x757]  }
0x2d3: {  	v0 =	vsel vm5, s4, v0;
	s4 =	sld [smem:$0x74D]  }
0x2d4: {  	v2 =	vsel vm0, s5, v54;
	s5 =	sld [smem:$0x755]  }
0x2d5: {  	v0 =	vsel vm6, s10, v0;
	s10 =	rddreg [dreg:$0x10]  }
0x2d6: {  	s18 =	smulhi.u32 $0x8BCECC31, s17;
	s0 =	sadd.s32 s15, s1;
	s15 =	rddreg [dreg:$0x14]  }
0x2d7: {  	s9 =	smulhi.u32 $0x8BCECC31, s28;
	[smem:$0x7DA] =	sst s0  }
0x2d8: {  	v51 =	vsel vm7, s13, v0;
	s13 =	sld [smem:$0x750]  }
0x2d9: {  	s0 =	ssub.s32 s18, s17;
	s17 =	ssub.s32 s9, s28;
	s28 =	sld [smem:$0x752]  }
0x2da: {  	v56 =	vsel vm1, s10, v2;
	s10 =	sld [smem:$0x753]  }
0x2db: {  	s1 =	sadd.s32 s4, s20;
	s4 =	sld [smem:$0x761]  }
0x2dc: {  	s0 =	sadd.s32 s12, s0;
	[smem:$0x7DF] =	sst s1  }
0x2dd: {  	[smem:$0x7DB] =	sst s0  }
0x2de: {  	s22 =	spop (v2sf);
	s1 =	sadd.s32 s5, s17;
	s5 =	sld [smem:$0x759]  }
0x2df: {  	s29 =	spop (v2sf);
	s17 =	sld [smem:$0x75B];
	s0 =	sadd.s32 s13, s6  }
0x2e0: {  	s8 =	sshra.s32 s29, $0x1F;
	s19 =	smulhi.u32 $0x8BCECC31, s24;
	[smem:$0x7D8] =	sst s0  }
0x2e1: {  	v2 =	vsel vm1, s16, v57;
	s0 =	smul.u32 $0x1DF5959F, s8;
	s8 =	sld [smem:$0x756]  }
0x2e2: {  	s18 =	smulhi.u32 $0x1DF5959F, s29;
	v2 =	vsel vm2, s28, v2;
	s28 =	sld [smem:$0x75E]  }
0x2e3: {  	s2 =	ssub.s32 s19, s24;
	v58 =	vmov s15;
	s20 =	spop (v2sf);
	v2 =	vsel vm4, s31, v2;
	s31 =	sld [smem:$0x758]  }
0x2e4: {  	s9 =	sshrl.u32 s11, $0x1F;
	v0 =	vsel vm0, s26, v58;
	s12 =	smulhi.u32 $0x1DF5959F, s20;
	v60 =	vsel vm5, s8, v2;
	s8 =	sld [smem:$0x75C]  }
0x2e5: {  	v41 =	vsel vm2, s14, v56;
	v62 =	vmov s9;
	v0 =	vsel vm1, s30, v0;
	s14 =	spop (v2sf);
	s30 =	sld [smem:$0x75A];
	s29 =	sshrl.u32 s10, $0x1F  }
0x2e6: {  	v52 =	vsel vm2, s7, v0;
	s19 =	sshra.s32 s14, $0x1F;
	v59 =	vmov s29;
	s29 =	sld [smem:$0x75D];
	s15 =	sshrl.u32 s5, $0x1F;
	v0 =	vsel vm6, s17, v60  }
0x2e7: {  	v61 =	vnsel vm3, $0x0, v59;
	v3 =	vsel vm0, s15, v62;
	s13 =	sshrl.u32 s31, $0x1F;
	v53 =	vsel vm7, s28, v0;
	s28 =	sld [smem:$0x760];
	s24 =	sshrl.u32 s8, $0x1F  }
0x2e8: {  	s16 =	sshrl.u32 s30, $0x1F;
	v2 =	vsel vm0, s13, v61;
	v63 =	vsel vm1, s24, v3;
	s24 =	smul.u32 $0x1DF5959F, s19;
	s19 =	sld [smem:$0x763]  }
0x2e9: {  	s6 =	sshra.s32 s20, $0x1F;
	[smem:$0x7DD] =	sst s1;
	s26 =	sshrl.u32 s29, $0x1F;
	v2 =	vsel vm1, s16, v2  }
0x2ea: {  	s20 =	smulhi.u32 $0x1DF5959F, s14;
	v2 =	vsel vm2, s26, v2;
	s26 =	sld [smem:$0x75F];
	s14 =	sshrl.u32 s28, $0x1F  }
0x2eb: {  	v2 =	vsel vm4, s14, v2;
	s14 =	sld [smem:$0x762];
	s17 =	sshrl.u32 s19, $0x1F  }
0x2ec: {  	s1 =	smul.u32 $0x1DF5959F, s6;
	v2 =	vsel vm5, s17, v2;
	s17 =	sld [smem:$0x765]  }
0x2ed: {  	(v2sf) =	vpush v28, $0xF;
	s15 =	sshrl.u32 s4, $0x1F;
	s13 =	sshrl.u32 s26, $0x1F  }
0x2ee: {  	s1 =	sadd.s32 s1, s12;
	s12 =	sld [smem:$0x793];
	v6 =	vmov s13;
	s16 =	sshrl.u32 s14, $0x1F  }
0x2ef: {  	v44 =	vsel vm2, s15, v63;
	v7 =	vsel vm0, s16, v6;
	s16 =	sld [smem:$0x764];
	s15 =	sshrl.u32 s17, $0x1F  }
0x2f0: {  	s0 =	sadd.s32 s0, s18;
	v2 =	vsel vm6, s15, v2;
	s15 =	sld [smem:$0x767]  }
0x2f1: {  	[smem:$0x7E4] =	sst s0  }
0x2f2: {  	[smem:$0x7E5] =	sst s1;
	s13 =	sshrl.u32 s16, $0x1F  }
0x2f3: {  	v0 =	vsel vm1, s13, v7;
	s13 =	sld [smem:$0x766];
	s7 =	sshrl.u32 s15, $0x1F  }
0x2f4: {  	v15 =	vmov s26;
	v42 =	vsel vm7, s7, v2;
	s7 =	sld [smem:$0x768]  }
0x2f5: {  	v14 =	vmov s11;
	s9 =	smulhi.u32 $0x8BCECC31, s21;
	v3 =	vsel vm0, s14, v15;
	s14 =	sld [smem:$0x76D]  }
0x2f6: {  	v12 =	vmov s10;
	v2 =	vsel vm0, s5, v14;
	s5 =	sld [smem:$0x76C];
	s6 =	sshrl.u32 s13, $0x1F  }
0x2f7: {  	v13 =	vnsel vm3, $0x0, v12;
	s2 =	sadd.s32 s7, s2;
	s7 =	ssub.s32 s9, s21;
	s9 =	sld [smem:$0x769]  }
0x2f8: {  	v55 =	vsel vm2, s6, v0;
	v0 =	vsel vm0, s31, v13;
	s21 =	sld [smem:$0x76A]  }
0x2f9: {  	v0 =	vsel vm1, s30, v0;
	[smem:$0x7E0] =	sst s2  }
0x2fa: {  	v0 =	vsel vm2, s29, v0;
	s29 =	sld [smem:$0x76F]  }
0x2fb: {  	(v2sf) =	vpush v28, $0x9;
	v0 =	vsel vm4, s28, v0;
	s2 =	sadd.s32 s21, s7;
	s7 =	sld [smem:$0x76B]  }
0x2fc: {  	s31 =	spop (v2sf);
	v0 =	vsel vm5, s19, v0;
	s19 =	sld [smem:$0x773]  }
0x2fd: {  	(v2sf) =	vpush v28, $0x8;
	s10 =	smulhi.u32 $0x8BCECC31, s23;
	v2 =	vsel vm1, s8, v2;
	s28 =	sshra.s32 s31, $0x1F;
	s21 =	sld [smem:$0x774]  }
0x2fe: {  	v59 =	vsel vm2, s4, v2;
	s4 =	smul.u32 $0x1DF5959F, s28;
	s28 =	sld [smem:$0x777]  }
0x2ff: {  	s23 =	ssub.s32 s10, s23;
	[smem:$0x7D6] =	sst s2  }
0x300: {  	s2 =	sadd.s32 s14, s23;
	s23 =	sld [smem:$0x76E]  }
0x301: {  	s6 =	smulhi.u32 $0x8BCECC31, s9;
	s14 =	sld [smem:$0x772]  }
0x302: {  	[smem:$0x7D4] =	sst s2  }
0x303: {  	s6 =	ssub.s32 s6, s9;
	s9 =	smulhi.u32 $0x1DF5959F, s31;
	s31 =	sld [smem:$0x770]  }
0x304: {  	v24 =	vmov s19;
	s19 =	sld [smem:$0x77E]  }
0x305: {  	s2 =	sadd.s32 s23, s6;
	s23 =	sld [smem:$0x775]  }
0x306: {  	s11 =	smulhi.u32 $0x8BCECC31, s7;
	s4 =	sadd.s32 s4, s9;
	s9 =	sld [smem:$0x79A]  }
0x307: {  	s10 =	smulhi.u32 $0x8BCECC31, s5;
	[smem:$0x7D9] =	sst s2  }
0x308: {  	s30 =	smulhi.u32 $0x8BCECC31, s29;
	s26 =	ssub.s32 s11, s7;
	s11 =	sld [smem:$0x771]  }
0x309: {  	v3 =	vsel vm1, s16, v3;
	s16 =	smulhi.u32 $0x8BCECC31, s14;
	[smem:$0x7EB] =	sst s4  }
0x30a: {  	v0 =	vsel vm6, s17, v0;
	s17 =	spop (v2sf);
	s2 =	sadd.s32 s31, s26;
	s26 =	sld [smem:$0x776]  }
0x30b: {  	v61 =	vsel vm2, s13, v3;
	s13 =	ssub.s32 s30, s29;
	s29 =	ssub.s32 s16, s14;
	s14 =	sld [smem:$0x77B]  }
0x30c: {  	s10 =	ssub.s32 s10, s5;
	v60 =	vsel vm7, s15, v0;
	s15 =	spop (v2sf);
	s16 =	sld [smem:$0x77C]  }
0x30d: {  	s8 =	smulhi.u32 $0x1DF5959F, s15;
	s6 =	sshra.s32 s15, $0x1F;
	[smem:$0x7DC] =	sst s2  }
0x30e: {  	s0 =	smul.u32 $0x1DF5959F, s6;
	s2 =	sadd.s32 s21, s10;
	s10 =	sld [smem:$0x778]  }
0x30f: {  	(v2sf) =	vpush v28, $0xA;
	s21 =	sld [smem:$0x77F]  }
0x310: {  	s0 =	sadd.s32 s0, s8;
	s8 =	sld [smem:$0x799]  }
0x311: {  	v6 =	vmov s9;
	s9 =	sld [smem:$0x7A5]  }
0x312: {  	[smem:$0x7DE] =	sst s2  }
0x313: {  	s31 =	smulhi.u32 $0x8BCECC31, s22;
	v21 =	vmov s11;
	s11 =	sld [smem:$0x779]  }
0x314: {  	s2 =	sadd.s32 s23, s13;
	s13 =	sld [smem:$0x77A]  }
0x315: {  	s3 =	sshra.s32 s22, $0x1F;
	s7 =	ssub.s32 s31, s22;
	s22 =	sld [smem:$0x780]  }
0x316: {  	s23 =	sld [smem:$0x781]  }
0x317: {  	s31 =	sld [smem:$0x785]  }
0x318: {  	[smem:$0x7E8] =	sst s0  }
0x319: {  	[smem:$0x7E1] =	sst s2  }
0x31a: {  	s30 =	sshra.s32 s17, $0x1F;
	s2 =	smulhi.u32 $0x1DF5959F, s17;
	s17 =	sld [smem:$0x77D]  }
0x31b: {  	s3 =	smul.u32 $0x8BCECC31, s3;
	v0 =	vsel vm0, s26, v24;
	s26 =	sld [smem:$0x782]  }
0x31c: {  	s5 =	sadd.s32 s14, s29;
	s14 =	sld [smem:$0x786]  }
0x31d: {  	s3 =	sadd.s32 s3, s7;
	[smem:$0x7E3] =	sst s5;
	s5 =	smul.u32 $0x1DF5959F, s30  }
0x31e: {  	v2 =	vnsel vm3, $0x0, v21;
	[smem:$0x7E6] =	sst s3;
	s30 =	spop (v2sf)  }
0x31f: {  	v2 =	vsel vm0, s28, v2;
	v0 =	vsel vm1, s10, v0;
	v29 =	vmov s11;
	s6 =	smulhi.u32 $0x1DF5959F, s30;
	s10 =	sshra.s32 s30, $0x1F;
	s30 =	sld [smem:$0x78E]  }
0x320: {  	v2 =	vsel vm1, s13, v2;
	v3 =	vsel vm0, s16, v29;
	s16 =	sld [smem:$0x784]  }
0x321: {  	(v2sf) =	vpush v28, $0xB;
	v2 =	vsel vm2, s17, v2;
	s17 =	sld [smem:$0x789]  }
0x322: {  	v30 =	vsel vm1, s21, v3;
	s21 =	sld [smem:$0x787]  }
0x323: {  	s2 =	sadd.s32 s5, s2;
	v2 =	vsel vm4, s22, v2;
	s22 =	sld [smem:$0x78B]  }
0x324: {  	(v2sf) =	vpush v28, $0x0;
	[smem:$0x7EA] =	sst s2  }
0x325: {  	s7 =	smul.u32 $0x1DF5959F, s10;
	v39 =	vsel vm2, s23, v30;
	s23 =	sld [smem:$0x783]  }
0x326: {  	v31 =	vsel vm5, s26, v2;
	s26 =	sld [smem:$0x78C]  }
0x327: {  	s6 =	sadd.s32 s7, s6;
	s7 =	sld [smem:$0x7B0]  }
0x328: {  	v36 =	vsel vm2, s19, v0;
	v0 =	vsel vm6, s31, v31;
	s31 =	sld [smem:$0x788]  }
0x329: {  	(v2sf) =	vpush v28, $0x1;
	s29 =	sshrl.u32 s16, $0x1F;
	v49 =	vmov s16;
	s16 =	sld [smem:$0x791]  }
0x32a: {  	[smem:$0x7EC] =	sst s6  }
0x32b: {  	(v2sf) =	vpush v28, $0x2;
	s11 =	sshrl.u32 s14, $0x1F;
	v33 =	vmov s29;
	v40 =	vsel vm7, s17, v0;
	s17 =	sld [smem:$0x78D];
	s28 =	sshrl.u32 s23, $0x1F  }
0x32c: {  	s18 =	sshrl.u32 s22, $0x1F;
	v58 =	vmov s22;
	s22 =	sld [smem:$0x795];
	v3 =	vnsel vm3, $0x0, v33;
	v32 =	vmov s28;
	s15 =	sshrl.u32 s31, $0x1F  }
0x32d: {  	s13 =	sshrl.u32 s21, $0x1F;
	s19 =	sshrl.u32 s26, $0x1F;
	v2 =	vsel vm0, s11, v32;
	v37 =	vsel vm0, s15, v3;
	s15 =	sld [smem:$0x78A]  }
0x32e: {  	(v2sf) =	vpush v28, $0x3;
	s29 =	sshrl.u32 s30, $0x1F;
	v34 =	vsel vm1, s13, v2;
	v2 =	vsel vm1, s19, v37;
	s19 =	sld [smem:$0x78F]  }
0x32f: {  	(v2sf) =	vpush v28, $0x4;
	s28 =	sshrl.u32 s17, $0x1F;
	v2 =	vsel vm2, s29, v2;
	s29 =	sld [smem:$0x790]  }
0x330: {  	v38 =	vmov s18;
	v56 =	vmov s23;
	v4 =	vmov s22;
	s22 =	sld [smem:$0x7A1];
	s13 =	spop (v2sf);
	s3 =	sshrl.u32 s15, $0x1F  }
0x331: {  	v3 =	vsel vm0, s14, v56;
	v48 =	vsel vm0, s28, v38;
	s11 =	smulhi.u32 $0x1DF5959F, s13;
	v0 =	vsel vm2, s3, v34;
	s18 =	sshrl.u32 s19, $0x1F;
	s3 =	sshra.s32 s13, $0x1F  }
0x332: {  	(v2sf) =	vpush v28, $0x5;
	v57 =	vsel vm1, s21, v3;
	s13 =	sshrl.u32 s16, $0x1F;
	[tilespmem:$0x1FEE0] =	vst v0;
	s28 =	sshrl.u32 s29, $0x1F;
	v0 =	vsel vm1, s18, v48;
	s1 =	smul.u32 $0x1DF5959F, s3  }
0x333: {  	s21 =	sadd.s32 s24, s20;
	v3 =	vsel vm0, s17, v58;
	v2 =	vsel vm4, s28, v2;
	s28 =	sld [smem:$0x792];
	v0 =	vsel vm2, s13, v0;
	s13 =	spop (v2sf)  }
0x334: {  	s24 =	sld [smem:$0x796];
	v62 =	vsel vm1, s19, v3;
	s10 =	smulhi.u32 $0x1DF5959F, s13;
	s3 =	sshra.s32 s13, $0x1F  }
0x335: {  	v54 =	vnsel vm3, $0x0, v49;
	v49 =	vsel vm2, s16, v62;
	s16 =	sld [smem:$0x79E];
	s1 =	sadd.s32 s1, s11;
	s3 =	smul.u32 $0x1DF5959F, s3  }
0x336: {  	[smem:$0x7EE] =	sst s1;
	s18 =	sshrl.u32 s28, $0x1F  }
0x337: {  	v50 =	vsel vm5, s18, v2;
	v2 =	vsel vm0, s31, v54;
	s3 =	sadd.s32 s3, s10;
	s10 =	sld [smem:$0x79B]  }
0x338: {  	s31 =	spop (v2sf);
	v2 =	vsel vm1, s26, v2;
	s26 =	sld [smem:$0x794]  }
0x339: {  	(v2sf) =	vpush v28, $0x6;
	s13 =	smulhi.u32 $0x1DF5959F, s31;
	s14 =	sshra.s32 s31, $0x1F;
	[smem:$0x7E2] =	sst s3  }
0x33a: {  	v2 =	vsel vm2, s30, v2;
	s4 =	smul.u32 $0x1DF5959F, s14;
	s30 =	sld [smem:$0x798]  }
0x33b: {  	s18 =	sshrl.u32 s12, $0x1F;
	s14 =	spop (v2sf);
	v2 =	vsel vm4, s29, v2;
	s29 =	sld [smem:$0x797]  }
0x33c: {  	[tilespmem:$0x1FEF0] =	vst v0;
	v0 =	vsel vm6, s18, v50;
	s17 =	smulhi.u32 $0x1DF5959F, s14;
	s18 =	sshra.s32 s14, $0x1F;
	s14 =	sld [smem:$0x79D]  }
0x33d: {  	s20 =	spop (v2sf);
	s4 =	sadd.s32 s4, s13;
	s13 =	sld [smem:$0x79C]  }
0x33e: {  	s23 =	sshrl.u32 s26, $0x1F;
	s19 =	smul.u32 $0x1DF5959F, s18;
	[smem:$0x7E7] =	sst s4  }
0x33f: {  	s5 =	sshra.s32 s20, $0x1F;
	v0 =	vsel vm7, s23, v0;
	s23 =	smulhi.u32 $0x1DF5959F, s20;
	s20 =	sld [smem:$0x7A0]  }
0x340: {  	s0 =	sadd.s32 s19, s17;
	s17 =	sld [smem:$0x79F]  }
0x341: {  	v2 =	vsel vm5, s28, v2;
	s28 =	spop (v2sf);
	s19 =	rddreg [dreg:$0x1d]  }
0x342: {  	v2 =	vsel vm6, s12, v2;
	s12 =	spop (v2sf);
	[smem:$0x7E9] =	sst s0  }
0x343: {  	v5 =	vmov s24;
	v63 =	vsel vm7, s26, v2;
	s26 =	smul.u32 $0x1DF5959F, s5;
	v3 =	vsel vm0, s13, v6;
	s13 =	sld [smem:$0x7A2]  }
0x344: {  	(v2sf) =	vpush v28, $0x7;
	v37 =	vsel vm2, s15, v57;
	v2 =	vsel vm0, s29, v5;
	s15 =	sshra.s32 s12, $0x1F;
	s0 =	smulhi.u32 $0x1DF5959F, s12;
	s12 =	sld [smem:$0x7A7]  }
0x345: {  	s31 =	smulhi.u32 $0x1DF5959F, s28;
	[tilespmem:$0x1FF00] =	vst v0;
	v0 =	vnsel vm3, $0x0, v4;
	v2 =	vsel vm1, s8, v2;
	s8 =	sld [smem:$0x7A8]  }
0x346: {  	s5 =	sshra.s32 s28, $0x1F;
	v0 =	vsel vm0, s30, v0;
	s23 =	sadd.s32 s26, s23;
	s26 =	sld [smem:$0x7A3]  }
0x347: {  	s11 =	smul.u32 $0x1DF5959F, s5;
	v0 =	vsel vm1, s10, v0;
	s10 =	sld [smem:$0x7A6]  }
0x348: {  	v30 =	vadd.s32 $0x3, v28;
	s18 =	spop (v2sf);
	v48 =	vsel vm2, s19, v2;
	s19 =	sld [smem:$0x7A9]  }
0x349: {  	(v2sf) =	vpush v30, $0xD;
	s1 =	smul.u32 $0x1DF5959F, s15;
	s3 =	sadd.s32 s11, s31;
	s11 =	sld [smem:$0x7A4]  }
0x34a: {  	s5 =	smulhi.u32 $0x1DF5959F, s18;
	s2 =	sshra.s32 s18, $0x1F;
	v0 =	vsel vm2, s14, v0;
	[smem:$0x7ED] =	sst s3  }
0x34b: {  	s2 =	smul.u32 $0x1DF5959F, s2;
	s0 =	sadd.s32 s1, s0;
	v0 =	vsel vm4, s17, v0;
	s17 =	sld [smem:$0x7AB]  }
0x34c: {  	(v2sf) =	vpush v30, $0xC;
	[smem:$0x7EF] =	sst s0  }
0x34d: {  	s24 =	sshrl.u32 s13, $0x1F;
	v24 =	vmov s13;
	s2 =	sadd.s32 s2, s5;
	s13 =	sld [smem:$0x7B4]  }
0x34e: {  	s14 =	sshrl.u32 s19, $0x1F;
	[smem:$0x7F0] =	sst s2  }
0x34f: {  	(v2sf) =	vpush v30, $0xE;
	v0 =	vsel vm5, s22, v0;
	s28 =	sshrl.u32 s11, $0x1F;
	v14 =	vmov s14;
	s14 =	sld [smem:$0x7AC]  }
0x350: {  	(v2sf) =	vpush v30, $0xF;
	s29 =	sshrl.u32 s9, $0x1F;
	v0 =	vsel vm6, s26, v0;
	s26 =	sld [smem:$0x7AF];
	v12 =	vmov s28  }
0x351: {  	v13 =	vsel vm0, s29, v12;
	s29 =	sld [smem:$0x7AA]  }
0x352: {  	v7 =	vmov s24;
	v29 =	vmov s11;
	s11 =	sld [smem:$0x7B3]  }
0x353: {  	v3 =	vsel vm1, s16, v3;
	s16 =	spop (v2sf);
	s31 =	sshrl.u32 s12, $0x1F;
	v2 =	vnsel vm3, $0x0, v7;
	s28 =	sld [smem:$0x7AD]  }
0x354: {  	v54 =	vsel vm7, s8, v0;
	v2 =	vsel vm0, s31, v2;
	s8 =	smulhi.u32 $0x1DF5959F, s16;
	s31 =	sshra.s32 s16, $0x1F;
	s15 =	sshrl.u32 s29, $0x1F  }
0x355: {  	s3 =	smul.u32 $0x1DF5959F, s31;
	v2 =	vsel vm1, s15, v2;
	s15 =	sld [smem:$0x7AE]  }
0x356: {  	s30 =	sshrl.u32 s10, $0x1F;
	s18 =	sshrl.u32 s17, $0x1F;
	v33 =	vmov s13;
	s13 =	sld [smem:$0x7BD]  }
0x357: {  	v50 =	vsel vm2, s20, v3;
	s20 =	sshrl.u32 s14, $0x1F;
	s22 =	sshrl.u32 s28, $0x1F;
	s4 =	sadd.s32 s3, s8  }
0x358: {  	v3 =	vsel vm0, s20, v14;
	s20 =	spop (v2sf);
	[smem:$0x7F1] =	sst s4;
	s24 =	sshrl.u32 s15, $0x1F  }
0x359: {  	s31 =	smulhi.u32 $0x8BCECC31, s20;
	s5 =	sshra.s32 s20, $0x1F;
	v15 =	vsel vm1, s24, v3;
	s24 =	sld [smem:$0x7B1]  }
0x35a: {  	v0 =	vsel vm1, s30, v13;
	s30 =	sshrl.u32 s26, $0x1F;
	s0 =	smul.u32 $0x8BCECC31, s5;
	v2 =	vsel vm2, s22, v2;
	s22 =	sld [smem:$0x7B2]  }
0x35b: {  	s8 =	spop (v2sf);
	s5 =	sld [smem:$0x7BC];
	s1 =	ssub.s32 s31, s20  }
0x35c: {  	(v2sf) =	vpush v30, $0x9;
	v31 =	vsel vm0, s9, v29;
	s31 =	sld [smem:$0x7BB];
	v2 =	vsel vm4, s30, v2;
	s0 =	sadd.s32 s0, s1;
	s16 =	sshrl.u32 s24, $0x1F  }
0x35d: {  	v57 =	vsel vm2, s18, v0;
	s9 =	smulhi.u32 $0x8BCECC31, s8;
	[smem:$0x7F5] =	sst s0;
	s18 =	sshrl.u32 s22, $0x1F;
	v21 =	vsel vm5, s16, v2;
	v2 =	vnsel vm3, $0x0, v24  }
0x35e: {  	s6 =	sshrl.u32 s7, $0x1F;
	(v2sf) =	vpush v30, $0x8;
	v0 =	vsel vm6, s18, v21;
	v2 =	vsel vm0, s12, v2;
	s12 =	spop (v2sf);
	s18 =	sld [smem:$0x7B5]  }
0x35f: {  	s30 =	sshrl.u32 s11, $0x1F;
	v2 =	vsel vm1, s29, v2;
	s4 =	spop (v2sf);
	s29 =	sld [smem:$0x7B9]  }
0x360: {  	v32 =	vmov s19;
	v56 =	vsel vm7, s30, v0;
	v0 =	vsel vm1, s10, v31;
	s10 =	sshra.s32 s8, $0x1F;
	s19 =	smulhi.u32 $0x8BCECC31, s12;
	s30 =	sld [smem:$0x7BA]  }
0x361: {  	[tilespmem:$0x1FF10] =	vst v63;
	s2 =	ssub.s32 s9, s8;
	v63 =	vsel vm2, s17, v0;
	v2 =	vsel vm2, s28, v2;
	v0 =	vsel vm0, s14, v32;
	s14 =	smul.u32 $0x8BCECC31, s10;
	s28 =	sld [smem:$0x7B8]  }
0x362: {  	v58 =	vsel vm2, s6, v15;
	s20 =	sshra.s32 s4, $0x1F;
	s6 =	ssub.s32 s19, s12;
	s19 =	sld [smem:$0x7C0]  }
0x363: {  	s16 =	sshra.s32 s12, $0x1F;
	v2 =	vsel vm4, s26, v2;
	s9 =	smul.u32 $0x8BCECC31, s20;
	s20 =	sld [smem:$0x7C1]  }
0x364: {  	(v2sf) =	vpush v30, $0xA;
	s17 =	smul.u32 $0x8BCECC31, s16;
	v2 =	vsel vm5, s24, v2;
	s24 =	sld [smem:$0x7B7]  }
0x365: {  	(v2sf) =	vpush v30, $0xB;
	s0 =	sadd.s32 s14, s2;
	s14 =	sld [smem:$0x7BE]  }
0x366: {  	v0 =	vsel vm1, s15, v0;
	s15 =	sadd.s32 s17, s6;
	s17 =	sld [smem:$0x7BF]  }
0x367: {  	s6 =	sld [smem:$0x7C4]  }
0x368: {  	v34 =	vsel vm6, s22, v2;
	s22 =	sld [smem:$0x7B6]  }
0x369: {  	s1 =	smulhi.u32 $0x8BCECC31, s4;
	[smem:$0x7F4] =	sst s0  }
0x36a: {  	[smem:$0x7F6] =	sst s15  }
0x36b: {  	s8 =	ssub.s32 s1, s4;
	s15 =	sld [smem:$0x7C5]  }
0x36c: {  	s10 =	spop (v2sf);
	v7 =	vmov s30;
	s30 =	sadd.s32 s9, s8;
	s9 =	sld [smem:$0x7C8]  }
0x36d: {  	v21 =	vsel vm2, s7, v0;
	s7 =	spop (v2sf);
	[smem:$0x7F8] =	sst s30  }
0x36e: {  	v3 =	vnsel vm3, $0x0, v33;
	s2 =	sshra.s32 s7, $0x1F;
	s30 =	sld [smem:$0x7C7]  }
0x36f: {  	v38 =	vsel vm0, s18, v3;
	v3 =	vsel vm0, s13, v7;
	s13 =	smul.u32 $0x8BCECC31, s2;
	s2 =	sld [smem:$0x7C9]  }
0x370: {  	(v2sf) =	vpush v30, $0x1;
	s26 =	sshra.s32 s10, $0x1F;
	s8 =	smulhi.u32 $0x8BCECC31, s10;
	v2 =	vsel vm1, s24, v38;
	s24 =	sld [smem:$0x7C3]  }
0x371: {  	(v2sf) =	vpush v30, $0x0;
	s18 =	smul.u32 $0x8BCECC31, s26;
	s26 =	sshrl.u32 s6, $0x1F;
	v62 =	vmov s22;
	v2 =	vsel vm2, s29, v2;
	s22 =	sld [smem:$0x7C2]  }
0x372: {  	s3 =	ssub.s32 s8, s10;
	v14 =	vmov s26;
	s26 =	sld [smem:$0x7C6];
	s1 =	sshrl.u32 s9, $0x1F;
	v6 =	vsel vm0, s28, v62;
	v2 =	vsel vm4, s31, v2  }
0x373: {  	s12 =	spop (v2sf);
	s8 =	sadd.s32 s18, s3;
	v5 =	vmov s1;
	s1 =	sld [smem:$0x7CC];
	v0 =	vsel vm1, s5, v6;
	v4 =	vsel vm5, s14, v2  }
0x374: {  	v12 =	vsel vm1, s19, v3;
	s28 =	sshrl.u32 s15, $0x1F;
	[smem:$0x7FB] =	sst s8;
	v6 =	vsel vm2, s17, v0;
	v13 =	vsel vm6, s20, v4;
	s17 =	spop (v2sf)  }
0x375: {  	v2 =	vsel vm2, s22, v12;
	s31 =	sshrl.u32 s26, $0x1F;
	v12 =	vsel vm7, s24, v13;
	s29 =	sshra.s32 s17, $0x1F;
	s24 =	sld [smem:$0x7CB]  }
0x376: {  	s0 =	sshrl.u32 s30, $0x1F;
	v3 =	vsel vm0, s31, v14;
	s20 =	smul.u32 $0x8BCECC31, s29;
	s29 =	rddreg [dreg:$0xe]  }
0x377: {  	v15 =	vmov s28;
	v3 =	vsel vm1, s0, v3;
	s0 =	sld [smem:$0x7CF]  }
0x378: {  	s4 =	sshrl.u32 s2, $0x1F;
	v4 =	vnsel vm3, $0x0, v15;
	v29 =	vld [tilespmem:s29+$0x60];
	s29 =	sld [smem:$0x7CD]  }
0x379: {  	v31 =	vmov s15;
	s15 =	smulhi.u32 $0x8BCECC31, s7;
	s8 =	sld [smem:$0x7D8];
	v4 =	vsel vm0, s4, v4;
	s28 =	sshrl.u32 s1, $0x1F  }
0x37a: {  	s22 =	sld [smem:$0x7CA];
	v4 =	vsel vm1, s28, v4;
	s19 =	sshrl.u32 s24, $0x1F;
	s4 =	sshrl.u32 s0, $0x1F  }
0x37b: {  	s18 =	ssub.s32 s15, s7;
	v13 =	vmov s6;
	v5 =	vsel vm0, s19, v5;
	s31 =	sshrl.u32 s29, $0x1F;
	v4 =	vsel vm2, s4, v4;
	s4 =	sld [smem:$0x7D0]  }
0x37c: {  	s28 =	sld [smem:$0x7CE];
	v24 =	vsel vm1, s31, v5;
	v5 =	vsel vm0, s26, v13;
	s26 =	sadd.s32 s13, s18  }
0x37d: {  	s5 =	sshrl.u32 s22, $0x1F;
	[smem:$0x7FA] =	sst s26  }
0x37e: {  	v62 =	vsel vm2, s5, v3;
	s26 =	sld [smem:$0x7D4];
	s5 =	sshrl.u32 s4, $0x1F  }
0x37f: {  	(v2sf) =	vpush v30, $0x2;
	s14 =	spop (v2sf);
	v4 =	vsel vm4, s5, v4;
	s5 =	sld [smem:$0x7D1]  }
0x380: {  	v32 =	vsel vm7, s11, v34;
	v15 =	vmov s9;
	s9 =	sld [smem:$0x7D9];
	s11 =	sshrl.u32 s28, $0x1F;
	s15 =	spop (v2sf)  }
0x381: {  	s13 =	smulhi.u32 $0x8BCECC31, s14;
	v34 =	vsel vm2, s11, v24;
	s11 =	sld [smem:$0x7D2]  }
0x382: {  	(v2sf) =	vpush v30, $0x3;
	v38 =	vnsel vm3, $0x0, v31;
	s31 =	sshra.s32 s14, $0x1F;
	v1 =	vmov s26;
	s26 =	sld [smem:$0x7E1];
	s19 =	sshrl.u32 s5, $0x1F  }
0x383: {  	(v2sf) =	vpush v30, $0x4;
	s18 =	smulhi.u32 $0x8BCECC31, s15;
	v33 =	vsel vm5, s19, v4;
	v4 =	vsel vm0, s2, v38;
	s2 =	ssub.s32 s13, s14;
	s13 =	sld [smem:$0x7DB]  }
0x384: {  	s10 =	smul.u32 $0x8BCECC31, s31;
	s31 =	sshrl.u32 s11, $0x1F;
	s14 =	sld [smem:$0x7DC]  }
0x385: {  	s16 =	sshra.s32 s12, $0x1F;
	v3 =	vsel vm6, s31, v33;
	s31 =	sld [smem:$0x7D3]  }
0x386: {  	v14 =	vsel vm1, s30, v5;
	s19 =	smulhi.u32 $0x8BCECC31, s12;
	v4 =	vsel vm1, s1, v4;
	s1 =	ssub.s32 s18, s15;
	s18 =	sld [smem:$0x7DE]  }
0x387: {  	s16 =	smul.u32 $0x8BCECC31, s16;
	(v2sf) =	vpush v30, $0x5;
	v33 =	vsel vm2, s22, v14;
	s22 =	sld [smem:$0x7DF]  }
0x388: {  	(v2sf) =	vpush v30, $0x6;
	v4 =	vsel vm2, s0, v4;
	s12 =	ssub.s32 s19, s12;
	s0 =	sld [smem:$0x7E3]  }
0x389: {  	s19 =	sshra.s32 s15, $0x1F;
	s16 =	sadd.s32 s16, s12;
	s12 =	sld [smem:$0x7DA]  }
0x38a: {  	v4 =	vsel vm4, s4, v4;
	s4 =	smul.u32 $0x8BCECC31, s19;
	[smem:$0x7FC] =	sst s16  }
0x38b: {  	s7 =	smulhi.u32 $0x8BCECC31, s17;
	s16 =	sld [smem:$0x7DD]  }
0x38c: {  	s6 =	sshrl.u32 s31, $0x1F;
	s1 =	sadd.s32 s4, s1;
	s4 =	sld [smem:$0x7D6]  }
0x38d: {  	v4 =	vsel vm5, s5, v4;
	v38 =	vsel vm7, s6, v3;
	s6 =	ssub.s32 s7, s17;
	s7 =	sld [smem:$0x7D7]  }
0x38e: {  	(v2sf) =	vpush v30, $0x7;
	v24 =	vsel vm0, s24, v15;
	s24 =	spop (v2sf);
	v4 =	vsel vm6, s11, v4;
	[smem:$0x7F7] =	sst s1  }
0x38f: {  	v3 =	vsel vm1, s29, v24;
	v24 =	vsel vm7, s31, v4;
	s30 =	sadd.s32 s20, s6;
	s31 =	sadd.s32 s10, s2;
	s2 =	sld [smem:$0x7D5]  }
0x390: {  	s29 =	smulhi.u32 $0x8BCECC31, s24;
	[smem:$0x7FD] =	sst s30  }
0x391: {  	s5 =	sshra.s32 s24, $0x1F;
	s17 =	spop (v2sf);
	[smem:$0x7F9] =	sst s31  }
0x392: {  	v31 =	vmul.u32 $0x7, v29;
	v15 =	vnsel vm3, $0x0, v1;
	s11 =	spop (v2sf);
	s6 =	ssub.s32 s29, s24;
	s24 =	sld [smem:$0x7E0]  }
0x393: {  	v14 =	vsel vm2, s28, v3;
	s1 =	smul.u32 $0x8BCECC31, s5;
	s15 =	sshra.s32 s11, $0x1F;
	v3 =	vsel vm0, s4, v15;
	v15 =	vmov s8;
	s8 =	sld [smem:$0x7E2]  }
0x394: {  	s10 =	sshra.s32 s17, $0x1F;
	s19 =	smul.u32 $0x8BCECC31, s15;
	v3 =	vsel vm1, s9, v3;
	s9 =	sld [smem:$0x7E4]  }
0x395: {  	(v2sf) =	vpush v31, $0xD;
	s29 =	smul.u32 $0x8BCECC31, s10;
	v5 =	vsel vm0, s13, v15;
	s13 =	sld [smem:$0x7E5]  }
0x396: {  	s4 =	spop (v2sf);
	v13 =	vmov s2;
	v3 =	vsel vm2, s14, v3;
	[smem:$0x7F2] =	sst s19  }
0x397: {  	s10 =	smov.u32 s21;
	v4 =	vsel vm0, s7, v13;
	s19 =	spop (v2sf);
	s14 =	sld [smem:$0x7E6];
	v3 =	vsel vm4, s18, v3  }
0x398: {  	(v2sf) =	vpush v31, $0xC;
	s7 =	sld [smem:$0x7E7];
	v4 =	vsel vm1, s12, v4;
	s30 =	sshra.s32 s19, $0x1F;
	v3 =	vsel vm5, s26, v3;
	s12 =	sshrl.u32 s13, $0x1F  }
0x399: {  	s3 =	smul.u32 $0x8BCECC31, s30;
	s5 =	sshrl.u32 s9, $0x1F;
	s30 =	sld [smem:$0x7EC];
	v3 =	vsel vm6, s0, v3;
	v15 =	vmov s12  }
0x39a: {  	(v2sf) =	vpush v31, $0xE;
	s15 =	sshrl.u32 s21, $0x1F;
	s28 =	sshrl.u32 s8, $0x1F;
	v8 =	vsel vm7, s14, v3;
	v3 =	vsel vm0, s5, v15;
	s5 =	sld [smem:$0x7E9]  }
0x39b: {  	s20 =	sshra.s32 s4, $0x1F;
	s2 =	smov.u32 s23;
	v5 =	vsel vm1, s16, v5;
	v13 =	vmov s28;
	s0 =	sld [smem:$0x7E8]  }
0x39c: {  	s31 =	smul.u32 $0x8BCECC31, s20;
	v7 =	vsel vm2, s22, v4;
	v4 =	vnsel vm3, $0x0, v13;
	s16 =	sshrl.u32 s7, $0x1F;
	v3 =	vsel vm1, s15, v3;
	s15 =	sld [smem:$0x7ED]  }
0x39d: {  	s14 =	spop (v2sf);
	v4 =	vsel vm0, s16, v4;
	s16 =	sld [smem:$0x7EB];
	s20 =	sshrl.u32 s5, $0x1F  }
0x39e: {  	(v2sf) =	vpush v31, $0xF;
	s23 =	sshrl.u32 s23, $0x1F;
	v0 =	vmov s13;
	s21 =	sshra.s32 s14, $0x1F;
	v4 =	vsel vm1, s20, v4;
	s20 =	sld [smem:$0x7EA]  }
0x39f: {  	v0 =	vsel vm0, s9, v0;
	s26 =	smul.u32 $0x8BCECC31, s21;
	s21 =	sld [smem:$0x7EF];
	s12 =	sshrl.u32 s15, $0x1F;
	v4 =	vsel vm2, s23, v4  }
0x3a0: {  	(v2sf) =	vpush v31, $0x9;
	v0 =	vsel vm1, s10, v0;
	s10 =	smulhi.u32 $0x8BCECC31, s4;
	s18 =	sshrl.u32 s0, $0x1F;
	v4 =	vsel vm4, s12, v4;
	s12 =	sld [smem:$0x7EE]  }
0x3a1: {  	v5 =	vsel vm2, s24, v5;
	v13 =	vmov s18;
	s24 =	sshrl.u32 s16, $0x1F;
	s23 =	sld [smem:$0x7F0];
	s22 =	sshrl.u32 s20, $0x1F  }
0x3a2: {  	[smem:$0x7F3] =	sst s3;
	s28 =	sshrl.u32 s30, $0x1F;
	v15 =	vsel vm2, s24, v3;
	s24 =	smulhi.u32 $0x8BCECC31, s17;
	v13 =	vsel vm0, s22, v13  }
0x3a3: {  	v46 =	vcombine.low v47, v46;
	(v2sf) =	vpush v31, $0x8;
	s22 =	smulhi.u32 $0x8BCECC31, s11;
	v3 =	vsel vm1, s28, v13;
	s18 =	sshrl.u32 s12, $0x1F;
	s28 =	sshrl.u32 s21, $0x1F  }
0x3a4: {  	v35 =	vcombine.low v35, v43;
	s13 =	sshrl.u32 s23, $0x1F;
	v13 =	vsel vm5, s28, v4;
	s28 =	spop (v2sf);
	v4 =	vsel vm2, s18, v3;
	s18 =	sadd.s32 s1, s6  }
0x3a5: {  	v47 =	vperm.xlane v46, v9;
	(v2sf) =	vpush v31, $0xA;
	s6 =	ssub.s32 s24, s17;
	v3 =	vsel vm2, s16, v0;
	s16 =	ssub.s32 s22, s11;
	s24 =	smulhi.u32 $0x8BCECC31, s19  }
0x3a6: {  	v46 =	vld [tilespmem:$0x1FED0];
	v1 =	vmov s8;
	v0 =	vmov s0;
	s22 =	ssub.s32 s10, s4;
	v13 =	vsel vm6, s13, v13;
	s13 =	sld [smem:$0x7F1];
	s3 =	smulhi.u32 $0x1DF5959F, s28  }
0x3a7: {  	v1 =	vnsel vm3, $0x0, v1;
	(v2sf) =	vpush v31, $0xB;
	s17 =	sadd.s32 s29, s6;
	v0 =	vsel vm0, s20, v0;
	s29 =	spop (v2sf);
	s11 =	sadd.s32 s31, s22  }
0x3a8: {  	v1 =	vsel vm0, s7, v1;
	v0 =	vsel vm1, s30, v0;
	s30 =	sld [smem:$0x7F2];
	s4 =	smulhi.u32 $0x1DF5959F, s29;
	s10 =	sshra.s32 s29, $0x1F  }
0x3a9: {  	v35 =	vperm.xlane v35, v9;
	v1 =	vsel vm1, s5, v1;
	s8 =	ssub.s32 s24, s19;
	s29 =	spop (v2sf);
	s20 =	smul.u32 $0x1DF5959F, s10  }
0x3aa: {  	v51 =	vperm.xlane v51, v10;
	(v2sf) =	vpush v31, $0x0;
	v1 =	vsel vm2, s2, v1;
	s19 =	sld [smem:$0x7F3];
	s31 =	smulhi.u32 $0x1DF5959F, s29;
	s5 =	sshra.s32 s29, $0x1F  }
0x3ab: {  	v43 =	vperm.xlane v46, v10;
	v46 =	vsel vm2, s12, v0;
	v0 =	vsel vm4, s15, v1;
	s15 =	sld [smem:$0x7F5];
	s9 =	sshrl.u32 s13, $0x1F;
	s5 =	smul.u32 $0x1DF5959F, s5  }
0x3ac: {  	v53 =	vperm.xlane v53, v10;
	v42 =	vperm.xlane v42, v10;
	v13 =	vsel vm7, s9, v13;
	s9 =	sshra.s32 s28, $0x1F;
	s28 =	sadd.s32 s30, s16;
	s16 =	smulhi.u32 $0x8BCECC31, s14  }
0x3ad: {  	v49 =	vcombine.low v49, v37;
	(v2sf) =	vpush v31, $0x1;
	v0 =	vsel vm5, s21, v0;
	s6 =	sadd.s32 s19, s8;
	s19 =	spop (v2sf);
	s8 =	sld [smem:$0x7F4]  }
0x3ae: {  	v36 =	vcombine.low v39, v36;
	(v2sf) =	vpush v31, $0x2;
	v0 =	vsel vm6, s23, v0;
	s23 =	sld [smem:$0x7F9];
	s9 =	smul.u32 $0x1DF5959F, s9  }
0x3af: {  	v47 =	vsel vm8, v51, v47;
	v49 =	vperm.xlane v49, v9;
	v58 =	vcombine.low v58, v57;
	s22 =	smulhi.u32 $0x1DF5959F, s19;
	s7 =	spop (v2sf)  }
0x3b0: {  	v35 =	vsel vm8, v43, v35;
	v21 =	vcombine.low v21, v63;
	v32 =	vperm.xlane v32, v10;
	s24 =	sshra.s32 s19, $0x1F;
	s30 =	ssub.s32 s16, s14;
	s12 =	smulhi.u32 $0x1DF5959F, s7  }
0x3b1: {  	v2 =	vcombine.low v2, v6;
	v1 =	vshra.s32 v47, $0xE;
	(v2sf) =	vpush v31, $0x3;
	s1 =	sshra.s32 s7, $0x1F;
	s10 =	sadd.s32 s26, s30;
	s26 =	smul.u32 $0x1DF5959F, s24  }
0x3b2: {  	v1 =	vadd.s32 v35, v1;
	v35 =	vcombine.low v52, v41;
	(v2sf) =	vpush v31, $0x4;
	s14 =	sadd.s32 s20, s4;
	s16 =	spop (v2sf);
	s1 =	smul.u32 $0x1DF5959F, s1  }
0x3b3: {  	v2 =	vperm.xlane v2, v9;
	v34 =	vcombine.low v34, v62;
	s4 =	sadd.s32 s5, s31;
	s2 =	sadd.s32 s9, s3;
	s20 =	smulhi.u32 $0x1DF5959F, s16  }
0x3b4: {  	v14 =	vcombine.low v14, v33;
	v35 =	vperm.xlane v35, v9;
	v51 =	vmov s8;
	s29 =	sshra.s32 s16, $0x1F;
	s30 =	sld [smem:$0x7F6];
	s21 =	spop (v2sf)  }
0x3b5: {  	v24 =	vperm.xlane v24, v10;
	v1 =	vmul.u32 $0x222E0, v1;
	s19 =	sshrl.u32 s14, $0x1F;
	v52 =	vsel vm0, s15, v51;
	s31 =	smul.u32 $0x1DF5959F, s29;
	s15 =	sld [smem:$0x7F7]  }
0x3b6: {  	v47 =	vsel vm7, s13, v0;
	(v2sf) =	vpush v31, $0x5;
	v35 =	vsel vm8, v53, v35;
	s3 =	smulhi.u32 $0x1DF5959F, s21;
	s5 =	sshra.s32 s21, $0x1F;
	s24 =	spop (v2sf)  }
0x3b7: {  	v1 =	vsub.s32 v18, v1;
	(v2sf) =	vpush v31, $0x6;
	v35 =	vadd.s32 v16, v35;
	s0 =	sadd.s32 s26, s22;
	s22 =	sld [smem:$0x7F8];
	s8 =	smul.u32 $0x1DF5959F, s5  }
0x3b8: {  	s13 =	sshrl.u32 s4, $0x1F;
	s9 =	sshrl.u32 s2, $0x1F;
	(v2sf) =	vpush v31, $0x7;
	s5 =	smulhi.u32 $0x1DF5959F, s24;
	v53 =	vshrl.u32 v35, $0x1F;
	v43 =	vmov s15  }
0x3b9: {  	s1 =	sadd.s32 s1, s12;
	v35 =	vshra.s32 v35, $0xF;
	s26 =	sld [smem:$0x7FA];
	s29 =	spop (v2sf);
	v0 =	vsel vm1, s30, v52;
	v18 =	vnsel vm3, $0x0, v43  }
0x3ba: {  	s21 =	sshra.s32 s24, $0x1F;
	v52 =	vcombine.low v55, v44;
	s30 =	smulhi.u32 $0x1DF5959F, s29;
	v41 =	vsel vm2, s22, v0;
	s22 =	sld [smem:$0x7FB];
	v51 =	vsel vm0, s23, v18  }
0x3bb: {  	s7 =	sshrl.u32 s1, $0x1F;
	v35 =	vadd.s32 v53, v35;
	v55 =	vcombine.low v61, v59;
	s15 =	sshrl.u32 s0, $0x1F;
	v0 =	vsel vm1, s18, v51;
	s18 =	smul.u32 $0x1DF5959F, s21  }
0x3bc: {  	v44 =	vmov s26;
	v18 =	vadd.s32 $0x3, v31;
	s21 =	sadd.s32 s31, s20;
	s31 =	sshra.s32 s29, $0x1F;
	s23 =	spop (v2sf);
	v0 =	vsel vm2, s17, v0  }
0x3bd: {  	s16 =	sadd.s32 s8, s3;
	v44 =	vsel vm0, s22, v44;
	s22 =	smul.u32 $0x1DF5959F, s31;
	v0 =	vsel vm4, s28, v0;
	s28 =	spop (v2sf);
	(v2sf) =	vpush v18, $0xD  }
0x3be: {  	v5 =	vcombine.low v5, v7;
	v35 =	vmul.u32 $0xEA61, v35;
	v59 =	vperm.xlane v52, v9;
	s26 =	sld [smem:$0x7FC];
	s3 =	smulhi.u32 $0x1DF5959F, s23;
	s24 =	sshra.s32 s23, $0x1F  }
0x3bf: {  	v61 =	vperm.xlane v60, v10;
	v43 =	vperm.xlane v55, v9;
	s17 =	sshrl.u32 s21, $0x1F;
	s23 =	sshrl.u32 s16, $0x1F;
	s8 =	smul.u32 $0x1DF5959F, s24;
	(v2sf) =	vpush v18, $0xC  }
0x3c0: {  	vm9 =	vlt.s32 v1, $0x0;
	v16 =	vsub.s32 v16, v35;
	v51 =	vsel vm8, v42, v59;
	s20 =	smulhi.u32 $0x1DF5959F, s28;
	s29 =	sshra.s32 s28, $0x1F;
	s12 =	spop (v2sf)  }
0x3c1: {  	v55 =	vsel vm8, v61, v43;
	v0 =	vsel vm5, s11, v0;
	s11 =	sadd.s32 s22, s30;
	s22 =	smul.u32 $0x1DF5959F, s29;
	s28 =	spop (v2sf);
	(v2sf) =	vpush v18, $0xE  }
0x3c2: {  	v59 =	vmov s19;
	vm10 =	vlt.s32 v16, $0x0;
	v44 =	vsel vm1, s26, v44;
	s8 =	sadd.s32 s8, s3;
	s3 =	smulhi.u32 $0x1DF5959F, s12;
	s26 =	sshra.s32 s12, $0x1F  }
0x3c3: {  	v52 =	vshra.s32 v55, $0xE;
	s30 =	sld [smem:$0x7FD];
	v0 =	vsel vm6, s6, v0;
	s31 =	sshrl.u32 s11, $0x1F;
	s19 =	smul.u32 $0x1DF5959F, s26;
	(v2sf) =	vpush v18, $0xF  }
0x3c4: {  	v60 =	vsel vm0, s9, v59;
	v61 =	vadd.s32 v51, v52;
	v42 =	vsel vm7, s10, v0;
	s9 =	sadd.s32 s22, s20;
	s20 =	smulhi.u32 $0x1DF5959F, s28;
	s29 =	sshra.s32 s28, $0x1F  }
0x3c5: {  	s5 =	sadd.s32 s18, s5;
	v0 =	vsel vm1, s13, v60;
	v55 =	vmov s31;
	s12 =	spop (v2sf);
	s31 =	smul.u32 $0x1DF5959F, s29;
	(v2sf) =	vpush v18, $0x9  }
0x3c6: {  	v59 =	vmov s17;
	s10 =	sshrl.u32 s8, $0x1F;
	v35 =	vsel vm2, s15, v0;
	v0 =	vnsel vm3, $0x0, v55;
	s24 =	smulhi.u32 $0x1DF5959F, s12;
	s26 =	sshra.s32 s12, $0x1F  }
0x3c7: {  	v44 =	vsel vm2, s30, v44;
	s30 =	sshrl.u32 s9, $0x1F;
	v0 =	vsel vm0, s10, v0;
	s29 =	spop (v2sf);
	s17 =	smul.u32 $0x1DF5959F, s26;
	(v2sf) =	vpush v18, $0x8  }
0x3c8: {  	v53 =	vmov s21;
	v43 =	vmul.u32 $0x222E0, v61;
	v0 =	vsel vm1, s30, v0;
	s30 =	smulhi.u32 $0x1DF5959F, s29;
	s10 =	sadd.s32 s31, s20;
	s31 =	sshra.s32 s29, $0x1F  }
0x3c9: {  	v51 =	vsel vm0, s7, v59;
	v61 =	vadd.s32 $0xEA61, v16;
	s13 =	sadd.s32 s19, s3;
	s20 =	spop (v2sf);
	(v2sf) =	vpush v18, $0xA;
	s19 =	smul.u32 $0x1DF5959F, s31  }
0x3ca: {  	v59 =	vperm.xlane v36, v9;
	v51 =	vsel vm1, s23, v51;
	v43 =	vsub.s32 v20, v43;
	s28 =	sshrl.u32 s13, $0x1F;
	s12 =	sshrl.u32 s10, $0x1F;
	s22 =	smulhi.u32 $0x1DF5959F, s20  }
0x3cb: {  	v60 =	vadd.s32 $0x222E0, v1;
	v0 =	vsel vm2, s28, v0;
	s23 =	sshra.s32 s20, $0x1F;
	s15 =	sadd.s32 s17, s24;
	s28 =	sshrl.u32 s5, $0x1F;
	(v2sf) =	vpush v18, $0xB  }
0x3cc: {  	v20 =	vsel vm10, v61, v16;
	v39 =	vsel vm9, v60, v1;
	v60 =	vperm.xlane v40, v10;
	s24 =	smul.u32 $0x1DF5959F, s23;
	s26 =	sshrl.u32 s15, $0x1F;
	s31 =	spop (v2sf)  }
0x3cd: {  	v61 =	vmov s14;
	v0 =	vsel vm4, s12, v0;
	s7 =	sadd.s32 s19, s30;
	(v2sf) =	vpush v18, $0x1;
	s12 =	smulhi.u32 $0x8BCECC31, s31;
	s18 =	sshra.s32 s31, $0x1F  }
0x3ce: {  	v16 =	vsel vm0, s1, v53;
	vm9 =	vlt.s32 v43, $0x0;
	v1 =	vsel vm8, v60, v59;
	v59 =	vld [tilespmem:$0x1FEE0];
	s6 =	sadd.s32 s24, s22;
	s20 =	spop (v2sf);
	s19 =	smul.u32 $0x8BCECC31, s18  }
0x3cf: {  	v52 =	vadd.s32 $0x222E0, v43;
	v60 =	vld [tilespmem:$0x1FEF0];
	v0 =	vsel vm5, s26, v0;
	s29 =	sshrl.u32 s7, $0x1F;
	(v2sf) =	vpush v18, $0x0;
	s21 =	smulhi.u32 $0x8BCECC31, s20;
	s22 =	sshra.s32 s20, $0x1F  }
0x3d0: {  	v55 =	vsel vm1, s16, v16;
	v51 =	vsel vm2, s28, v51;
	v0 =	vsel vm6, s29, v0;
	s30 =	sshrl.u32 s6, $0x1F;
	s23 =	smul.u32 $0x8BCECC31, s22;
	s24 =	spop (v2sf)  }
0x3d1: {  	v40 =	vsel vm7, s30, v0;
	v0 =	vsel vm0, s2, v61;
	(v2sf) =	vpush v18, $0x2;
	s22 =	rddreg [dreg:$0xe];
	s26 =	smulhi.u32 $0x8BCECC31, s24;
	s28 =	sshra.s32 s24, $0x1F  }
0x3d2: {  	v36 =	vsel vm9, v52, v43;
	v53 =	vsel vm2, s5, v55;
	v0 =	vsel vm1, s4, v0;
	s3 =	ssub.s32 s12, s31;
	s30 =	spop (v2sf);
	s29 =	smul.u32 $0x8BCECC31, s28  }
0x3d3: {  	v55 =	vld [tilespmem:$0x1FF00];
	v1 =	vadd.s32 v17, v1;
	v52 =	vsel vm2, s0, v0;
	s0 =	sadd.s32 s19, s3;
	(v2sf) =	vpush v18, $0x3;
	s31 =	smulhi.u32 $0x8BCECC31, s30;
	s12 =	sshra.s32 s30, $0x1F  }
0x3d4: {  	v16 =	vcombine.low v60, v59;
	v61 =	vshrl.u32 v1, $0x1F;
	v1 =	vshra.s32 v1, $0xF;
	s4 =	ssub.s32 s21, s20;
	s20 =	spop (v2sf);
	s3 =	smul.u32 $0x8BCECC31, s12  }
0x3d5: {  	v59 =	vmov s11;
	v60 =	vld [tilespmem:$0x1FF10];
	v1 =	vadd.s32 v61, v1;
	s11 =	sadd.s32 s23, s4;
	(v2sf) =	vpush v18, $0x4;
	s21 =	smulhi.u32 $0x8BCECC31, s20;
	s23 =	sshra.s32 s20, $0x1F  }
0x3d6: {  	v14 =	vperm.xlane v14, v9;
	v0 =	vmul.u32 $0xEA61, v1;
	v1 =	vperm.xlane v16, v9;
	v16 =	vld [tilespmem:s22+$0x70];
	s24 =	ssub.s32 s26, s24;
	s26 =	spop (v2sf);
	s4 =	smul.u32 $0x8BCECC31, s23  }
0x3d7: {  	v5 =	vperm.xlane v5, v9;
	v43 =	vnsel vm3, $0x0, v59;
	(v2sf) =	vpush v18, $0x5;
	s5 =	sadd.s32 s29, s24;
	s28 =	smulhi.u32 $0x8BCECC31, s26;
	s29 =	sshra.s32 s26, $0x1F  }
0x3d8: {  	v4 =	vcombine.low v4, v15;
	v37 =	vperm.xlane v55, v10;
	v43 =	vsel vm0, s8, v43;
	s2 =	ssub.s32 s31, s30;
	s31 =	spop (v2sf);
	s30 =	smul.u32 $0x8BCECC31, s29  }
0x3d9: {  	v0 =	vsub.s32 v17, v0;
	v17 =	vsel vm1, s9, v43;
	(v2sf) =	vpush v18, $0x6;
	s8 =	sadd.s32 s3, s2;
	s9 =	smulhi.u32 $0x8BCECC31, s31;
	s12 =	sshra.s32 s31, $0x1F  }
0x3da: {  	v59 =	vcombine.low v50, v48;
	v61 =	vperm.xlane v60, v10;
	s1 =	ssub.s32 s21, s20;
	s14 =	spop (v2sf);
	s20 =	smul.u32 $0x8BCECC31, s12  }
0x3db: {  	v60 =	vsel vm2, s13, v17;
	(v2sf) =	vpush v18, $0x7;
	v17 =	vmul.u32 $0x7, v16;
	s2 =	sadd.s32 s4, s1;
	s13 =	smulhi.u32 $0x8BCECC31, s14;
	s21 =	sshra.s32 s14, $0x1F  }
0x3dc: {  	v62 =	vcombine.low v46, v3;
	v13 =	vperm.xlane v13, v10;
	v1 =	vsel vm8, v37, v1;
	s23 =	ssub.s32 s28, s26;
	s24 =	smul.u32 $0x8BCECC31, s21;
	s26 =	spop (v2sf)  }
0x3dd: {  	v49 =	vsel vm8, v61, v49;
	v43 =	vperm.xlane v59, v9;
	s1 =	sadd.s32 s30, s23;
	(v2sf) =	vpush v17, $0xD;
	s28 =	smulhi.u32 $0x8BCECC31, s26;
	s29 =	sshra.s32 s26, $0x1F  }
0x3de: {  	v61 =	vperm.xlane v54, v10;
	vm9 =	vlt.s32 v0, $0x0;
	v37 =	vshra.s32 v49, $0xE;
	s3 =	ssub.s32 s9, s31;
	s31 =	spop (v2sf);
	s30 =	smul.u32 $0x8BCECC31, s29  }
0x3df: {  	v55 =	vadd.s32 $0xEA61, v0;
	v54 =	vsel vm4, s10, v60;
	s4 =	sadd.s32 s20, s3;
	(v2sf) =	vpush v17, $0xC;
	s12 =	smulhi.u32 $0x8BCECC31, s31;
	s20 =	sshra.s32 s31, $0x1F  }
0x3e0: {  	v1 =	vadd.s32 v1, v37;
	v37 =	vsel vm9, v55, v0;
	v0 =	vsel vm5, s15, v54;
	s13 =	ssub.s32 s13, s14;
	s15 =	spop (v2sf);
	s9 =	smul.u32 $0x8BCECC31, s20  }
0x3e1: {  	v44 =	vcombine.low v44, v41;
	v50 =	vperm.xlane v12, v10;
	s14 =	sadd.s32 s24, s13;
	(v2sf) =	vpush v17, $0xE;
	s21 =	smulhi.u32 $0x8BCECC31, s15;
	s23 =	sshra.s32 s15, $0x1F  }
0x3e2: {  	v48 =	vperm.xlane v34, v9;
	v55 =	vsel vm8, v61, v43;
	v0 =	vsel vm6, s7, v0;
	s10 =	ssub.s32 s28, s26;
	s24 =	smul.u32 $0x8BCECC31, s23;
	s26 =	spop (v2sf)  }
0x3e3: {  	v61 =	vperm.xlane v21, v9;
	v21 =	vsel vm7, s6, v0;
	s6 =	sadd.s32 s30, s10;
	(v2sf) =	vpush v17, $0xF;
	s28 =	smulhi.u32 $0x8BCECC31, s26;
	s29 =	sshra.s32 s26, $0x1F  }
0x3e4: {  	v2 =	vsel vm8, v50, v2;
	v43 =	vperm.xlane v58, v9;
	v60 =	vperm.xlane v56, v10;
	s3 =	ssub.s32 s12, s31;
	s31 =	spop (v2sf);
	s30 =	smul.u32 $0x8BCECC31, s29  }
0x3e5: {  	v2 =	vadd.s32 v26, v2;
	v1 =	vmul.u32 $0x222E0, v1;
	s13 =	sadd.s32 s9, s3;
	(v2sf) =	vpush v17, $0x9;
	s12 =	smulhi.u32 $0x8BCECC31, s31;
	s20 =	sshra.s32 s31, $0x1F  }
0x3e6: {  	v49 =	vperm.xlane v38, v10;
	v54 =	vsel vm8, v32, v61;
	v56 =	vsel vm8, v60, v43;
	s7 =	ssub.s32 s21, s15;
	s15 =	spop (v2sf);
	s21 =	smul.u32 $0x8BCECC31, s20  }
0x3e7: {  	v1 =	vsub.s32 v19, v1;
	v19 =	vadd.s32 v22, v55;
	s9 =	sadd.s32 s24, s7;
	(v2sf) =	vpush v17, $0x8;
	s23 =	smulhi.u32 $0x8BCECC31, s15;
	s24 =	sshra.s32 s15, $0x1F  }
0x3e8: {  	v55 =	vmov s11;
	v57 =	vshra.s32 v54, $0xE;
	v59 =	vshrl.u32 v19, $0x1F;
	s10 =	ssub.s32 s28, s26;
	s28 =	spop (v2sf);
	s26 =	smul.u32 $0x8BCECC31, s24  }
0x3e9: {  	v19 =	vshra.s32 v19, $0xF;
	v58 =	vsel vm0, s0, v55;
	(v2sf) =	vpush v17, $0xA;
	s7 =	sadd.s32 s30, s10;
	s29 =	smulhi.u32 $0x8BCECC31, s28;
	s30 =	sshra.s32 s28, $0x1F  }
0x3ea: {  	vm9 =	vlt.s32 v1, $0x0;
	v6 =	vadd.s32 v56, v57;
	v12 =	vsel vm1, s5, v58;
	s3 =	ssub.s32 s12, s31;
	s12 =	spop (v2sf);
	s31 =	smul.u32 $0x8BCECC31, s30  }
0x3eb: {  	v60 =	vadd.s32 $0x222E0, v1;
	v32 =	vsel vm2, s8, v12;
	(v2sf) =	vpush v17, $0xB;
	s8 =	sadd.s32 s21, s3;
	s20 =	smulhi.u32 $0x8BCECC31, s12;
	s21 =	sshra.s32 s12, $0x1F  }
0x3ec: {  	v55 =	vsel vm8, v24, v14;
	v14 =	vperm.xlane v62, v9;
	v24 =	vperm.xlane v47, v10;
	s0 =	ssub.s32 s23, s15;
	s23 =	smul.u32 $0x8BCECC31, s21;
	s24 =	spop (v2sf)  }
0x3ed: {  	v62 =	vcombine.low v51, v35;
	v63 =	vadd.s32 v59, v19;
	(v2sf) =	vpush v17, $0x0;
	s10 =	sadd.s32 s26, s0;
	s26 =	smulhi.u32 $0x1DF5959F, s24;
	s11 =	sshra.s32 s24, $0x1F  }
0x3ee: {  	v59 =	vshrl.u32 v2, $0x1F;
	v2 =	vshra.s32 v2, $0xF;
	v6 =	vmul.u32 $0x222E0, v6;
	s5 =	ssub.s32 s29, s28;
	s29 =	spop (v2sf);
	s28 =	smul.u32 $0x1DF5959F, s11  }
0x3ef: {  	v58 =	vperm.xlane v8, v10;
	v2 =	vadd.s32 v59, v2;
	(v2sf) =	vpush v17, $0x1;
	s11 =	sadd.s32 s31, s5;
	s30 =	smulhi.u32 $0x1DF5959F, s29;
	s31 =	sshra.s32 s29, $0x1F  }
0x3f0: {  	v0 =	vmul.u32 $0xEA61, v63;
	v12 =	vsel vm9, v60, v1;
	v3 =	vadd.s32 $0x3, v17;
	s3 =	ssub.s32 s20, s12;
	s12 =	spop (v2sf);
	s17 =	smul.u32 $0x1DF5959F, s31  }
0x3f1: {  	v61 =	vmul.u32 $0xEA61, v2;
	v63 =	vsub.s32 v23, v6;
	(v2sf) =	vpush v17, $0x2;
	s20 =	smulhi.u32 $0x1DF5959F, s12;
	s21 =	sshra.s32 s12, $0x1F  }
0x3f2: {  	v50 =	vmov s1;
	v6 =	vshra.s32 v55, $0xE;
	v5 =	vsel vm8, v58, v5;
	s5 =	sadd.s32 s23, s3;
	s15 =	smul.u32 $0x1DF5959F, s21;
	s23 =	spop (v2sf)  }
0x3f3: {  	v0 =	vsub.s32 v22, v0;
	vm10 =	vlt.s32 v63, $0x0;
	(v2sf) =	vpush v17, $0x3;
	s24 =	smulhi.u32 $0x1DF5959F, s23;
	s16 =	sshra.s32 s23, $0x1F  }
0x3f4: {  	v23 =	vadd.s32 $0x222E0, v63;
	v22 =	vsel vm0, s2, v50;
	s0 =	sadd.s32 s28, s26;
	s26 =	spop (v2sf);
	(v2sf) =	vpush v17, $0x4;
	s16 =	smul.u32 $0x1DF5959F, s16  }
0x3f5: {  	v5 =	vadd.s32 v27, v5;
	vm9 =	vlt.s32 v0, $0x0;
	v1 =	vsub.s32 v26, v61;
	s1 =	sadd.s32 s17, s30;
	s29 =	smulhi.u32 $0x1DF5959F, s26;
	s17 =	sshra.s32 s26, $0x1F  }
0x3f6: {  	v26 =	vadd.s32 $0xEA61, v0;
	v56 =	vsel vm1, s4, v22;
	s31 =	spop (v2sf);
	(v2sf) =	vpush v17, $0x5;
	s30 =	smul.u32 $0x1DF5959F, s17  }
0x3f7: {  	v61 =	vshrl.u32 v5, $0x1F;
	v5 =	vshra.s32 v5, $0xF;
	v22 =	vperm.xlane v44, v9;
	s2 =	sadd.s32 s15, s20;
	s12 =	smulhi.u32 $0x1DF5959F, s31;
	s15 =	sshra.s32 s31, $0x1F  }
0x3f8: {  	v19 =	vsel vm9, v26, v0;
	v54 =	vmov s13;
	s20 =	spop (v2sf);
	(v2sf) =	vpush v17, $0x6;
	s15 =	smul.u32 $0x1DF5959F, s15  }
0x3f9: {  	v0 =	vsel vm10, v23, v63;
	vm9 =	vlt.s32 v1, $0x0;
	v23 =	vnsel vm3, $0x0, v54;
	s4 =	sadd.s32 s16, s24;
	s21 =	smulhi.u32 $0x1DF5959F, s20;
	s16 =	sshra.s32 s20, $0x1F  }
0x3fa: {  	v43 =	vadd.s32 $0xEA61, v1;
	v23 =	vsel vm0, s6, v23;
	s28 =	sshrl.u32 s1, $0x1F;
	s24 =	spop (v2sf);
	(v2sf) =	vpush v17, $0x7;
	s23 =	smul.u32 $0x1DF5959F, s16  }
0x3fb: {  	v8 =	vsel vm2, s14, v56;
	v57 =	vsel vm1, s9, v23;
	v60 =	vmov s28;
	s26 =	smulhi.u32 $0x1DF5959F, s24;
	s28 =	sshra.s32 s24, $0x1F  }
0x3fc: {  	v5 =	vadd.s32 v61, v5;
	v63 =	vperm.xlane v4, v9;
	v59 =	vsel vm2, s7, v57;
	s7 =	sadd.s32 s30, s29;
	s30 =	spop (v2sf);
	s29 =	smul.u32 $0x1DF5959F, s28  }
0x3fd: {  	v2 =	vsel vm9, v43, v1;
	v1 =	vsel vm8, v49, v48;
	v5 =	vmul.u32 $0xEA61, v5;
	s13 =	sshrl.u32 s0, $0x1F;
	s31 =	smulhi.u32 $0x1DF5959F, s30;
	s17 =	sshra.s32 s30, $0x1F  }
0x3fe: {  	v48 =	vperm.xlane v42, v10;
	v8 =	vcombine.low v8, v32;
	v1 =	vadd.s32 v1, v6;
	s16 =	sadd.s32 s15, s12;
	s12 =	smul.u32 $0x1DF5959F, s17;
	s18 =	spop (v2sf)  }
0x3ff: {  	v26 =	vsel vm8, v24, v14;
	v1 =	vmul.u32 $0x222E0, v1;
	s9 =	sshrl.u32 s2, $0x1F;
	(v2sf) =	vpush v3, $0xD;
	s19 =	smulhi.u32 $0x1DF5959F, s18;
	s17 =	sshra.s32 s18, $0x1F  }
0x400: {  	v5 =	vsub.s32 v27, v5;
	v50 =	vsel vm8, v48, v22;
	v8 =	vperm.xlane v8, v9;
	s21 =	sadd.s32 s23, s21;
	s24 =	spop (v2sf);
	s23 =	smul.u32 $0x1DF5959F, s17  }
0x401: {  	vm10 =	vlt.s32 v5, $0x0;
	v46 =	vadd.s32 $0xEA61, v5;
	s20 =	sadd.s32 s29, s26;
	(v2sf) =	vpush v3, $0xC;
	s26 =	smulhi.u32 $0x1DF5959F, s24;
	s28 =	sshra.s32 s24, $0x1F  }
0x402: {  	v1 =	vsub.s32 v25, v1;
	v25 =	vsel vm8, v13, v63;
	v6 =	vsel vm4, s8, v59;
	s15 =	sadd.s32 s12, s31;
	s30 =	smul.u32 $0x1DF5959F, s28;
	s31 =	spop (v2sf)  }
0x403: {  	v5 =	vsel vm10, v46, v5;
	v6 =	vsel vm5, s10, v6;
	s14 =	sshrl.u32 s4, $0x1F;
	(v2sf) =	vpush v3, $0xE;
	s12 =	smulhi.u32 $0x1DF5959F, s31;
	s24 =	spop (v2sf)  }
0x404: {  	v63 =	vperm.xlane v21, v10;
	vm9 =	vlt.s32 v1, $0x0;
	v6 =	vsel vm6, s11, v6;
	s11 =	sadd.s32 s30, s26;
	s26 =	smulhi.u32 $0x1DF5959F, s24;
	s28 =	sshra.s32 s24, $0x1F  }
0x405: {  	v43 =	vadd.s32 $0x222E0, v1;
	v15 =	vsel vm7, s5, v6;
	s18 =	sshra.s32 s31, $0x1F;
	s31 =	spop (v2sf);
	(v2sf) =	vpush v3, $0xF;
	s30 =	smul.u32 $0x1DF5959F, s28  }
0x406: {  	v15 =	vperm.xlane v15, v10;
	v56 =	vmov s1;
	v7 =	vsel vm0, s13, v60;
	s6 =	sshrl.u32 s7, $0x1F;
	s29 =	sshrl.u32 s15, $0x1F;
	s13 =	sadd.s32 s23, s19  }
0x407: {  	v57 =	vsel vm0, s0, v56;
	v7 =	vsel vm1, s9, v7;
	s23 =	smul.u32 $0x1DF5959F, s18;
	s8 =	sadd.s32 s30, s26;
	s26 =	spop (v2sf);
	(v2sf) =	vpush v3, $0x9  }
0x408: {  	v8 =	vsel vm8, v15, v8;
	v4 =	vsel vm2, s14, v7;
	s10 =	sshrl.u32 s16, $0x1F;
	v33 =	vmov s29;
	s19 =	sshrl.u32 s13, $0x1F;
	s14 =	sshra.s32 s31, $0x1F  }
0x409: {  	v27 =	vmov s10;
	v14 =	vnsel vm3, $0x0, v33;
	s10 =	sadd.s32 s23, s12;
	s12 =	smulhi.u32 $0x1DF5959F, s31;
	s31 =	spop (v2sf);
	(v2sf) =	vpush v3, $0x8  }
0x40a: {  	v60 =	vcombine.low v53, v52;
	v7 =	vshra.s32 v26, $0xE;
	s9 =	sshrl.u32 s21, $0x1F;
	v38 =	vsel vm0, s19, v14;
	s29 =	sshrl.u32 s11, $0x1F;
	s19 =	smul.u32 $0x1DF5959F, s14  }
0x40b: {  	v8 =	vadd.s32 v18, v8;
	v6 =	vadd.s32 v25, v7;
	s23 =	sshrl.u32 s20, $0x1F;
	s28 =	smulhi.u32 $0x1DF5959F, s26;
	s14 =	sshra.s32 s26, $0x1F;
	(v2sf) =	vpush v3, $0xA  }
0x40c: {  	v26 =	vperm.xlane v62, v9;
	v58 =	vmov s16;
	v6 =	vmul.u32 $0x222E0, v6;
	s18 =	sshrl.u32 s10, $0x1F;
	s24 =	sshrl.u32 s8, $0x1F;
	s30 =	smul.u32 $0x1DF5959F, s14  }
0x40d: {  	v34 =	vsel vm0, s6, v27;
	v13 =	vsel vm1, s29, v38;
	s6 =	sadd.s32 s19, s12;
	s12 =	smulhi.u32 $0x1DF5959F, s31;
	s14 =	sshra.s32 s31, $0x1F;
	(v2sf) =	vpush v3, $0xB  }
0x40e: {  	v7 =	vsel vm1, s9, v34;
	v6 =	vsub.s32 v28, v6;
	v47 =	vsel vm2, s18, v13;
	s29 =	sshrl.u32 s6, $0x1F;
	s14 =	smul.u32 $0x1DF5959F, s14;
	s18 =	spop (v2sf)  }
0x40f: {  	v14 =	vadd.s32 v30, v50;
	v13 =	vsel vm2, s23, v7;
	s9 =	sadd.s32 s30, s28;
	(v2sf) =	vpush v3, $0x1;
	s19 =	smulhi.u32 $0x8BCECC31, s18;
	s23 =	sshra.s32 s18, $0x1F  }
0x410: {  	v34 =	vperm.xlane v40, v10;
	v55 =	vshrl.u32 v14, $0x1F;
	v24 =	vsel vm4, s24, v47;
	s14 =	sadd.s32 s14, s12;
	s26 =	spop (v2sf);
	s24 =	smul.u32 $0x8BCECC31, s23  }
0x411: {  	v14 =	vshra.s32 v14, $0xF;
	v49 =	vsel vm5, s29, v24;
	s3 =	sshrl.u32 s9, $0x1F;
	(v2sf) =	vpush v3, $0x0;
	s28 =	smulhi.u32 $0x8BCECC31, s26;
	s29 =	sshra.s32 s26, $0x1F  }
0x412: {  	v61 =	vld [tilespmem:$0x1FF20];
	v23 =	vadd.s32 v55, v14;
	v7 =	vsel vm9, v43, v1;
	v1 =	vsel vm6, s3, v49;
	s17 =	sshrl.u32 s14, $0x1F;
	s30 =	spop (v2sf);
	s5 =	smul.u32 $0x8BCECC31, s29  }
0x413: {  	v14 =	vsel vm7, s17, v1;
	v1 =	vsel vm1, s2, v57;
	(v2sf) =	vpush v3, $0x2;
	s0 =	ssub.s32 s19, s18;
	s31 =	smulhi.u32 $0x8BCECC31, s30;
	s12 =	sshra.s32 s30, $0x1F  }
0x414: {  	v59 =	vld [tilespmem:$0x1FF80];
	v54 =	vadd.s32 $0x222E0, v6;
	v22 =	vsel vm2, s4, v1;
	v1 =	vsel vm0, s7, v58;
	s0 =	sadd.s32 s24, s0;
	s17 =	smul.u32 $0x8BCECC31, s12;
	s19 =	spop (v2sf)  }
0x415: {  	v44 =	vld [tilespmem:$0x1FF30];
	v40 =	vsel vm8, v34, v26;
	v1 =	vsel vm1, s21, v1;
	(v2sf) =	vpush v3, $0x3;
	s3 =	ssub.s32 s28, s26;
	s21 =	smulhi.u32 $0x8BCECC31, s19;
	s23 =	sshra.s32 s19, $0x1F  }
0x416: {  	[tilespmem:s22+$0x5100] =	vst v39;
	v38 =	vmov s15;
	v23 =	vmul.u32 $0xEA61, v23;
	vm9 =	vlt.s32 v6, $0x0;
	s4 =	sadd.s32 s5, s3;
	s24 =	smul.u32 $0x8BCECC31, s23;
	s26 =	spop (v2sf)  }
0x417: {  	[tilespmem:s22+$0x6D00] =	vst v20;
	v6 =	vsel vm9, v54, v6;
	vm9 =	vlt.s32 v61, $0x7530;
	s1 =	ssub.s32 s31, s30;
	(v2sf) =	vpush v3, $0x4;
	s28 =	smulhi.u32 $0x8BCECC31, s26;
	s29 =	sshra.s32 s26, $0x1F  }
0x418: {  	[tilespmem:s22+$0x5110] =	vst v36;
	v23 =	vsub.s32 v30, v23;
	v25 =	vnsel vm9, $0x0, v61;
	v24 =	vperm.xlane v60, v9;
	s1 =	sadd.s32 s17, s1;
	s30 =	spop (v2sf);
	s15 =	smul.u32 $0x8BCECC31, s29  }
0x419: {  	[tilespmem:s22+$0x6D10] =	vst v37;
	v33 =	vsel vm9, v59, v45;
	v43 =	vsel vm9, v45, v59;
	s31 =	ssub.s32 s21, s19;
	(v2sf) =	vpush v3, $0x5;
	s12 =	smulhi.u32 $0x8BCECC31, s30;
	s19 =	sshra.s32 s30, $0x1F  }
0x41a: {  	v35 =	vld [tilespmem:$0x1FF90];
	[tilespmem:s22+$0x5120] =	vst v12;
	vm9 =	vlt.s32 v44, $0x7530;
	vm10 =	vlt.s32 v23, $0x0;
	v21 =	vsel vm2, s20, v1;
	s2 =	sadd.s32 s24, s31;
	s21 =	spop (v2sf);
	s20 =	smul.u32 $0x8BCECC31, s19  }
0x41b: {  	[tilespmem:s22+$0x1900] =	vst v25;
	v25 =	vnsel vm3, $0x0, v38;
	v24 =	vsel vm8, v63, v24;
	(v2sf) =	vpush v3, $0x6;
	s5 =	ssub.s32 s28, s26;
	s23 =	smulhi.u32 $0x8BCECC31, s21;
	s24 =	sshra.s32 s21, $0x1F  }
0x41c: {  	[tilespmem:s22+$0x6D20] =	vst v19;
	v53 =	vadd.s32 $0xEA61, v23;
	v42 =	vsel vm0, s13, v25;
	v24 =	vshra.s32 v24, $0xE;
	s28 =	spop (v2sf);
	s7 =	sadd.s32 s15, s5;
	s26 =	smul.u32 $0x8BCECC31, s24  }
0x41d: {  	[tilespmem:s22+$0x5130] =	vst v0;
	v49 =	vld [tilespmem:$0x1FF40];
	v1 =	vadd.s32 v40, v24;
	v24 =	vsel vm1, s11, v42;
	(v2sf) =	vpush v3, $0x7;
	s29 =	ssub.s32 s12, s30;
	s30 =	smulhi.u32 $0x8BCECC31, s28;
	s31 =	sshra.s32 s28, $0x1F  }
0x41e: {  	v41 =	vld [tilespmem:$0x1FFA0];
	[tilespmem:s22+$0x6D30] =	vst v2;
	v57 =	vshrl.u32 v8, $0x1F;
	v8 =	vshra.s32 v8, $0xF;
	v50 =	vsel vm2, s10, v24;
	s10 =	sadd.s32 s20, s29;
	s17 =	smul.u32 $0x8BCECC31, s31;
	s12 =	spop (v2sf)  }
0x41f: {  	[tilespmem:s22+$0x6D40] =	vst v5;
	v60 =	vld [tilespmem:$0x1FF50];
	v46 =	vnsel vm9, $0x0, v44;
	v47 =	vsel vm9, v35, v45;
	v8 =	vadd.s32 v57, v8;
	s16 =	ssub.s32 s23, s21;
	s18 =	smulhi.u32 $0x8BCECC31, s12;
	s19 =	sshra.s32 s12, $0x1F  }
0x420: {  	[tilespmem:s22+$0x5140] =	vst v7;
	v48 =	vsel vm9, v45, v35;
	v23 =	vsel vm10, v53, v23;
	v8 =	vmul.u32 $0xEA61, v8;
	s5 =	sadd.s32 s26, s16;
	s20 =	spop (v2sf);
	s16 =	smul.u32 $0x8BCECC31, s19  }
0x421: {  	v54 =	vld [tilespmem:$0x1FFB0];
	[tilespmem:s22+$0x5150] =	vst v6;
	v38 =	vperm.xlane v14, v10;
	v1 =	vmul.u32 $0x222E0, v1;
	v20 =	vsel vm4, s8, v50;
	s21 =	ssub.s32 s30, s28;
	s23 =	smulhi.u32 $0x8BCECC31, s20;
	s24 =	sshra.s32 s20, $0x1F  }
0x422: {  	v27 =	vld [tilespmem:$0x1FF60];
	[tilespmem:s22+$0x3500] =	vst v33;
	vm9 =	vlt.s32 v49, $0x7530;
	v8 =	vsub.s32 v18, v8;
	v20 =	vsel vm5, s6, v20;
	s6 =	sadd.s32 s17, s21;
	s26 =	spop (v2sf);
	s15 =	smul.u32 $0x8BCECC31, s24  }
0x423: {  	[tilespmem:s22+$0x8900] =	vst v43;
	v35 =	vcombine.low v21, v22;
	v51 =	vnsel vm9, $0x0, v49;
	v52 =	vsel vm9, v41, v45;
	s3 =	ssub.s32 s18, s12;
	s28 =	smulhi.u32 $0x8BCECC31, s26;
	s29 =	sshra.s32 s26, $0x1F  }
0x424: {  	v56 =	vld [tilespmem:$0x1FFC0];
	[tilespmem:s22+$0x1910] =	vst v46;
	v59 =	vsel vm9, v45, v41;
	vm9 =	vlt.s32 v60, $0x7530;
	v30 =	vmov s4;
	s30 =	spop (v2sf);
	s3 =	sadd.s32 s16, s3;
	s11 =	smul.u32 $0x8BCECC31, s29  }
0x425: {  	v34 =	vld [tilespmem:$0x1FF70];
	[tilespmem:s22+$0x3510] =	vst v47;
	v1 =	vsub.s32 v31, v1;
	v61 =	vnsel vm9, $0x0, v60;
	v58 =	vsel vm6, s9, v20;
	s8 =	ssub.s32 s23, s20;
	s31 =	smulhi.u32 $0x8BCECC31, s30;
	s12 =	sshra.s32 s30, $0x1F  }
0x426: {  	[tilespmem:s22+$0x8910] =	vst v48;
	v62 =	vsel vm9, v54, v45;
	v63 =	vsel vm9, v45, v54;
	v15 =	vsel vm7, s14, v58;
	s8 =	sadd.s32 s15, s8;
	s14 =	smul.u32 $0x8BCECC31, s12;
	s18 =	spop (v2sf)  }
0x427: {  	[tilespmem:s22+$0x6D50] =	vst v23;
	vm9 =	vlt.s32 v27, $0x7530;
	v31 =	vcombine.low v13, v4;
	v2 =	vperm.xlane v35, v9;
	s19 =	ssub.s32 s28, s26;
	s20 =	smulhi.u32 $0x8BCECC31, s18;
	s21 =	sshra.s32 s18, $0x1F  }
0x428: {  	[tilespmem:s22+$0x1920] =	vst v51;
	v42 =	vsel vm0, s0, v30;
	vm11 =	vlt.s32 v1, $0x0;
	v55 =	vadd.s32 $0x222E0, v1;
	s4 =	sadd.s32 s11, s19;
	s23 =	spop (v2sf);
	s17 =	smul.u32 $0x8BCECC31, s21  }
0x429: {  	[tilespmem:s22+$0x3520] =	vst v52;
	v28 =	vnsel vm9, $0x0, v27;
	v32 =	vsel vm9, v56, v45;
	v36 =	vmov s8;
	s24 =	ssub.s32 s31, s30;
	s26 =	smulhi.u32 $0x8BCECC31, s23;
	s28 =	sshra.s32 s23, $0x1F  }
0x42a: {  	[tilespmem:s22+$0x8920] =	vst v59;
	v33 =	vsel vm9, v45, v56;
	vm9 =	vlt.s32 v34, $0x7530;
	s8 =	sadd.s32 s14, s24;
	v20 =	vnsel vm3, $0x0, v36;
	s29 =	spop (v2sf);
	s16 =	smul.u32 $0x8BCECC31, s28  }
0x42b: {  	v47 =	vld [tilespmem:$0x1FFD0];
	[tilespmem:s22+$0x1930] =	vst v61;
	v43 =	vsel vm1, s1, v42;
	v1 =	vsel vm11, v55, v1;
	v39 =	vsel vm0, s3, v20;
	s30 =	ssub.s32 s20, s18;
	s31 =	smulhi.u32 $0x8BCECC31, s29;
	s12 =	sshra.s32 s29, $0x1F  }
0x42c: {  	[tilespmem:s22+$0x3530] =	vst v62;
	v37 =	vnsel vm9, $0x0, v34;
	v41 =	vmov s10;
	v14 =	vsel vm1, s4, v39;
	s19 =	spop (v2sf);
	s3 =	sadd.s32 s17, s30;
	s18 =	smul.u32 $0x8BCECC31, s12  }
0x42d: {  	[tilespmem:s22+$0x8930] =	vst v63;
	v40 =	vperm.xlane v15, v10;
	v15 =	vsel vm0, s7, v41;
	v14 =	vsel vm2, s8, v14;
	s20 =	ssub.s32 s26, s23;
	s21 =	smulhi.u32 $0x8BCECC31, s19;
	s23 =	sshra.s32 s19, $0x1F  }
0x42e: {  	v50 =	vld [tilespmem:$0x1FFE0];
	v0 =	vperm.xlane v31, v9;
	[tilespmem:s22+$0x1940] =	vst v28;
	v44 =	vsel vm1, s5, v15;
	v14 =	vsel vm4, s3, v14;
	s0 =	sadd.s32 s16, s20;
	s24 =	ssub.s32 s31, s29;
	s26 =	smul.u32 $0x8BCECC31, s23  }
0x42f: {  	[tilespmem:s22+$0x3540] =	vst v32;
	v5 =	vsel vm2, s2, v43;
	v7 =	vsel vm2, s6, v44;
	v46 =	vsel vm5, s0, v14;
	s28 =	sadd.s32 s18, s24;
	s29 =	ssub.s32 s21, s19  }
0x430: {  	[tilespmem:s22+$0x8940] =	vst v33;
	v48 =	vsel vm9, v47, v45;
	v5 =	vcombine.low v7, v5;
	v13 =	vsel vm6, s28, v46;
	s30 =	sadd.s32 s26, s29  }
0x431: {  	v51 =	vsel vm9, v45, v47;
	vm9 =	vlt.s32 v29, $0x7530;
	[tilespmem:s22+$0x1950] =	vst v37;
	v49 =	vsel vm7, s30, v13  }
0x432: {  	[tilespmem:s22+$0x3550] =	vst v48;
	v52 =	vnsel vm9, $0x0, v29;
	v5 =	vperm.xlane v5, v9;
	v4 =	vperm.xlane v49, v10  }
0x433: {  	v57 =	vld [tilespmem:$0x1FFF0];
	[tilespmem:s22+$0x8950] =	vst v51;
	v0 =	vsel vm8, v38, v0;
	v53 =	vsel vm9, v50, v45;
	v2 =	vsel vm8, v40, v2  }
0x434: {  	[tilespmem:s22+$0x5160] =	vst v1;
	v58 =	vsel vm9, v45, v50;
	v2 =	vshra.s32 v2, $0xE;
	v4 =	vsel vm8, v4, v5  }
0x435: {  	[tilespmem:s22+$0x1960] =	vst v52;
	vm9 =	vlt.s32 v16, $0x7530;
	v0 =	vadd.s32 v0, v2;
	v4 =	vadd.s32 v3, v4  }
0x436: {  	[tilespmem:s22+$0x3560] =	vst v53;
	v0 =	vmul.u32 $0x222E0, v0;
	v55 =	vshrl.u32 v4, $0x1F;
	v4 =	vshra.s32 v4, $0xF  }
0x437: {  	vm10 =	vlt.s32 v8, $0x0;
	[tilespmem:s22+$0x8960] =	vst v58;
	v59 =	vnsel vm9, $0x0, v16;
	s31 =	rddreg [dreg:$0xd];
	v56 =	vadd.s32 v55, v4  }
0x438: {  	v61 =	vsel vm9, v57, v45;
	[tilespmem:s22+$0x1970] =	vst v59;
	v0 =	vsub.s32 v17, v0;
	p0 =	sne.s32 s31, $0x6200;
	v1 =	vmul.u32 $0xEA61, v56  }
.Ltmp0:
0x439: {  	v54 =	vadd.s32 $0xEA61, v8;
	v63 =	vsel vm9, v45, v57;
	[tilespmem:s22+$0x3570] =	vst v61;
	v60 =	vadd.s32 $0x222E0, v0;
	(pc) =	sbr.rel @p0 .LBB2_2-.Ltmp0, $4  }
0x43a: {  	[tilespmem:s22+$0x8970] =	vst v63;
	v5 =	vsel vm10, v54, v8;
	vm10 =	vlt.s32 v0, $0x0;
	v1 =	vsub.s32 v3, v1  }
0x43b: {  	[tilespmem:s22+$0x6D60] =	vst v5;
	v0 =	vsel vm10, v60, v0;
	vm10 =	vlt.s32 v1, $0x0;
	v62 =	vadd.s32 $0xEA61, v1  }
0x43c: {  	[tilespmem:s22+$0x5170] =	vst v0;
	v1 =	vsel vm10, v62, v1  }
0x43d: {  	s0 =	sadd.s32 $0x200, s31;
	[tilespmem:s22+$0x6D70] =	vst v1  }
0x43e: {  	s0 =	simm.s32 $0x0;
	s1 =	simm.s32 $0x200  }
.LBB2_4:
0x43f: {  	p0 =	sne.s32 s1, $0xFE00;
	[tilespmem:s0+$0xA570] =	vst v11  }
0x440: {  	[tilespmem:s0+$0xA500] =	vst v11  }
0x441: {  	[tilespmem:s0+$0xA510] =	vst v11  }
.Ltmp1:
0x442: {  	[tilespmem:s0+$0xA520] =	vst v11;
	(pc) =	sbr.rel @p0 .LBB2_4-.Ltmp1, $4  }
0x443: {  	[tilespmem:s0+$0xA530] =	vst v11  }
0x444: {  	[tilespmem:s0+$0xA540] =	vst v11  }
0x445: {  	[tilespmem:s0+$0xA550] =	vst v11  }
0x446: {  	[tilespmem:s0+$0xA560] =	vst v11;
	s0 =	sshra.s32 s1, $0x2;
	s1 =	sadd.s32 $0x200, s1  }
0x447: {  	[tilespmem:s0+$0xA570] =	vst v11  }
0x448: {  	[tilespmem:s0+$0xA500] =	vst v11  }
0x449: {  	[tilespmem:s0+$0xA510] =	vst v11  }
0x44a: {  	[tilespmem:s0+$0xA520] =	vst v11  }
0x44b: {  	[tilespmem:s0+$0xA530] =	vst v11  }
0x44c: {  	[tilespmem:s0+$0xA540] =	vst v11  }
0x44d: {  	[tilespmem:s0+$0xA550] =	vst v11  }
0x44e: {  	[tilespmem:s0+$0xA560] =	vst v11;
	s10 =	rddreg [dreg:$0x8];
	s9 =	simm.s32 $0xA500  }
0x44f: {  	[spmem:s10] =	stream.linear.scatter [tilespmem:s9], [sflag:$0x4], $0x4000, $0x38;
	[tilespmem:$0x1A580] =	vst v63  }
0x450: {  	_ =	swait.ge [sflag:s25], $0x4000  }
0x451: {  	[sflag:s25] =	ssyncset.done $0x0  }
0x452: {  	s24 =	rddreg [dreg:$0x9];
	[sflag:s25] =	ssyncadd.s32 $0xFFFFC000  }
0x453: {  	[spmem:s24] =	stream.linear.scatter [tilespmem:s9], [sflag:$0x4], $0x80, $0x38;
	[tilespmem:$0x1A580] =	vst v63  }
0x454: {  	_ =	swait.ge [sflag:s25], $0x80  }
0x455: {  	[sflag:s25] =	ssyncset.done $0x0  }
0x456: {  	s26 =	simm.s32 $0x1900;
	[sflag:s25] =	ssyncadd.s32 $0xFFFFFF80  }
0x457: {  	s17 =	simm.s32 $0x80;
	s28 =	simm.s32 $0x5100;
	s5 =	rddreg [dreg:$0x1]  }
0x458: {  	[tilespmem:s9], [sflag:$0x1] =	stream.indirect.gather [hbm4b:s5+s17], $0x80, s26, s17, $0xb8;
	[tilespmem:$0x1A580] =	vst v63  }
0x459: {  	s11 =	simm.s32 $0xE500;
	s29 =	simm.s32 $0x6D00;
	s6 =	rddreg [dreg:$0x2]  }
0x45a: {  	[tilespmem:s11], [sflag:$0x2] =	stream.indirect.gather [hbm4b:s6+s17], $0x80, s28, s17, $0xb8;
	[tilespmem:$0x1A580] =	vst v63  }
0x45b: {  	s13 =	simm.s32 $0x12500;
	s14 =	simm.s32 $0x1;
	s7 =	rddreg [dreg:$0x3]  }
0x45c: {  	[tilespmem:s13], [sflag:$0x3] =	stream.indirect.gather [hbm4b:s7+s17], $0x80, s29, s17, $0xb8;
	[tilespmem:$0x1A580] =	vst v63  }
0x45d: {  	_ =	swait.ge [sflag:s14], $0x4000  }
0x45e: {  	[sflag:s14] =	ssyncset.done $0x0  }
0x45f: {  	s15 =	simm.s32 $0x2;
	[sflag:s14] =	ssyncadd.s32 $0xFFFFC000  }
0x460: {  	_ =	swait.ge [sflag:s15], $0x4000  }
0x461: {  	[sflag:s15] =	ssyncset.done $0x0  }
0x462: {  	s16 =	simm.s32 $0x3;
	[sflag:s15] =	ssyncadd.s32 $0xFFFFC000  }
0x463: {  	_ =	swait.ge [sflag:s16], $0x4000  }
0x464: {  	[sflag:s16] =	ssyncset.done $0x0  }
0x465: {  	[sflag:s16] =	ssyncadd.s32 $0xFFFFC000  }
0x466: {  	s30 =	simm.s32 $0x3500;
	s8 =	rddreg [dreg:$0x5]  }
0x467: {  	[spmem:s8] =	stream.indirect.scatter.add.f32 [tilespmem:s9], [sflag:$0x4], $0x80, s30, s17, $0xb8;
	[tilespmem:$0x1A580] =	vst v63  }
0x468: {  	_ =	swait.ge [sflag:s25], $0x4000  }
0x469: {  	[sflag:s25] =	ssyncset.done $0x0  }
0x46a: {  	s31 =	simm.s32 $0x8900;
	[sflag:s25] =	ssyncadd.s32 $0xFFFFC000  }
0x46b: {  	[spmem:s8] =	stream.indirect.scatter.add.f32 [tilespmem:s11], [sflag:$0x4], $0x80, s31, s17, $0xb8;
	[tilespmem:$0x1A580] =	vst v63  }
0x46c: {  	_ =	swait.ge [sflag:s25], $0x4000  }
0x46d: {  	[sflag:s25] =	ssyncset.done $0x0  }
0x46e: {  	[sflag:s25] =	ssyncadd.s32 $0xFFFFC000  }
0x46f: {  	[spmem:s8] =	stream.indirect.scatter.add.f32 [tilespmem:s13], [sflag:$0x4], $0x80, s31, s17, $0xb8;
	[tilespmem:$0x1A580] =	vst v63  }
0x470: {  	_ =	swait.ge [sflag:s25], $0x4000  }
0x471: {  	s1 =	simm.s32 $0x400;
	s0 =	simm.s32 $0x80;
	[sflag:s25] =	ssyncset.done $0x0  }
.LBB2_6:
0x472: {  	s2 =	sadd.s32 $0x1900, s0  }
0x473: {  	[sflag:s25] =	ssyncadd.s32 $0xFFFFC000;
	s3 =	smov.u32 s1;
	s4 =	sadd.s32 $0x200, s1  }
0x474: {  	[tilespmem:s9], [sflag:$0x1] =	stream.indirect.gather [hbm4b:s5+s17], $0x80, s2, s17, $0xb8;
	[tilespmem:$0x1A580] =	vst v63  }
0x475: {  	p0 =	sne.s32 s1, $0x6200;
	s1 =	sadd.s32 $0x5100, s0  }
0x476: {  	[tilespmem:s11], [sflag:$0x2] =	stream.indirect.gather [hbm4b:s6+s17], $0x80, s1, s17, $0xb8;
	[tilespmem:$0x1A580] =	vst v63  }
0x477: {  	s1 =	sadd.s32 $0x6D00, s0  }
0x478: {  	[tilespmem:s13], [sflag:$0x3] =	stream.indirect.gather [hbm4b:s7+s17], $0x80, s1, s17, $0xb8;
	[tilespmem:$0x1A580] =	vst v63  }
0x479: {  	_ =	swait.ge [sflag:s14], $0x4000  }
0x47a: {  	[sflag:s14] =	ssyncset.done $0x0  }
0x47b: {  	[sflag:s14] =	ssyncadd.s32 $0xFFFFC000  }
0x47c: {  	_ =	swait.ge [sflag:s15], $0x4000  }
0x47d: {  	[sflag:s15] =	ssyncset.done $0x0  }
0x47e: {  	[sflag:s15] =	ssyncadd.s32 $0xFFFFC000  }
0x47f: {  	_ =	swait.ge [sflag:s16], $0x4000  }
0x480: {  	[sflag:s16] =	ssyncset.done $0x0  }
0x481: {  	s1 =	sadd.s32 $0x3500, s0;
	[sflag:s16] =	ssyncadd.s32 $0xFFFFC000  }
0x482: {  	[spmem:s8] =	stream.indirect.scatter.add.f32 [tilespmem:s9], [sflag:$0x4], $0x80, s1, s17, $0xb8;
	[tilespmem:$0x1A580] =	vst v63  }
0x483: {  	_ =	swait.ge [sflag:s25], $0x4000  }
0x484: {  	[sflag:s25] =	ssyncset.done $0x0  }
0x485: {  	s0 =	sadd.s32 $0x8900, s0;
	[sflag:s25] =	ssyncadd.s32 $0xFFFFC000  }
0x486: {  	[spmem:s8] =	stream.indirect.scatter.add.f32 [tilespmem:s11], [sflag:$0x4], $0x80, s0, s17, $0xb8;
	[tilespmem:$0x1A580] =	vst v63  }
0x487: {  	_ =	swait.ge [sflag:s25], $0x4000  }
.Ltmp2:
0x488: {  	[sflag:s25] =	ssyncset.done $0x0;
	(pc) =	sbr.rel @p0 .LBB2_6-.Ltmp2, $4  }
0x489: {  	[sflag:s25] =	ssyncadd.s32 $0xFFFFC000  }
0x48a: {  	[spmem:s8] =	stream.indirect.scatter.add.f32 [tilespmem:s13], [sflag:$0x4], $0x80, s0, s17, $0xb8;
	[tilespmem:$0x1A580] =	vst v63  }
0x48b: {  	_ =	swait.ge [sflag:s25], $0x4000  }
0x48c: {  	s1 =	smov.u32 s4;
	s0 =	sshra.s32 s3, $0x2;
	[sflag:s25] =	ssyncset.done $0x0  }
0x48d: {  	s1 =	sadd.s32 $0x1900, s0;
	[sflag:s25] =	ssyncadd.s32 $0xFFFFC000  }
0x48e: {  	[tilespmem:s9], [sflag:$0x1] =	stream.indirect.gather [hbm4b:s5+s17], $0x80, s1, s17, $0xb8;
	[tilespmem:$0x1A580] =	vst v63  }
0x48f: {  	s22 =	sadd.s32 $0x5100, s0  }
0x490: {  	[tilespmem:s11], [sflag:$0x2] =	stream.indirect.gather [hbm4b:s6+s17], $0x80, s22, s17, $0xb8;
	[tilespmem:$0x1A580] =	vst v63  }
0x491: {  	s23 =	sadd.s32 $0x6D00, s0  }
0x492: {  	[tilespmem:s13], [sflag:$0x3] =	stream.indirect.gather [hbm4b:s7+s17], $0x80, s23, s17, $0xb8;
	[tilespmem:$0x1A580] =	vst v63  }
0x493: {  	_ =	swait.ge [sflag:s14], $0x4000  }
0x494: {  	[sflag:s14] =	ssyncset.done $0x0  }
0x495: {  	[sflag:s14] =	ssyncadd.s32 $0xFFFFC000  }
0x496: {  	_ =	swait.ge [sflag:s15], $0x4000  }
0x497: {  	[sflag:s15] =	ssyncset.done $0x0  }
0x498: {  	[sflag:s15] =	ssyncadd.s32 $0xFFFFC000  }
0x499: {  	_ =	swait.ge [sflag:s16], $0x4000  }
0x49a: {  	[sflag:s16] =	ssyncset.done $0x0  }
0x49b: {  	s24 =	sadd.s32 $0x3500, s0;
	[sflag:s16] =	ssyncadd.s32 $0xFFFFC000  }
0x49c: {  	[spmem:s8] =	stream.indirect.scatter.add.f32 [tilespmem:s9], [sflag:$0x4], $0x80, s24, s17, $0xb8;
	[tilespmem:$0x1A580] =	vst v63  }
0x49d: {  	_ =	swait.ge [sflag:s25], $0x4000  }
0x49e: {  	[sflag:s25] =	ssyncset.done $0x0  }
0x49f: {  	s26 =	sadd.s32 $0x8900, s0;
	[sflag:s25] =	ssyncadd.s32 $0xFFFFC000  }
0x4a0: {  	[spmem:s8] =	stream.indirect.scatter.add.f32 [tilespmem:s11], [sflag:$0x4], $0x80, s26, s17, $0xb8;
	[tilespmem:$0x1A580] =	vst v63  }
0x4a1: {  	_ =	swait.ge [sflag:s25], $0x4000  }
0x4a2: {  	[sflag:s25] =	ssyncset.done $0x0  }
0x4a3: {  	[sflag:s25] =	ssyncadd.s32 $0xFFFFC000  }
0x4a4: {  	[spmem:s8] =	stream.indirect.scatter.add.f32 [tilespmem:s13], [sflag:$0x4], $0x80, s26, s17, $0xb8;
	[tilespmem:$0x1A580] =	vst v63  }
0x4a5: {  	s28 =	stileid.u32;
	_ =	swait.ge [sflag:s25], $0x4000  }
0x4a6: {  	s29 =	sshrl.u32 s10, $0x3;
	s0 =	sshll.u32 s28, $0x6;
	[sflag:s25] =	ssyncset.done $0x0  }
0x4a7: {  	s0 =	sor.u32 $0x1C04, s0;
	s2 =	rddreg [dreg:$0xa];
	[sflag:s25] =	ssyncadd.s32 $0xFFFFC000  }
0x4a8: {  	[hbm:s2], [sflag:s0] =	dma.local [spmem:s29], $0x800  }
0x4a9: {  	_ =	swait.ge [sflag:s25], $0x800  }
0x4aa: {  	s30 =	rddreg [dreg:$0xc]  }
0x4ab: {  	s31 =	rddreg [dreg:$0xb];
	s1 =	sadd.s32 $0x1, s30  }
0x4ac: {  	p0 =	sne.s32 s1, s31  }
.Ltmp3:
0x4ad: {  	_ = 	snop;
	(pc) =	sbr.rel @p0 .LBB2_1-.Ltmp3, $3  }
0x4ae: {  	_ =	sdelay $0x1  }
0x4af: {  	[sflag:s25] =	ssyncset.done $0x0  }
0x4b0: {  	[sflag:s25] =	ssyncadd.s32 $0xFFFFF800  }
0x4b1: {  	_ =	sfence.sel $0x180000  }
0x4b2: {  	[bflag:$0x0] =	sbarrier.arrive $0xFFFF  }
0x4b3: {  	_ =	strace $0x90000047  }
0x4b4: {  	s0 =	stileid.u32;
	[bflag:$0x2] =	sbarrier.arrive $0xFFFF  }
0x4b5: {  	p0 =	sne.s32 s0, $0x0;
	s0 =	rddreg [dreg:$0x6]  }
0x4b6: {  	s0 =	sadd.s32 @!p0 $0x100000, s0  }
0x4b7: {  	[sflag:s0] =	ssyncadd.tile.s32 @!p0 $0x1;
	_ =	shalt  }
.Lfunc_end2:
_tile_overlayer_lowered:
.L_overlay_start_2:
0x4b8: {  	(tag) =	ssettag $0x2  }
0x4b9: {  	s0 =	rddreg [dreg:$0x0];
	s2 =	stileid.u32  }
0x4ba: {  	s1 =	rddreg [dreg:$0x1];
	p0 =	sne.s32 s2, $0x0  }
0x4bb: {  	s3 =	rddreg [dreg:$0x2];
	[bflag:$0x3] =	sbarrier.arrive $0xFFFF;
	s2 =	simm.s32 @!p0 $0x1C04  }
0x4bc: {  	[timem:s3], [sflag:s2] =	dma.local @!p0 [hbm:s0], s1  }
0x4bd: {  	s0 =	simm.s32 @!p0 $0x4  }
0x4be: {  	_ =	swait.ge @!p0 [sflag:s0], s1  }
0x4bf: {  	s1 =	ssub.s32 @!p0 $0x0, s1;
	[sflag:s0] =	ssyncset.done @!p0 $0x0  }
0x4c0: {  	[sflag:s0] =	ssyncadd.s32 @!p0 s1  }
0x4c1: {  	[bflag:$0x3] =	sbarrier.arrive $0xFFFF  }
0x4c2: {  	_ =	shalt  }

</sc_bundles>
